<compile_context>
chip_gen: v7x
topology: tpu7x:2x2x1
jax: 0.10.2.dev20260603
libtpu: 0.0.44.dev20260713+nightly
codegen_flags: <defaults>
</compile_context>

<pallas_src>
import functools

import jax
import jax.numpy as jnp
import numpy as np
from jax import lax
from jax.experimental import pallas as pl
from jax.experimental.pallas import tpu as pltpu, tpu_sc as plsc

_N = 10000
_D = 128
_G = 128
_OUT = 10

_CH = 128
_NCHUNK = 80
_EPT = _CH * _NCHUNK
_NW = 32
_EPAD = _EPT * _NW
_NACC = 10240
_ZROWS = _NACC // 16
_HC = _NCHUNK // 2
_NROW = _EPAD // _CH
_E = 320000
_DK = 5
_DR = _NROW // _DK
_DE = _DR * _CH

def _agg_body(table_hbm, src_hbm, dst_hbm, zeros_hbm, out_hbm,
              src_v, dst_v, rows0_v, rows1_v, acc_sh, sem0, sem1, semz):
    c = lax.axis_index("c")
    s = lax.axis_index("s")
    wid = s * 2 + c
    pltpu.async_copy(zeros_hbm.at[pl.ds(s * _ZROWS, _ZROWS)],
                     acc_sh.at[pl.ds(s * _ZROWS, _ZROWS)], semz)

    for half in range(2):
        roff = wid * _NCHUNK + half * _HC
        pltpu.sync_copy(src_hbm.at[pl.ds(roff, _HC)], src_v)
        pltpu.sync_copy(dst_hbm.at[pl.ds(roff, _HC)], dst_v)
        pltpu.async_copy(table_hbm.at[src_v.at[0]], rows0_v, sem0)
        pltpu.async_copy(table_hbm.at[src_v.at[1]], rows1_v, sem1)
        if half == 0:
            pltpu.make_async_copy(
                zeros_hbm.at[pl.ds(s * _ZROWS, _ZROWS)],
                acc_sh.at[pl.ds(s * _ZROWS, _ZROWS)], semz).wait()
            plsc.subcore_barrier()

        def body(i, carry):
            j0 = i * 2
            pltpu.make_async_copy(table_hbm.at[src_v.at[j0]], rows0_v, sem0).wait()
            pltpu.sync_copy(rows0_v, acc_sh.at[dst_v.at[j0]], add=True)
            pltpu.async_copy(table_hbm.at[src_v.at[j0 + 2]], rows0_v, sem0)
            pltpu.make_async_copy(table_hbm.at[src_v.at[j0 + 1]], rows1_v, sem1).wait()
            pltpu.sync_copy(rows1_v, acc_sh.at[dst_v.at[j0 + 1]], add=True)
            pltpu.async_copy(table_hbm.at[src_v.at[j0 + 3]], rows1_v, sem1)
            return carry

        lax.fori_loop(0, _HC // 2 - 1, body, 0)
        jt = _HC - 2
        pltpu.make_async_copy(table_hbm.at[src_v.at[jt]], rows0_v, sem0).wait()
        pltpu.sync_copy(rows0_v, acc_sh.at[dst_v.at[jt]], add=True)
        pltpu.make_async_copy(table_hbm.at[src_v.at[jt + 1]], rows1_v, sem1).wait()
        pltpu.sync_copy(rows1_v, acc_sh.at[dst_v.at[jt + 1]], add=True)
    plsc.subcore_barrier()
    pltpu.sync_copy(acc_sh.at[pl.ds(s * _ZROWS, _ZROWS)],
                    out_hbm.at[c, pl.ds(s * _ZROWS, _ZROWS)])


@functools.cache
def _get_agg():
    mesh = plsc.VectorSubcoreMesh(core_axis_name="c", subcore_axis_name="s")
    return pl.kernel(
        _agg_body,
        out_type=jax.ShapeDtypeStruct((2, _NACC, _D), jnp.float32),
        mesh=mesh,
        scratch_types=[
            pltpu.VMEM((_HC, _CH), jnp.int32),
            pltpu.VMEM((_HC, _CH), jnp.int32),
            pltpu.VMEM((_CH, _D), jnp.float32),
            pltpu.VMEM((_CH, _D), jnp.float32),
            pltpu.VMEM_SHARED((_NACC, _D), jnp.float32),
            pltpu.SemaphoreType.DMA,
            pltpu.SemaphoreType.DMA,
            pltpu.SemaphoreType.DMA,
        ],
    )


def _agg_kernel(table, src, dst, zeros):
    return _get_agg()(table, src, dst, zeros)


def _detile_body(ei_ref, osrc_ref, odst_ref):
    b = pl.program_id(0)
    e2 = ei_ref[...]
    s = e2[0].reshape(_DR, _CH)
    d = e2[1].reshape(_DR, _CH)
    flat = (b * _DE
            + lax.broadcasted_iota(jnp.int32, (_DR, _CH), 0) * _CH
            + lax.broadcasted_iota(jnp.int32, (_DR, _CH), 1))
    inb = flat < _E
    pad = flat - _E
    osrc_ref[...] = jnp.where(inb, s, pad & 8191)
    odst_ref[...] = jnp.where(inb, d, _N + (pad & 127))


def _detile(edge_index):
    return pl.pallas_call(
        _detile_body,
        grid=(_DK,),
        in_specs=[pl.BlockSpec((2, _DE), lambda b: (0, b))],
        out_specs=[pl.BlockSpec((_DR, _CH), lambda b: (b, 0))] * 2,
        out_shape=[jax.ShapeDtypeStruct((_NROW, _CH), jnp.int32)] * 2,
    )(edge_index)


def _mm(a, w):
    return jnp.dot(a, w, preferred_element_type=jnp.float32)


def _dense1_body(x_ref, p_ref, w1, b1, w2, b2, w3, b3, o_ref):
    h = x_ref[...] + p_ref[0] + p_ref[1]
    h = jnp.maximum(_mm(h, w1[...]) + b1[...], 0.0)
    h = jnp.maximum(_mm(h, w2[...]) + b2[...], 0.0)
    h = _mm(h, w3[...]) + b3[...]
    o_ref[...] = jnp.maximum(h, 0.0)


def _dense2_body(x_ref, p_ref, w1, b1, w2, b2, w3, b3, w4, b4, fw, fb, o_ref):
    h = x_ref[...] + p_ref[0] + p_ref[1]
    h = jnp.maximum(_mm(h, w1[...]) + b1[...], 0.0)
    h = jnp.maximum(_mm(h, w2[...]) + b2[...], 0.0)
    h = jnp.maximum(_mm(h, w3[...]) + b3[...], 0.0)
    h = _mm(h, w4[...]) + b4[...]
    o_ref[...] = jnp.maximum(_mm(h, fw[...]) + fb[...], 0.0)


def _dense3_body(nblk, x_ref, p_ref, batch_ref,
                 w1, b1, w2, b2, w3, b3, fw2, fb2, fw3, fb3,
                 o_ref, acc_ref):
    k = pl.program_id(0)

    @pl.when(k == 0)
    def _():
        acc_ref[...] = jnp.zeros_like(acc_ref)

    h = x_ref[...] + p_ref[0] + p_ref[1]
    h = jnp.maximum(_mm(h, w1[...]) + b1[...], 0.0)
    h = jnp.maximum(_mm(h, w2[...]) + b2[...], 0.0)
    h = _mm(h, w3[...]) + b3[...]
    r = h.shape[0]
    gi = lax.broadcasted_iota(jnp.int32, (_G, r), 0)
    m = (gi == batch_ref[0]).astype(jnp.float32)
    acc_ref[...] += _mm(m, h)

    @pl.when(k == nblk - 1)
    def _():
        z = jnp.maximum(_mm(acc_ref[...], fw2[...]) + fb2[...], 0.0)
        logits = _mm(z, fw3[...]) + fb3[...]
        mx = jnp.max(logits, axis=1, keepdims=True)
        lse = jnp.log(jnp.sum(jnp.exp(logits - mx), axis=1, keepdims=True)) + mx
        o_ref[...] = logits - lse


_R = 2000
_KB = _N // _R

_wspec = pl.BlockSpec((_D, _D), lambda i: (0, 0))
_bspec = pl.BlockSpec((1, _D), lambda i: (0, 0))
_rspec = pl.BlockSpec((_R, _D), lambda i: (i, 0))
_pspec = pl.BlockSpec((2, _R, _D), lambda i: (0, i, 0))


def _dense1(x, parts, w1, b1, w2, b2, w3, b3):
    return pl.pallas_call(
        _dense1_body,
        grid=(_KB,),
        in_specs=[_rspec, _pspec, _wspec, _bspec, _wspec, _bspec, _wspec, _bspec],
        out_specs=_rspec,
        out_shape=jax.ShapeDtypeStruct((_N, _D), jnp.float32),
    )(x, parts, w1, b1, w2, b2, w3, b3)


def _dense2(x, parts, w1, b1, w2, b2, w3, b3, w4, b4, fw, fb):
    return pl.pallas_call(
        _dense2_body,
        grid=(_KB,),
        in_specs=[_rspec, _pspec] + [_wspec, _bspec] * 5,
        out_specs=_rspec,
        out_shape=jax.ShapeDtypeStruct((_N, _D), jnp.float32),
    )(x, parts, w1, b1, w2, b2, w3, b3, w4, b4, fw, fb)


def _dense3(x, parts, batch3, w1, b1, w2, b2, w3, b3, fw2, fb2, fw3p, fb3p):
    return pl.pallas_call(
        functools.partial(_dense3_body, _KB),
        grid=(_KB,),
        in_specs=[_rspec, _pspec, pl.BlockSpec((1, 1, _R), lambda i: (i, 0, 0))]
                 + [_wspec, _bspec] * 5,
        out_specs=pl.BlockSpec((_G, _D), lambda i: (0, 0)),
        out_shape=jax.ShapeDtypeStruct((_G, _D), jnp.float32),
        scratch_shapes=[pltpu.VMEM((_G, _D), jnp.float32)],
    )(x, parts, batch3, w1, b1, w2, b2, w3, b3, fw2, fb2, fw3p, fb3p)


def kernel(x, edge_index, batch,
           c1w1, c1b1, c1w2, c1b2, c1w3, c1b3,
           c2w1, c2b1, c2w2, c2b2, c2w3, c2b3, c2w4, c2b4,
           c3w1, c3b1, c3w2, c3b2, c3w3, c3b3,
           fc1w, fc1b, fc2w, fc2b, fc3w, fc3b):
    src, dst = _detile(edge_index)
    zeros = jnp.asarray(np.zeros((_NACC, _D), np.float32))
    batch3 = batch.reshape(_KB, 1, _R)

    def r2(b):
        return b.reshape(1, _D)

    fw3p = jnp.zeros((_D, _D), jnp.float32).at[:, :_OUT].set(fc3w)
    fb3p = jnp.full((1, _D), -1e9, jnp.float32).at[0, :_OUT].set(fc3b)

    p1 = _agg_kernel(x, src, dst, zeros)
    h1 = _dense1(x, p1, c1w1, r2(c1b1), c1w2, r2(c1b2), c1w3, r2(c1b3))
    p2 = _agg_kernel(h1, src, dst, zeros)
    h2 = _dense2(h1, p2, c2w1, r2(c2b1), c2w2, r2(c2b2), c2w3, r2(c2b3),
                 c2w4, r2(c2b4), fc1w, r2(fc1b))
    p3 = _agg_kernel(h2, src, dst, zeros)
    res = _dense3(h2, p3, batch3, c3w1, r2(c3b1), c3w2, r2(c3b2),
                  c3w3, r2(c3b3), fc2w, r2(fc2b), fw3p, fb3p)
    return res[:, :_OUT]

# --- scband reference (transcript-rebuilt; emitter-appended) ---
"""Pipeline reference for scband-gin-52828097740996 (READ-ONLY COPY).

The authoritative reference and input builder live on the scoring server;
editing this copy changes nothing except your own understanding.
"""

import jax, jax.numpy as jnp
import numpy as np

N = 10000
E = 320000
D = 128
H = 128
OUT = 10
G = 128


def _lin_init(key, fan_in, fan_out):
    k1, k2 = jax.random.split(key)
    s = 1.0 / np.sqrt(fan_in)
    W = jax.random.uniform(k1, (fan_in, fan_out), minval=-s, maxval=s, dtype=jnp.float32)
    b = jax.random.uniform(k2, (fan_out,), minval=-s, maxval=s, dtype=jnp.float32)
    return W, b


def setup_inputs(seed: int = 0):
    key = jax.random.key(seed)
    ks = jax.random.split(key, 20)
    inp = {}
    inp["x"] = jax.random.normal(ks[0], (N, D), dtype=jnp.float32)
    inp["edge_index"] = jax.random.randint(ks[1], (2, E), 0, N, dtype=jnp.int32)
    inp["batch"] = jnp.sort(jax.random.randint(ks[2], (N,), 0, G, dtype=jnp.int32))
    dims = [("c1w1", D, H), ("c1w2", H, H), ("c1w3", H, H),
            ("c2w1", H, H), ("c2w2", H, H), ("c2w3", H, H), ("c2w4", H, H),
            ("c3w1", H, H), ("c3w2", H, H), ("c3w3", H, H),
            ("fc1w", H, H), ("fc2w", H, H), ("fc3w", H, OUT)]
    for i, (name, fi, fo) in enumerate(dims):
        W, b = _lin_init(ks[3 + i], fi, fo)
        inp[name] = W
        inp[name.replace("w", "b")] = b
    return inp


def _mlp3(h, w1, b1, w2, b2, w3, b3):
    h = jax.nn.relu(h @ w1 + b1)
    h = jax.nn.relu(h @ w2 + b2)
    return h @ w3 + b3


def _mlp4(h, w1, b1, w2, b2, w3, b3, w4, b4):
    h = jax.nn.relu(h @ w1 + b1)
    h = jax.nn.relu(h @ w2 + b2)
    h = jax.nn.relu(h @ w3 + b3)
    return h @ w4 + b4


def reference(x, edge_index, batch,
              c1w1, c1b1, c1w2, c1b2, c1w3, c1b3,
              c2w1, c2b1, c2w2, c2b2, c2w3, c2b3, c2w4, c2b4,
              c3w1, c3b1, c3w2, c3b2, c3w3, c3b3,
              fc1w, fc1b, fc2w, fc2b, fc3w, fc3b):
    src = edge_index[0]
    dst = edge_index[1]
    # GINConv 1: h = MLP((1+eps)*x + sum_{j in N(i)} x_j), eps=0
    agg = jax.ops.segment_sum(x[src], dst, num_segments=N)
    h = _mlp3(x + agg, c1w1, c1b1, c1w2, c1b2, c1w3, c1b3)
    h = jax.nn.relu(h)
    # GINConv 2
    agg = jax.ops.segment_sum(h[src], dst, num_segments=N)
    h = _mlp4(h + agg, c2w1, c2b1, c2w2, c2b2, c2w3, c2b3, c2w4, c2b4)
    h = jax.nn.relu(h @ fc1w + fc1b)
    # GINConv 3
    agg = jax.ops.segment_sum(h[src], dst, num_segments=N)
    h = _mlp3(h + agg, c3w1, c3b1, c3w2, c3b2, c3w3, c3b3)
    # global_add_pool over batch segment ids
    pooled = jax.ops.segment_sum(h, batch, num_segments=G)
    h = jax.nn.relu(pooled @ fc2w + fc2b)
    # dropout p=0.5 is identity in eval mode
    logits = h @ fc3w + fc3b
    return jax.nn.log_softmax(logits, axis=1)

if __name__ == "__main__":
    import jax
    _d = setup_inputs()
    print(jax.jit(kernel)(*tuple(_d.values())))

</pallas_src>

<mosaic_0001>
#map = affine_map<(d0, d1) -> (0, 0)>
#map1 = affine_map<(d0, d1) -> (0, 0, 0)>
module attributes {stable_mosaic.version = 14 : i64} {
  func.func @_agg_body(%arg0: i32, %arg1: i32, %arg2: memref<10000x128xf32, #tpu.memory_space<hbm>>, %arg3: memref<2560x128xi32, #tpu.memory_space<hbm>>, %arg4: memref<2560x128xi32, #tpu.memory_space<hbm>>, %arg5: memref<10240x128xf32, #tpu.memory_space<hbm>>, %arg6: memref<2x10240x128xf32, #tpu.memory_space<hbm>>, %arg7: memref<40x128xi32, #tpu.memory_space<vmem>>, %arg8: memref<40x128xi32, #tpu.memory_space<vmem>>, %arg9: memref<128x128xf32, #tpu.memory_space<vmem>>, %arg10: memref<128x128xf32, #tpu.memory_space<vmem>>, %arg11: memref<10240x128xf32, #tpu.memory_space<vmem_shared>>, %arg12: memref<!tpu.dma_semaphore, #tpu.memory_space<semaphore_mem>>, %arg13: memref<!tpu.dma_semaphore, #tpu.memory_space<semaphore_mem>>, %arg14: memref<!tpu.dma_semaphore, #tpu.memory_space<semaphore_mem>>) attributes {dimension_semantics = [#tpu.dimension_semantics<core_parallel>, #tpu.dimension_semantics<subcore_parallel>], iteration_bounds = array<i64: 2, 16>, scalar_prefetch = 0 : i64, scratch_operands = 8 : i64, tpu.core_type = #tpu.core_type<sc_vector_subcore>, window_params = [{transform_indices = #map}, {transform_indices = #map}, {transform_indices = #map}, {transform_indices = #map}, {transform_indices = #map1}]} {
    %mul3A = arith.constant 2 : i32
    %mul3A_0 = arith.muli %arg1, %mul3A : i32
    %add3A = arith.addi %mul3A_0, %arg0 : i32
    %mul3A_1 = arith.constant 640 : i32
    %mul3A_2 = arith.muli %arg1, %mul3A_1 : i32
    %mul3A_3 = arith.constant 640 : i32
    %mul3A_4 = arith.muli %arg1, %mul3A_3 : i32
    %dma_start3A = arith.constant 0 : i32
    %dma_start3A_5 = tpu.memref_slice %arg11[%mul3A_4, %dma_start3A] : memref<10240x128xf32, #tpu.memory_space<vmem_shared>> -> memref<640x128xf32, #tpu.memory_space<vmem_shared>>
    %dma_start3A_6 = arith.constant 0 : i32
    %dma_start3A_7 = tpu.memref_slice %arg5[%mul3A_2, %dma_start3A_6] : memref<10240x128xf32, #tpu.memory_space<hbm>> -> memref<640x128xf32, #tpu.memory_space<hbm>>
    tpu.enqueue_dma source(%dma_start3A_7 : memref<640x128xf32, #tpu.memory_space<hbm>>) target(%dma_start3A_5 : memref<640x128xf32, #tpu.memory_space<vmem_shared>>) target_semaphore(%arg14 : memref<!tpu.dma_semaphore, #tpu.memory_space<semaphore_mem>>)
    %mul3A_8 = arith.constant 80 : i32
    %mul3A_9 = arith.muli %add3A, %mul3A_8 : i32
    %add3A_10 = arith.constant 0 : i32
    %add3A_11 = arith.addi %mul3A_9, %add3A_10 : i32
    "tpu.region"() ({
      %run_scoped3A_98 = tpu.sem_alloc : memref<!tpu.dma_semaphore, #tpu.memory_space<semaphore_mem>>
      %dma_start3A_99 = arith.constant 0 : i32
      %dma_start3A_100 = tpu.memref_slice %arg3[%add3A_11, %dma_start3A_99] : memref<2560x128xi32, #tpu.memory_space<hbm>> -> memref<40x128xi32, #tpu.memory_space<hbm>>
      %dma_start3A_101 = arith.constant 0 : i32
      %dma_start3A_102 = tpu.memref_slice %arg3[%add3A_11, %dma_start3A_101] : memref<2560x128xi32, #tpu.memory_space<hbm>> -> memref<40x128xi32, #tpu.memory_space<hbm>>
      tpu.enqueue_dma source(%dma_start3A_102 : memref<40x128xi32, #tpu.memory_space<hbm>>) target(%arg7 : memref<40x128xi32, #tpu.memory_space<vmem>>) target_semaphore(%run_scoped3A_98 : memref<!tpu.dma_semaphore, #tpu.memory_space<semaphore_mem>>)
      %dma_wait3A_103 = arith.constant 0 : i32
      %dma_wait3A_104 = tpu.memref_slice %arg3[%add3A_11, %dma_wait3A_103] : memref<2560x128xi32, #tpu.memory_space<hbm>> -> memref<40x128xi32, #tpu.memory_space<hbm>>
      %dma_wait3A_105 = arith.constant 0 : i32
      %dma_wait3A_106 = tpu.memref_slice %arg3[%add3A_11, %dma_wait3A_105] : memref<2560x128xi32, #tpu.memory_space<hbm>> -> memref<40x128xi32, #tpu.memory_space<hbm>>
      tpu.wait_dma2 semaphore(%run_scoped3A_98 : memref<!tpu.dma_semaphore, #tpu.memory_space<semaphore_mem>>) src(%dma_wait3A_106 : memref<40x128xi32, #tpu.memory_space<hbm>>) dst(%arg7 : memref<40x128xi32, #tpu.memory_space<vmem>>)
      tpu.yield
    }) : () -> ()
    "tpu.region"() ({
      %run_scoped3A_98 = tpu.sem_alloc : memref<!tpu.dma_semaphore, #tpu.memory_space<semaphore_mem>>
      %dma_start3A_99 = arith.constant 0 : i32
      %dma_start3A_100 = tpu.memref_slice %arg4[%add3A_11, %dma_start3A_99] : memref<2560x128xi32, #tpu.memory_space<hbm>> -> memref<40x128xi32, #tpu.memory_space<hbm>>
      %dma_start3A_101 = arith.constant 0 : i32
      %dma_start3A_102 = tpu.memref_slice %arg4[%add3A_11, %dma_start3A_101] : memref<2560x128xi32, #tpu.memory_space<hbm>> -> memref<40x128xi32, #tpu.memory_space<hbm>>
      tpu.enqueue_dma source(%dma_start3A_102 : memref<40x128xi32, #tpu.memory_space<hbm>>) target(%arg8 : memref<40x128xi32, #tpu.memory_space<vmem>>) target_semaphore(%run_scoped3A_98 : memref<!tpu.dma_semaphore, #tpu.memory_space<semaphore_mem>>)
      %dma_wait3A_103 = arith.constant 0 : i32
      %dma_wait3A_104 = tpu.memref_slice %arg4[%add3A_11, %dma_wait3A_103] : memref<2560x128xi32, #tpu.memory_space<hbm>> -> memref<40x128xi32, #tpu.memory_space<hbm>>
      %dma_wait3A_105 = arith.constant 0 : i32
      %dma_wait3A_106 = tpu.memref_slice %arg4[%add3A_11, %dma_wait3A_105] : memref<2560x128xi32, #tpu.memory_space<hbm>> -> memref<40x128xi32, #tpu.memory_space<hbm>>
      tpu.wait_dma2 semaphore(%run_scoped3A_98 : memref<!tpu.dma_semaphore, #tpu.memory_space<semaphore_mem>>) src(%dma_wait3A_106 : memref<40x128xi32, #tpu.memory_space<hbm>>) dst(%arg8 : memref<40x128xi32, #tpu.memory_space<vmem>>)
      tpu.yield
    }) : () -> ()
    %dma_start3A_12 = arith.constant 0 : i32
    %dma_start3A_13 = arith.constant 0 : i32
    %dma_start3A_14 = tpu.memref_slice %arg7[%dma_start3A_12, %dma_start3A_13] : memref<40x128xi32, #tpu.memory_space<vmem>> -> memref<1x128xi32, #tpu.memory_space<vmem>>
    %dma_start3A_15 = tpu.memref_squeeze %dma_start3A_14 : memref<1x128xi32, #tpu.memory_space<vmem>> -> memref<128xi32, #tpu.memory_space<vmem>>
    %dma_start3A_16 = arith.constant 0 : i32
    %dma_start3A_17 = arith.constant 0 : i32
    %dma_start3A_18 = tpu.memref_slice %arg2[%dma_start3A_16, %dma_start3A_17] : memref<10000x128xf32, #tpu.memory_space<hbm>> -> memref<10000x128xf32, #tpu.memory_space<hbm>>
    tpu.enqueue_indirect_dma source(%dma_start3A_18 : memref<10000x128xf32, #tpu.memory_space<hbm>>) target(%arg9 : memref<128x128xf32, #tpu.memory_space<vmem>>) offsets(%dma_start3A_15 : memref<128xi32, #tpu.memory_space<vmem>>) semaphore(%arg12 : memref<!tpu.dma_semaphore, #tpu.memory_space<semaphore_mem>>)
    %dma_start3A_19 = arith.constant 1 : i32
    %dma_start3A_20 = arith.constant 0 : i32
    %dma_start3A_21 = tpu.memref_slice %arg7[%dma_start3A_19, %dma_start3A_20] : memref<40x128xi32, #tpu.memory_space<vmem>> -> memref<1x128xi32, #tpu.memory_space<vmem>>
    %dma_start3A_22 = tpu.memref_squeeze %dma_start3A_21 : memref<1x128xi32, #tpu.memory_space<vmem>> -> memref<128xi32, #tpu.memory_space<vmem>>
    %dma_start3A_23 = arith.constant 0 : i32
    %dma_start3A_24 = arith.constant 0 : i32
    %dma_start3A_25 = tpu.memref_slice %arg2[%dma_start3A_23, %dma_start3A_24] : memref<10000x128xf32, #tpu.memory_space<hbm>> -> memref<10000x128xf32, #tpu.memory_space<hbm>>
    tpu.enqueue_indirect_dma source(%dma_start3A_25 : memref<10000x128xf32, #tpu.memory_space<hbm>>) target(%arg10 : memref<128x128xf32, #tpu.memory_space<vmem>>) offsets(%dma_start3A_22 : memref<128xi32, #tpu.memory_space<vmem>>) semaphore(%arg13 : memref<!tpu.dma_semaphore, #tpu.memory_space<semaphore_mem>>)
    %mul3A_26 = arith.constant 640 : i32
    %mul3A_27 = arith.muli %arg1, %mul3A_26 : i32
    %mul3A_28 = arith.constant 640 : i32
    %mul3A_29 = arith.muli %arg1, %mul3A_28 : i32
    %dma_wait3A = arith.constant 0 : i32
    %dma_wait3A_30 = tpu.memref_slice %arg11[%mul3A_29, %dma_wait3A] : memref<10240x128xf32, #tpu.memory_space<vmem_shared>> -> memref<640x128xf32, #tpu.memory_space<vmem_shared>>
    %dma_wait3A_31 = arith.constant 0 : i32
    %dma_wait3A_32 = tpu.memref_slice %arg5[%mul3A_27, %dma_wait3A_31] : memref<10240x128xf32, #tpu.memory_space<hbm>> -> memref<640x128xf32, #tpu.memory_space<hbm>>
    tpu.wait_dma2 semaphore(%arg14 : memref<!tpu.dma_semaphore, #tpu.memory_space<semaphore_mem>>) src(%dma_wait3A_32 : memref<640x128xf32, #tpu.memory_space<hbm>>) dst(%dma_wait3A_30 : memref<640x128xf32, #tpu.memory_space<vmem_shared>>)
    %barrier3A = arith.constant 0 : index
    tpu.barrier barrier_id(%barrier3A)
    %scan3A = arith.constant 0 : i32
    %scan3A_33 = arith.constant 0 : i32
    %scan3A_34 = arith.constant 19 : i32
    %scan3A_35 = arith.addi %scan3A_33, %scan3A_34 : i32
    %scan3A_36 = arith.constant 1 : i32
    scf.for %scan3A_98 = %scan3A_33 to %scan3A_35 step %scan3A_36  : i32 {
      %mul3A_99 = arith.constant 2 : i32
      %mul3A_100 = arith.muli %scan3A_98, %mul3A_99 : i32
      %dma_wait3A_101 = arith.constant 0 : i32
      %dma_wait3A_102 = tpu.memref_slice %arg7[%mul3A_100, %dma_wait3A_101] : memref<40x128xi32, #tpu.memory_space<vmem>> -> memref<1x128xi32, #tpu.memory_space<vmem>>
      %dma_wait3A_103 = tpu.memref_squeeze %dma_wait3A_102 : memref<1x128xi32, #tpu.memory_space<vmem>> -> memref<128xi32, #tpu.memory_space<vmem>>
      %dma_wait3A_104 = arith.constant 0 : i32
      %dma_wait3A_105 = arith.constant 0 : i32
      %dma_wait3A_106 = tpu.memref_slice %arg2[%dma_wait3A_104, %dma_wait3A_105] : memref<10000x128xf32, #tpu.memory_space<hbm>> -> memref<10000x128xf32, #tpu.memory_space<hbm>>
      tpu.wait_indirect_dma semaphore(%arg12 : memref<!tpu.dma_semaphore, #tpu.memory_space<semaphore_mem>>) src(%dma_wait3A_106 : memref<10000x128xf32, #tpu.memory_space<hbm>>) dst(%arg9 : memref<128x128xf32, #tpu.memory_space<vmem>>)
      "tpu.region"() ({
        %run_scoped3A_133 = tpu.sem_alloc : memref<!tpu.dma_semaphore, #tpu.memory_space<semaphore_mem>>
        %dma_start3A_134 = arith.constant 0 : i32
        %dma_start3A_135 = tpu.memref_slice %arg8[%mul3A_100, %dma_start3A_134] : memref<40x128xi32, #tpu.memory_space<vmem>> -> memref<1x128xi32, #tpu.memory_space<vmem>>
        %dma_start3A_136 = tpu.memref_squeeze %dma_start3A_135 : memref<1x128xi32, #tpu.memory_space<vmem>> -> memref<128xi32, #tpu.memory_space<vmem>>
        %dma_start3A_137 = arith.constant 0 : i32
        %dma_start3A_138 = arith.constant 0 : i32
        %dma_start3A_139 = tpu.memref_slice %arg11[%dma_start3A_137, %dma_start3A_138] : memref<10240x128xf32, #tpu.memory_space<vmem_shared>> -> memref<10240x128xf32, #tpu.memory_space<vmem_shared>>
        tpu.enqueue_indirect_dma source(%arg9 : memref<128x128xf32, #tpu.memory_space<vmem>>) target(%dma_start3A_139 : memref<10240x128xf32, #tpu.memory_space<vmem_shared>>) offsets(%dma_start3A_136 : memref<128xi32, #tpu.memory_space<vmem>>) semaphore(%run_scoped3A_133 : memref<!tpu.dma_semaphore, #tpu.memory_space<semaphore_mem>>) {add = true}
        %dma_wait3A_140 = arith.constant 0 : i32
        %dma_wait3A_141 = tpu.memref_slice %arg8[%mul3A_100, %dma_wait3A_140] : memref<40x128xi32, #tpu.memory_space<vmem>> -> memref<1x128xi32, #tpu.memory_space<vmem>>
        %dma_wait3A_142 = tpu.memref_squeeze %dma_wait3A_141 : memref<1x128xi32, #tpu.memory_space<vmem>> -> memref<128xi32, #tpu.memory_space<vmem>>
        %dma_wait3A_143 = arith.constant 0 : i32
        %dma_wait3A_144 = arith.constant 0 : i32
        %dma_wait3A_145 = tpu.memref_slice %arg11[%dma_wait3A_143, %dma_wait3A_144] : memref<10240x128xf32, #tpu.memory_space<vmem_shared>> -> memref<10240x128xf32, #tpu.memory_space<vmem_shared>>
        tpu.wait_indirect_dma semaphore(%run_scoped3A_133 : memref<!tpu.dma_semaphore, #tpu.memory_space<semaphore_mem>>) src(%arg9 : memref<128x128xf32, #tpu.memory_space<vmem>>) dst(%dma_wait3A_145 : memref<10240x128xf32, #tpu.memory_space<vmem_shared>>)
        tpu.yield
      }) : () -> ()
      %add3A_107 = arith.constant 2 : i32
      %add3A_108 = arith.addi %mul3A_100, %add3A_107 : i32
      %dma_start3A_109 = arith.constant 0 : i32
      %dma_start3A_110 = tpu.memref_slice %arg7[%add3A_108, %dma_start3A_109] : memref<40x128xi32, #tpu.memory_space<vmem>> -> memref<1x128xi32, #tpu.memory_space<vmem>>
      %dma_start3A_111 = tpu.memref_squeeze %dma_start3A_110 : memref<1x128xi32, #tpu.memory_space<vmem>> -> memref<128xi32, #tpu.memory_space<vmem>>
      %dma_start3A_112 = arith.constant 0 : i32
      %dma_start3A_113 = arith.constant 0 : i32
      %dma_start3A_114 = tpu.memref_slice %arg2[%dma_start3A_112, %dma_start3A_113] : memref<10000x128xf32, #tpu.memory_space<hbm>> -> memref<10000x128xf32, #tpu.memory_space<hbm>>
      tpu.enqueue_indirect_dma source(%dma_start3A_114 : memref<10000x128xf32, #tpu.memory_space<hbm>>) target(%arg9 : memref<128x128xf32, #tpu.memory_space<vmem>>) offsets(%dma_start3A_111 : memref<128xi32, #tpu.memory_space<vmem>>) semaphore(%arg12 : memref<!tpu.dma_semaphore, #tpu.memory_space<semaphore_mem>>)
      %add3A_115 = arith.constant 1 : i32
      %add3A_116 = arith.addi %mul3A_100, %add3A_115 : i32
      %dma_wait3A_117 = arith.constant 0 : i32
      %dma_wait3A_118 = tpu.memref_slice %arg7[%add3A_116, %dma_wait3A_117] : memref<40x128xi32, #tpu.memory_space<vmem>> -> memref<1x128xi32, #tpu.memory_space<vmem>>
      %dma_wait3A_119 = tpu.memref_squeeze %dma_wait3A_118 : memref<1x128xi32, #tpu.memory_space<vmem>> -> memref<128xi32, #tpu.memory_space<vmem>>
      %dma_wait3A_120 = arith.constant 0 : i32
      %dma_wait3A_121 = arith.constant 0 : i32
      %dma_wait3A_122 = tpu.memref_slice %arg2[%dma_wait3A_120, %dma_wait3A_121] : memref<10000x128xf32, #tpu.memory_space<hbm>> -> memref<10000x128xf32, #tpu.memory_space<hbm>>
      tpu.wait_indirect_dma semaphore(%arg13 : memref<!tpu.dma_semaphore, #tpu.memory_space<semaphore_mem>>) src(%dma_wait3A_122 : memref<10000x128xf32, #tpu.memory_space<hbm>>) dst(%arg10 : memref<128x128xf32, #tpu.memory_space<vmem>>)
      %add3A_123 = arith.constant 1 : i32
      %add3A_124 = arith.addi %mul3A_100, %add3A_123 : i32
      "tpu.region"() ({
        %run_scoped3A_133 = tpu.sem_alloc : memref<!tpu.dma_semaphore, #tpu.memory_space<semaphore_mem>>
        %dma_start3A_134 = arith.constant 0 : i32
        %dma_start3A_135 = tpu.memref_slice %arg8[%add3A_124, %dma_start3A_134] : memref<40x128xi32, #tpu.memory_space<vmem>> -> memref<1x128xi32, #tpu.memory_space<vmem>>
        %dma_start3A_136 = tpu.memref_squeeze %dma_start3A_135 : memref<1x128xi32, #tpu.memory_space<vmem>> -> memref<128xi32, #tpu.memory_space<vmem>>
        %dma_start3A_137 = arith.constant 0 : i32
        %dma_start3A_138 = arith.constant 0 : i32
        %dma_start3A_139 = tpu.memref_slice %arg11[%dma_start3A_137, %dma_start3A_138] : memref<10240x128xf32, #tpu.memory_space<vmem_shared>> -> memref<10240x128xf32, #tpu.memory_space<vmem_shared>>
        tpu.enqueue_indirect_dma source(%arg10 : memref<128x128xf32, #tpu.memory_space<vmem>>) target(%dma_start3A_139 : memref<10240x128xf32, #tpu.memory_space<vmem_shared>>) offsets(%dma_start3A_136 : memref<128xi32, #tpu.memory_space<vmem>>) semaphore(%run_scoped3A_133 : memref<!tpu.dma_semaphore, #tpu.memory_space<semaphore_mem>>) {add = true}
        %dma_wait3A_140 = arith.constant 0 : i32
        %dma_wait3A_141 = tpu.memref_slice %arg8[%add3A_124, %dma_wait3A_140] : memref<40x128xi32, #tpu.memory_space<vmem>> -> memref<1x128xi32, #tpu.memory_space<vmem>>
        %dma_wait3A_142 = tpu.memref_squeeze %dma_wait3A_141 : memref<1x128xi32, #tpu.memory_space<vmem>> -> memref<128xi32, #tpu.memory_space<vmem>>
        %dma_wait3A_143 = arith.constant 0 : i32
        %dma_wait3A_144 = arith.constant 0 : i32
        %dma_wait3A_145 = tpu.memref_slice %arg11[%dma_wait3A_143, %dma_wait3A_144] : memref<10240x128xf32, #tpu.memory_space<vmem_shared>> -> memref<10240x128xf32, #tpu.memory_space<vmem_shared>>
        tpu.wait_indirect_dma semaphore(%run_scoped3A_133 : memref<!tpu.dma_semaphore, #tpu.memory_space<semaphore_mem>>) src(%arg10 : memref<128x128xf32, #tpu.memory_space<vmem>>) dst(%dma_wait3A_145 : memref<10240x128xf32, #tpu.memory_space<vmem_shared>>)
        tpu.yield
      }) : () -> ()
      %add3A_125 = arith.constant 3 : i32
      %add3A_126 = arith.addi %mul3A_100, %add3A_125 : i32
      %dma_start3A_127 = arith.constant 0 : i32
      %dma_start3A_128 = tpu.memref_slice %arg7[%add3A_126, %dma_start3A_127] : memref<40x128xi32, #tpu.memory_space<vmem>> -> memref<1x128xi32, #tpu.memory_space<vmem>>
      %dma_start3A_129 = tpu.memref_squeeze %dma_start3A_128 : memref<1x128xi32, #tpu.memory_space<vmem>> -> memref<128xi32, #tpu.memory_space<vmem>>
      %dma_start3A_130 = arith.constant 0 : i32
      %dma_start3A_131 = arith.constant 0 : i32
      %dma_start3A_132 = tpu.memref_slice %arg2[%dma_start3A_130, %dma_start3A_131] : memref<10000x128xf32, #tpu.memory_space<hbm>> -> memref<10000x128xf32, #tpu.memory_space<hbm>>
      tpu.enqueue_indirect_dma source(%dma_start3A_132 : memref<10000x128xf32, #tpu.memory_space<hbm>>) target(%arg10 : memref<128x128xf32, #tpu.memory_space<vmem>>) offsets(%dma_start3A_129 : memref<128xi32, #tpu.memory_space<vmem>>) semaphore(%arg13 : memref<!tpu.dma_semaphore, #tpu.memory_space<semaphore_mem>>)
    }
    %scan3A_37 = arith.constant 19 : i32
    %dma_wait3A_38 = arith.constant 38 : i32
    %dma_wait3A_39 = arith.constant 0 : i32
    %dma_wait3A_40 = tpu.memref_slice %arg7[%dma_wait3A_38, %dma_wait3A_39] : memref<40x128xi32, #tpu.memory_space<vmem>> -> memref<1x128xi32, #tpu.memory_space<vmem>>
    %dma_wait3A_41 = tpu.memref_squeeze %dma_wait3A_40 : memref<1x128xi32, #tpu.memory_space<vmem>> -> memref<128xi32, #tpu.memory_space<vmem>>
    %dma_wait3A_42 = arith.constant 0 : i32
    %dma_wait3A_43 = arith.constant 0 : i32
    %dma_wait3A_44 = tpu.memref_slice %arg2[%dma_wait3A_42, %dma_wait3A_43] : memref<10000x128xf32, #tpu.memory_space<hbm>> -> memref<10000x128xf32, #tpu.memory_space<hbm>>
    tpu.wait_indirect_dma semaphore(%arg12 : memref<!tpu.dma_semaphore, #tpu.memory_space<semaphore_mem>>) src(%dma_wait3A_44 : memref<10000x128xf32, #tpu.memory_space<hbm>>) dst(%arg9 : memref<128x128xf32, #tpu.memory_space<vmem>>)
    %run_scoped3A = arith.constant 38 : i32
    "tpu.region"() ({
      %run_scoped3A_98 = tpu.sem_alloc : memref<!tpu.dma_semaphore, #tpu.memory_space<semaphore_mem>>
      %dma_start3A_99 = arith.constant 0 : i32
      %dma_start3A_100 = tpu.memref_slice %arg8[%run_scoped3A, %dma_start3A_99] : memref<40x128xi32, #tpu.memory_space<vmem>> -> memref<1x128xi32, #tpu.memory_space<vmem>>
      %dma_start3A_101 = tpu.memref_squeeze %dma_start3A_100 : memref<1x128xi32, #tpu.memory_space<vmem>> -> memref<128xi32, #tpu.memory_space<vmem>>
      %dma_start3A_102 = arith.constant 0 : i32
      %dma_start3A_103 = arith.constant 0 : i32
      %dma_start3A_104 = tpu.memref_slice %arg11[%dma_start3A_102, %dma_start3A_103] : memref<10240x128xf32, #tpu.memory_space<vmem_shared>> -> memref<10240x128xf32, #tpu.memory_space<vmem_shared>>
      tpu.enqueue_indirect_dma source(%arg9 : memref<128x128xf32, #tpu.memory_space<vmem>>) target(%dma_start3A_104 : memref<10240x128xf32, #tpu.memory_space<vmem_shared>>) offsets(%dma_start3A_101 : memref<128xi32, #tpu.memory_space<vmem>>) semaphore(%run_scoped3A_98 : memref<!tpu.dma_semaphore, #tpu.memory_space<semaphore_mem>>) {add = true}
      %dma_wait3A_105 = arith.constant 0 : i32
      %dma_wait3A_106 = tpu.memref_slice %arg8[%run_scoped3A, %dma_wait3A_105] : memref<40x128xi32, #tpu.memory_space<vmem>> -> memref<1x128xi32, #tpu.memory_space<vmem>>
      %dma_wait3A_107 = tpu.memref_squeeze %dma_wait3A_106 : memref<1x128xi32, #tpu.memory_space<vmem>> -> memref<128xi32, #tpu.memory_space<vmem>>
      %dma_wait3A_108 = arith.constant 0 : i32
      %dma_wait3A_109 = arith.constant 0 : i32
      %dma_wait3A_110 = tpu.memref_slice %arg11[%dma_wait3A_108, %dma_wait3A_109] : memref<10240x128xf32, #tpu.memory_space<vmem_shared>> -> memref<10240x128xf32, #tpu.memory_space<vmem_shared>>
      tpu.wait_indirect_dma semaphore(%run_scoped3A_98 : memref<!tpu.dma_semaphore, #tpu.memory_space<semaphore_mem>>) src(%arg9 : memref<128x128xf32, #tpu.memory_space<vmem>>) dst(%dma_wait3A_110 : memref<10240x128xf32, #tpu.memory_space<vmem_shared>>)
      tpu.yield
    }) : () -> ()
    %dma_wait3A_45 = arith.constant 39 : i32
    %dma_wait3A_46 = arith.constant 0 : i32
    %dma_wait3A_47 = tpu.memref_slice %arg7[%dma_wait3A_45, %dma_wait3A_46] : memref<40x128xi32, #tpu.memory_space<vmem>> -> memref<1x128xi32, #tpu.memory_space<vmem>>
    %dma_wait3A_48 = tpu.memref_squeeze %dma_wait3A_47 : memref<1x128xi32, #tpu.memory_space<vmem>> -> memref<128xi32, #tpu.memory_space<vmem>>
    %dma_wait3A_49 = arith.constant 0 : i32
    %dma_wait3A_50 = arith.constant 0 : i32
    %dma_wait3A_51 = tpu.memref_slice %arg2[%dma_wait3A_49, %dma_wait3A_50] : memref<10000x128xf32, #tpu.memory_space<hbm>> -> memref<10000x128xf32, #tpu.memory_space<hbm>>
    tpu.wait_indirect_dma semaphore(%arg13 : memref<!tpu.dma_semaphore, #tpu.memory_space<semaphore_mem>>) src(%dma_wait3A_51 : memref<10000x128xf32, #tpu.memory_space<hbm>>) dst(%arg10 : memref<128x128xf32, #tpu.memory_space<vmem>>)
    %run_scoped3A_52 = arith.constant 39 : i32
    "tpu.region"() ({
      %run_scoped3A_98 = tpu.sem_alloc : memref<!tpu.dma_semaphore, #tpu.memory_space<semaphore_mem>>
      %dma_start3A_99 = arith.constant 0 : i32
      %dma_start3A_100 = tpu.memref_slice %arg8[%run_scoped3A_52, %dma_start3A_99] : memref<40x128xi32, #tpu.memory_space<vmem>> -> memref<1x128xi32, #tpu.memory_space<vmem>>
      %dma_start3A_101 = tpu.memref_squeeze %dma_start3A_100 : memref<1x128xi32, #tpu.memory_space<vmem>> -> memref<128xi32, #tpu.memory_space<vmem>>
      %dma_start3A_102 = arith.constant 0 : i32
      %dma_start3A_103 = arith.constant 0 : i32
      %dma_start3A_104 = tpu.memref_slice %arg11[%dma_start3A_102, %dma_start3A_103] : memref<10240x128xf32, #tpu.memory_space<vmem_shared>> -> memref<10240x128xf32, #tpu.memory_space<vmem_shared>>
      tpu.enqueue_indirect_dma source(%arg10 : memref<128x128xf32, #tpu.memory_space<vmem>>) target(%dma_start3A_104 : memref<10240x128xf32, #tpu.memory_space<vmem_shared>>) offsets(%dma_start3A_101 : memref<128xi32, #tpu.memory_space<vmem>>) semaphore(%run_scoped3A_98 : memref<!tpu.dma_semaphore, #tpu.memory_space<semaphore_mem>>) {add = true}
      %dma_wait3A_105 = arith.constant 0 : i32
      %dma_wait3A_106 = tpu.memref_slice %arg8[%run_scoped3A_52, %dma_wait3A_105] : memref<40x128xi32, #tpu.memory_space<vmem>> -> memref<1x128xi32, #tpu.memory_space<vmem>>
      %dma_wait3A_107 = tpu.memref_squeeze %dma_wait3A_106 : memref<1x128xi32, #tpu.memory_space<vmem>> -> memref<128xi32, #tpu.memory_space<vmem>>
      %dma_wait3A_108 = arith.constant 0 : i32
      %dma_wait3A_109 = arith.constant 0 : i32
      %dma_wait3A_110 = tpu.memref_slice %arg11[%dma_wait3A_108, %dma_wait3A_109] : memref<10240x128xf32, #tpu.memory_space<vmem_shared>> -> memref<10240x128xf32, #tpu.memory_space<vmem_shared>>
      tpu.wait_indirect_dma semaphore(%run_scoped3A_98 : memref<!tpu.dma_semaphore, #tpu.memory_space<semaphore_mem>>) src(%arg10 : memref<128x128xf32, #tpu.memory_space<vmem>>) dst(%dma_wait3A_110 : memref<10240x128xf32, #tpu.memory_space<vmem_shared>>)
      tpu.yield
    }) : () -> ()
    %mul3A_53 = arith.constant 80 : i32
    %mul3A_54 = arith.muli %add3A, %mul3A_53 : i32
    %add3A_55 = arith.constant 40 : i32
    %add3A_56 = arith.addi %mul3A_54, %add3A_55 : i32
    "tpu.region"() ({
      %run_scoped3A_98 = tpu.sem_alloc : memref<!tpu.dma_semaphore, #tpu.memory_space<semaphore_mem>>
      %dma_start3A_99 = arith.constant 0 : i32
      %dma_start3A_100 = tpu.memref_slice %arg3[%add3A_56, %dma_start3A_99] : memref<2560x128xi32, #tpu.memory_space<hbm>> -> memref<40x128xi32, #tpu.memory_space<hbm>>
      %dma_start3A_101 = arith.constant 0 : i32
      %dma_start3A_102 = tpu.memref_slice %arg3[%add3A_56, %dma_start3A_101] : memref<2560x128xi32, #tpu.memory_space<hbm>> -> memref<40x128xi32, #tpu.memory_space<hbm>>
      tpu.enqueue_dma source(%dma_start3A_102 : memref<40x128xi32, #tpu.memory_space<hbm>>) target(%arg7 : memref<40x128xi32, #tpu.memory_space<vmem>>) target_semaphore(%run_scoped3A_98 : memref<!tpu.dma_semaphore, #tpu.memory_space<semaphore_mem>>)
      %dma_wait3A_103 = arith.constant 0 : i32
      %dma_wait3A_104 = tpu.memref_slice %arg3[%add3A_56, %dma_wait3A_103] : memref<2560x128xi32, #tpu.memory_space<hbm>> -> memref<40x128xi32, #tpu.memory_space<hbm>>
      %dma_wait3A_105 = arith.constant 0 : i32
      %dma_wait3A_106 = tpu.memref_slice %arg3[%add3A_56, %dma_wait3A_105] : memref<2560x128xi32, #tpu.memory_space<hbm>> -> memref<40x128xi32, #tpu.memory_space<hbm>>
      tpu.wait_dma2 semaphore(%run_scoped3A_98 : memref<!tpu.dma_semaphore, #tpu.memory_space<semaphore_mem>>) src(%dma_wait3A_106 : memref<40x128xi32, #tpu.memory_space<hbm>>) dst(%arg7 : memref<40x128xi32, #tpu.memory_space<vmem>>)
      tpu.yield
    }) : () -> ()
    "tpu.region"() ({
      %run_scoped3A_98 = tpu.sem_alloc : memref<!tpu.dma_semaphore, #tpu.memory_space<semaphore_mem>>
      %dma_start3A_99 = arith.constant 0 : i32
      %dma_start3A_100 = tpu.memref_slice %arg4[%add3A_56, %dma_start3A_99] : memref<2560x128xi32, #tpu.memory_space<hbm>> -> memref<40x128xi32, #tpu.memory_space<hbm>>
      %dma_start3A_101 = arith.constant 0 : i32
      %dma_start3A_102 = tpu.memref_slice %arg4[%add3A_56, %dma_start3A_101] : memref<2560x128xi32, #tpu.memory_space<hbm>> -> memref<40x128xi32, #tpu.memory_space<hbm>>
      tpu.enqueue_dma source(%dma_start3A_102 : memref<40x128xi32, #tpu.memory_space<hbm>>) target(%arg8 : memref<40x128xi32, #tpu.memory_space<vmem>>) target_semaphore(%run_scoped3A_98 : memref<!tpu.dma_semaphore, #tpu.memory_space<semaphore_mem>>)
      %dma_wait3A_103 = arith.constant 0 : i32
      %dma_wait3A_104 = tpu.memref_slice %arg4[%add3A_56, %dma_wait3A_103] : memref<2560x128xi32, #tpu.memory_space<hbm>> -> memref<40x128xi32, #tpu.memory_space<hbm>>
      %dma_wait3A_105 = arith.constant 0 : i32
      %dma_wait3A_106 = tpu.memref_slice %arg4[%add3A_56, %dma_wait3A_105] : memref<2560x128xi32, #tpu.memory_space<hbm>> -> memref<40x128xi32, #tpu.memory_space<hbm>>
      tpu.wait_dma2 semaphore(%run_scoped3A_98 : memref<!tpu.dma_semaphore, #tpu.memory_space<semaphore_mem>>) src(%dma_wait3A_106 : memref<40x128xi32, #tpu.memory_space<hbm>>) dst(%arg8 : memref<40x128xi32, #tpu.memory_space<vmem>>)
      tpu.yield
    }) : () -> ()
    %dma_start3A_57 = arith.constant 0 : i32
    %dma_start3A_58 = arith.constant 0 : i32
    %dma_start3A_59 = tpu.memref_slice %arg7[%dma_start3A_57, %dma_start3A_58] : memref<40x128xi32, #tpu.memory_space<vmem>> -> memref<1x128xi32, #tpu.memory_space<vmem>>
    %dma_start3A_60 = tpu.memref_squeeze %dma_start3A_59 : memref<1x128xi32, #tpu.memory_space<vmem>> -> memref<128xi32, #tpu.memory_space<vmem>>
    %dma_start3A_61 = arith.constant 0 : i32
    %dma_start3A_62 = arith.constant 0 : i32
    %dma_start3A_63 = tpu.memref_slice %arg2[%dma_start3A_61, %dma_start3A_62] : memref<10000x128xf32, #tpu.memory_space<hbm>> -> memref<10000x128xf32, #tpu.memory_space<hbm>>
    tpu.enqueue_indirect_dma source(%dma_start3A_63 : memref<10000x128xf32, #tpu.memory_space<hbm>>) target(%arg9 : memref<128x128xf32, #tpu.memory_space<vmem>>) offsets(%dma_start3A_60 : memref<128xi32, #tpu.memory_space<vmem>>) semaphore(%arg12 : memref<!tpu.dma_semaphore, #tpu.memory_space<semaphore_mem>>)
    %dma_start3A_64 = arith.constant 1 : i32
    %dma_start3A_65 = arith.constant 0 : i32
    %dma_start3A_66 = tpu.memref_slice %arg7[%dma_start3A_64, %dma_start3A_65] : memref<40x128xi32, #tpu.memory_space<vmem>> -> memref<1x128xi32, #tpu.memory_space<vmem>>
    %dma_start3A_67 = tpu.memref_squeeze %dma_start3A_66 : memref<1x128xi32, #tpu.memory_space<vmem>> -> memref<128xi32, #tpu.memory_space<vmem>>
    %dma_start3A_68 = arith.constant 0 : i32
    %dma_start3A_69 = arith.constant 0 : i32
    %dma_start3A_70 = tpu.memref_slice %arg2[%dma_start3A_68, %dma_start3A_69] : memref<10000x128xf32, #tpu.memory_space<hbm>> -> memref<10000x128xf32, #tpu.memory_space<hbm>>
    tpu.enqueue_indirect_dma source(%dma_start3A_70 : memref<10000x128xf32, #tpu.memory_space<hbm>>) target(%arg10 : memref<128x128xf32, #tpu.memory_space<vmem>>) offsets(%dma_start3A_67 : memref<128xi32, #tpu.memory_space<vmem>>) semaphore(%arg13 : memref<!tpu.dma_semaphore, #tpu.memory_space<semaphore_mem>>)
    %scan3A_71 = arith.constant 0 : i32
    %scan3A_72 = arith.constant 0 : i32
    %scan3A_73 = arith.constant 19 : i32
    %scan3A_74 = arith.addi %scan3A_72, %scan3A_73 : i32
    %scan3A_75 = arith.constant 1 : i32
    scf.for %scan3A_98 = %scan3A_72 to %scan3A_74 step %scan3A_75  : i32 {
      %mul3A_99 = arith.constant 2 : i32
      %mul3A_100 = arith.muli %scan3A_98, %mul3A_99 : i32
      %dma_wait3A_101 = arith.constant 0 : i32
      %dma_wait3A_102 = tpu.memref_slice %arg7[%mul3A_100, %dma_wait3A_101] : memref<40x128xi32, #tpu.memory_space<vmem>> -> memref<1x128xi32, #tpu.memory_space<vmem>>
      %dma_wait3A_103 = tpu.memref_squeeze %dma_wait3A_102 : memref<1x128xi32, #tpu.memory_space<vmem>> -> memref<128xi32, #tpu.memory_space<vmem>>
      %dma_wait3A_104 = arith.constant 0 : i32
      %dma_wait3A_105 = arith.constant 0 : i32
      %dma_wait3A_106 = tpu.memref_slice %arg2[%dma_wait3A_104, %dma_wait3A_105] : memref<10000x128xf32, #tpu.memory_space<hbm>> -> memref<10000x128xf32, #tpu.memory_space<hbm>>
      tpu.wait_indirect_dma semaphore(%arg12 : memref<!tpu.dma_semaphore, #tpu.memory_space<semaphore_mem>>) src(%dma_wait3A_106 : memref<10000x128xf32, #tpu.memory_space<hbm>>) dst(%arg9 : memref<128x128xf32, #tpu.memory_space<vmem>>)
      "tpu.region"() ({
        %run_scoped3A_133 = tpu.sem_alloc : memref<!tpu.dma_semaphore, #tpu.memory_space<semaphore_mem>>
        %dma_start3A_134 = arith.constant 0 : i32
        %dma_start3A_135 = tpu.memref_slice %arg8[%mul3A_100, %dma_start3A_134] : memref<40x128xi32, #tpu.memory_space<vmem>> -> memref<1x128xi32, #tpu.memory_space<vmem>>
        %dma_start3A_136 = tpu.memref_squeeze %dma_start3A_135 : memref<1x128xi32, #tpu.memory_space<vmem>> -> memref<128xi32, #tpu.memory_space<vmem>>
        %dma_start3A_137 = arith.constant 0 : i32
        %dma_start3A_138 = arith.constant 0 : i32
        %dma_start3A_139 = tpu.memref_slice %arg11[%dma_start3A_137, %dma_start3A_138] : memref<10240x128xf32, #tpu.memory_space<vmem_shared>> -> memref<10240x128xf32, #tpu.memory_space<vmem_shared>>
        tpu.enqueue_indirect_dma source(%arg9 : memref<128x128xf32, #tpu.memory_space<vmem>>) target(%dma_start3A_139 : memref<10240x128xf32, #tpu.memory_space<vmem_shared>>) offsets(%dma_start3A_136 : memref<128xi32, #tpu.memory_space<vmem>>) semaphore(%run_scoped3A_133 : memref<!tpu.dma_semaphore, #tpu.memory_space<semaphore_mem>>) {add = true}
        %dma_wait3A_140 = arith.constant 0 : i32
        %dma_wait3A_141 = tpu.memref_slice %arg8[%mul3A_100, %dma_wait3A_140] : memref<40x128xi32, #tpu.memory_space<vmem>> -> memref<1x128xi32, #tpu.memory_space<vmem>>
        %dma_wait3A_142 = tpu.memref_squeeze %dma_wait3A_141 : memref<1x128xi32, #tpu.memory_space<vmem>> -> memref<128xi32, #tpu.memory_space<vmem>>
        %dma_wait3A_143 = arith.constant 0 : i32
        %dma_wait3A_144 = arith.constant 0 : i32
        %dma_wait3A_145 = tpu.memref_slice %arg11[%dma_wait3A_143, %dma_wait3A_144] : memref<10240x128xf32, #tpu.memory_space<vmem_shared>> -> memref<10240x128xf32, #tpu.memory_space<vmem_shared>>
        tpu.wait_indirect_dma semaphore(%run_scoped3A_133 : memref<!tpu.dma_semaphore, #tpu.memory_space<semaphore_mem>>) src(%arg9 : memref<128x128xf32, #tpu.memory_space<vmem>>) dst(%dma_wait3A_145 : memref<10240x128xf32, #tpu.memory_space<vmem_shared>>)
        tpu.yield
      }) : () -> ()
      %add3A_107 = arith.constant 2 : i32
      %add3A_108 = arith.addi %mul3A_100, %add3A_107 : i32
      %dma_start3A_109 = arith.constant 0 : i32
      %dma_start3A_110 = tpu.memref_slice %arg7[%add3A_108, %dma_start3A_109] : memref<40x128xi32, #tpu.memory_space<vmem>> -> memref<1x128xi32, #tpu.memory_space<vmem>>
      %dma_start3A_111 = tpu.memref_squeeze %dma_start3A_110 : memref<1x128xi32, #tpu.memory_space<vmem>> -> memref<128xi32, #tpu.memory_space<vmem>>
      %dma_start3A_112 = arith.constant 0 : i32
      %dma_start3A_113 = arith.constant 0 : i32
      %dma_start3A_114 = tpu.memref_slice %arg2[%dma_start3A_112, %dma_start3A_113] : memref<10000x128xf32, #tpu.memory_space<hbm>> -> memref<10000x128xf32, #tpu.memory_space<hbm>>
      tpu.enqueue_indirect_dma source(%dma_start3A_114 : memref<10000x128xf32, #tpu.memory_space<hbm>>) target(%arg9 : memref<128x128xf32, #tpu.memory_space<vmem>>) offsets(%dma_start3A_111 : memref<128xi32, #tpu.memory_space<vmem>>) semaphore(%arg12 : memref<!tpu.dma_semaphore, #tpu.memory_space<semaphore_mem>>)
      %add3A_115 = arith.constant 1 : i32
      %add3A_116 = arith.addi %mul3A_100, %add3A_115 : i32
      %dma_wait3A_117 = arith.constant 0 : i32
      %dma_wait3A_118 = tpu.memref_slice %arg7[%add3A_116, %dma_wait3A_117] : memref<40x128xi32, #tpu.memory_space<vmem>> -> memref<1x128xi32, #tpu.memory_space<vmem>>
      %dma_wait3A_119 = tpu.memref_squeeze %dma_wait3A_118 : memref<1x128xi32, #tpu.memory_space<vmem>> -> memref<128xi32, #tpu.memory_space<vmem>>
      %dma_wait3A_120 = arith.constant 0 : i32
      %dma_wait3A_121 = arith.constant 0 : i32
      %dma_wait3A_122 = tpu.memref_slice %arg2[%dma_wait3A_120, %dma_wait3A_121] : memref<10000x128xf32, #tpu.memory_space<hbm>> -> memref<10000x128xf32, #tpu.memory_space<hbm>>
      tpu.wait_indirect_dma semaphore(%arg13 : memref<!tpu.dma_semaphore, #tpu.memory_space<semaphore_mem>>) src(%dma_wait3A_122 : memref<10000x128xf32, #tpu.memory_space<hbm>>) dst(%arg10 : memref<128x128xf32, #tpu.memory_space<vmem>>)
      %add3A_123 = arith.constant 1 : i32
      %add3A_124 = arith.addi %mul3A_100, %add3A_123 : i32
      "tpu.region"() ({
        %run_scoped3A_133 = tpu.sem_alloc : memref<!tpu.dma_semaphore, #tpu.memory_space<semaphore_mem>>
        %dma_start3A_134 = arith.constant 0 : i32
        %dma_start3A_135 = tpu.memref_slice %arg8[%add3A_124, %dma_start3A_134] : memref<40x128xi32, #tpu.memory_space<vmem>> -> memref<1x128xi32, #tpu.memory_space<vmem>>
        %dma_start3A_136 = tpu.memref_squeeze %dma_start3A_135 : memref<1x128xi32, #tpu.memory_space<vmem>> -> memref<128xi32, #tpu.memory_space<vmem>>
        %dma_start3A_137 = arith.constant 0 : i32
        %dma_start3A_138 = arith.constant 0 : i32
        %dma_start3A_139 = tpu.memref_slice %arg11[%dma_start3A_137, %dma_start3A_138] : memref<10240x128xf32, #tpu.memory_space<vmem_shared>> -> memref<10240x128xf32, #tpu.memory_space<vmem_shared>>
        tpu.enqueue_indirect_dma source(%arg10 : memref<128x128xf32, #tpu.memory_space<vmem>>) target(%dma_start3A_139 : memref<10240x128xf32, #tpu.memory_space<vmem_shared>>) offsets(%dma_start3A_136 : memref<128xi32, #tpu.memory_space<vmem>>) semaphore(%run_scoped3A_133 : memref<!tpu.dma_semaphore, #tpu.memory_space<semaphore_mem>>) {add = true}
        %dma_wait3A_140 = arith.constant 0 : i32
        %dma_wait3A_141 = tpu.memref_slice %arg8[%add3A_124, %dma_wait3A_140] : memref<40x128xi32, #tpu.memory_space<vmem>> -> memref<1x128xi32, #tpu.memory_space<vmem>>
        %dma_wait3A_142 = tpu.memref_squeeze %dma_wait3A_141 : memref<1x128xi32, #tpu.memory_space<vmem>> -> memref<128xi32, #tpu.memory_space<vmem>>
        %dma_wait3A_143 = arith.constant 0 : i32
        %dma_wait3A_144 = arith.constant 0 : i32
        %dma_wait3A_145 = tpu.memref_slice %arg11[%dma_wait3A_143, %dma_wait3A_144] : memref<10240x128xf32, #tpu.memory_space<vmem_shared>> -> memref<10240x128xf32, #tpu.memory_space<vmem_shared>>
        tpu.wait_indirect_dma semaphore(%run_scoped3A_133 : memref<!tpu.dma_semaphore, #tpu.memory_space<semaphore_mem>>) src(%arg10 : memref<128x128xf32, #tpu.memory_space<vmem>>) dst(%dma_wait3A_145 : memref<10240x128xf32, #tpu.memory_space<vmem_shared>>)
        tpu.yield
      }) : () -> ()
      %add3A_125 = arith.constant 3 : i32
      %add3A_126 = arith.addi %mul3A_100, %add3A_125 : i32
      %dma_start3A_127 = arith.constant 0 : i32
      %dma_start3A_128 = tpu.memref_slice %arg7[%add3A_126, %dma_start3A_127] : memref<40x128xi32, #tpu.memory_space<vmem>> -> memref<1x128xi32, #tpu.memory_space<vmem>>
      %dma_start3A_129 = tpu.memref_squeeze %dma_start3A_128 : memref<1x128xi32, #tpu.memory_space<vmem>> -> memref<128xi32, #tpu.memory_space<vmem>>
      %dma_start3A_130 = arith.constant 0 : i32
      %dma_start3A_131 = arith.constant 0 : i32
      %dma_start3A_132 = tpu.memref_slice %arg2[%dma_start3A_130, %dma_start3A_131] : memref<10000x128xf32, #tpu.memory_space<hbm>> -> memref<10000x128xf32, #tpu.memory_space<hbm>>
      tpu.enqueue_indirect_dma source(%dma_start3A_132 : memref<10000x128xf32, #tpu.memory_space<hbm>>) target(%arg10 : memref<128x128xf32, #tpu.memory_space<vmem>>) offsets(%dma_start3A_129 : memref<128xi32, #tpu.memory_space<vmem>>) semaphore(%arg13 : memref<!tpu.dma_semaphore, #tpu.memory_space<semaphore_mem>>)
    }
    %scan3A_76 = arith.constant 19 : i32
    %dma_wait3A_77 = arith.constant 38 : i32
    %dma_wait3A_78 = arith.constant 0 : i32
    %dma_wait3A_79 = tpu.memref_slice %arg7[%dma_wait3A_77, %dma_wait3A_78] : memref<40x128xi32, #tpu.memory_space<vmem>> -> memref<1x128xi32, #tpu.memory_space<vmem>>
    %dma_wait3A_80 = tpu.memref_squeeze %dma_wait3A_79 : memref<1x128xi32, #tpu.memory_space<vmem>> -> memref<128xi32, #tpu.memory_space<vmem>>
    %dma_wait3A_81 = arith.constant 0 : i32
    %dma_wait3A_82 = arith.constant 0 : i32
    %dma_wait3A_83 = tpu.memref_slice %arg2[%dma_wait3A_81, %dma_wait3A_82] : memref<10000x128xf32, #tpu.memory_space<hbm>> -> memref<10000x128xf32, #tpu.memory_space<hbm>>
    tpu.wait_indirect_dma semaphore(%arg12 : memref<!tpu.dma_semaphore, #tpu.memory_space<semaphore_mem>>) src(%dma_wait3A_83 : memref<10000x128xf32, #tpu.memory_space<hbm>>) dst(%arg9 : memref<128x128xf32, #tpu.memory_space<vmem>>)
    %run_scoped3A_84 = arith.constant 38 : i32
    "tpu.region"() ({
      %run_scoped3A_98 = tpu.sem_alloc : memref<!tpu.dma_semaphore, #tpu.memory_space<semaphore_mem>>
      %dma_start3A_99 = arith.constant 0 : i32
      %dma_start3A_100 = tpu.memref_slice %arg8[%run_scoped3A_84, %dma_start3A_99] : memref<40x128xi32, #tpu.memory_space<vmem>> -> memref<1x128xi32, #tpu.memory_space<vmem>>
      %dma_start3A_101 = tpu.memref_squeeze %dma_start3A_100 : memref<1x128xi32, #tpu.memory_space<vmem>> -> memref<128xi32, #tpu.memory_space<vmem>>
      %dma_start3A_102 = arith.constant 0 : i32
      %dma_start3A_103 = arith.constant 0 : i32
      %dma_start3A_104 = tpu.memref_slice %arg11[%dma_start3A_102, %dma_start3A_103] : memref<10240x128xf32, #tpu.memory_space<vmem_shared>> -> memref<10240x128xf32, #tpu.memory_space<vmem_shared>>
      tpu.enqueue_indirect_dma source(%arg9 : memref<128x128xf32, #tpu.memory_space<vmem>>) target(%dma_start3A_104 : memref<10240x128xf32, #tpu.memory_space<vmem_shared>>) offsets(%dma_start3A_101 : memref<128xi32, #tpu.memory_space<vmem>>) semaphore(%run_scoped3A_98 : memref<!tpu.dma_semaphore, #tpu.memory_space<semaphore_mem>>) {add = true}
      %dma_wait3A_105 = arith.constant 0 : i32
      %dma_wait3A_106 = tpu.memref_slice %arg8[%run_scoped3A_84, %dma_wait3A_105] : memref<40x128xi32, #tpu.memory_space<vmem>> -> memref<1x128xi32, #tpu.memory_space<vmem>>
      %dma_wait3A_107 = tpu.memref_squeeze %dma_wait3A_106 : memref<1x128xi32, #tpu.memory_space<vmem>> -> memref<128xi32, #tpu.memory_space<vmem>>
      %dma_wait3A_108 = arith.constant 0 : i32
      %dma_wait3A_109 = arith.constant 0 : i32
      %dma_wait3A_110 = tpu.memref_slice %arg11[%dma_wait3A_108, %dma_wait3A_109] : memref<10240x128xf32, #tpu.memory_space<vmem_shared>> -> memref<10240x128xf32, #tpu.memory_space<vmem_shared>>
      tpu.wait_indirect_dma semaphore(%run_scoped3A_98 : memref<!tpu.dma_semaphore, #tpu.memory_space<semaphore_mem>>) src(%arg9 : memref<128x128xf32, #tpu.memory_space<vmem>>) dst(%dma_wait3A_110 : memref<10240x128xf32, #tpu.memory_space<vmem_shared>>)
      tpu.yield
    }) : () -> ()
    %dma_wait3A_85 = arith.constant 39 : i32
    %dma_wait3A_86 = arith.constant 0 : i32
    %dma_wait3A_87 = tpu.memref_slice %arg7[%dma_wait3A_85, %dma_wait3A_86] : memref<40x128xi32, #tpu.memory_space<vmem>> -> memref<1x128xi32, #tpu.memory_space<vmem>>
    %dma_wait3A_88 = tpu.memref_squeeze %dma_wait3A_87 : memref<1x128xi32, #tpu.memory_space<vmem>> -> memref<128xi32, #tpu.memory_space<vmem>>
    %dma_wait3A_89 = arith.constant 0 : i32
    %dma_wait3A_90 = arith.constant 0 : i32
    %dma_wait3A_91 = tpu.memref_slice %arg2[%dma_wait3A_89, %dma_wait3A_90] : memref<10000x128xf32, #tpu.memory_space<hbm>> -> memref<10000x128xf32, #tpu.memory_space<hbm>>
    tpu.wait_indirect_dma semaphore(%arg13 : memref<!tpu.dma_semaphore, #tpu.memory_space<semaphore_mem>>) src(%dma_wait3A_91 : memref<10000x128xf32, #tpu.memory_space<hbm>>) dst(%arg10 : memref<128x128xf32, #tpu.memory_space<vmem>>)
    %run_scoped3A_92 = arith.constant 39 : i32
    "tpu.region"() ({
      %run_scoped3A_98 = tpu.sem_alloc : memref<!tpu.dma_semaphore, #tpu.memory_space<semaphore_mem>>
      %dma_start3A_99 = arith.constant 0 : i32
      %dma_start3A_100 = tpu.memref_slice %arg8[%run_scoped3A_92, %dma_start3A_99] : memref<40x128xi32, #tpu.memory_space<vmem>> -> memref<1x128xi32, #tpu.memory_space<vmem>>
      %dma_start3A_101 = tpu.memref_squeeze %dma_start3A_100 : memref<1x128xi32, #tpu.memory_space<vmem>> -> memref<128xi32, #tpu.memory_space<vmem>>
      %dma_start3A_102 = arith.constant 0 : i32
      %dma_start3A_103 = arith.constant 0 : i32
      %dma_start3A_104 = tpu.memref_slice %arg11[%dma_start3A_102, %dma_start3A_103] : memref<10240x128xf32, #tpu.memory_space<vmem_shared>> -> memref<10240x128xf32, #tpu.memory_space<vmem_shared>>
      tpu.enqueue_indirect_dma source(%arg10 : memref<128x128xf32, #tpu.memory_space<vmem>>) target(%dma_start3A_104 : memref<10240x128xf32, #tpu.memory_space<vmem_shared>>) offsets(%dma_start3A_101 : memref<128xi32, #tpu.memory_space<vmem>>) semaphore(%run_scoped3A_98 : memref<!tpu.dma_semaphore, #tpu.memory_space<semaphore_mem>>) {add = true}
      %dma_wait3A_105 = arith.constant 0 : i32
      %dma_wait3A_106 = tpu.memref_slice %arg8[%run_scoped3A_92, %dma_wait3A_105] : memref<40x128xi32, #tpu.memory_space<vmem>> -> memref<1x128xi32, #tpu.memory_space<vmem>>
      %dma_wait3A_107 = tpu.memref_squeeze %dma_wait3A_106 : memref<1x128xi32, #tpu.memory_space<vmem>> -> memref<128xi32, #tpu.memory_space<vmem>>
      %dma_wait3A_108 = arith.constant 0 : i32
      %dma_wait3A_109 = arith.constant 0 : i32
      %dma_wait3A_110 = tpu.memref_slice %arg11[%dma_wait3A_108, %dma_wait3A_109] : memref<10240x128xf32, #tpu.memory_space<vmem_shared>> -> memref<10240x128xf32, #tpu.memory_space<vmem_shared>>
      tpu.wait_indirect_dma semaphore(%run_scoped3A_98 : memref<!tpu.dma_semaphore, #tpu.memory_space<semaphore_mem>>) src(%arg10 : memref<128x128xf32, #tpu.memory_space<vmem>>) dst(%dma_wait3A_110 : memref<10240x128xf32, #tpu.memory_space<vmem_shared>>)
      tpu.yield
    }) : () -> ()
    %barrier3A_93 = arith.constant 0 : index
    tpu.barrier barrier_id(%barrier3A_93)
    %mul3A_94 = arith.constant 640 : i32
    %mul3A_95 = arith.muli %arg1, %mul3A_94 : i32
    %mul3A_96 = arith.constant 640 : i32
    %mul3A_97 = arith.muli %arg1, %mul3A_96 : i32
    "tpu.region"() ({
      %run_scoped3A_98 = tpu.sem_alloc : memref<!tpu.dma_semaphore, #tpu.memory_space<semaphore_mem>>
      %dma_start3A_99 = arith.constant 0 : i32
      %dma_start3A_100 = tpu.memref_slice %arg6[%arg0, %mul3A_97, %dma_start3A_99] : memref<2x10240x128xf32, #tpu.memory_space<hbm>> -> memref<1x640x128xf32, #tpu.memory_space<hbm>>
      %dma_start3A_101 = tpu.memref_squeeze %dma_start3A_100 : memref<1x640x128xf32, #tpu.memory_space<hbm>> -> memref<640x128xf32, #tpu.memory_space<hbm>>
      %dma_start3A_102 = arith.constant 0 : i32
      %dma_start3A_103 = tpu.memref_slice %arg11[%mul3A_95, %dma_start3A_102] : memref<10240x128xf32, #tpu.memory_space<vmem_shared>> -> memref<640x128xf32, #tpu.memory_space<vmem_shared>>
      tpu.enqueue_dma source(%dma_start3A_103 : memref<640x128xf32, #tpu.memory_space<vmem_shared>>) target(%dma_start3A_101 : memref<640x128xf32, #tpu.memory_space<hbm>>) target_semaphore(%run_scoped3A_98 : memref<!tpu.dma_semaphore, #tpu.memory_space<semaphore_mem>>)
      %dma_wait3A_104 = arith.constant 0 : i32
      %dma_wait3A_105 = tpu.memref_slice %arg6[%arg0, %mul3A_97, %dma_wait3A_104] : memref<2x10240x128xf32, #tpu.memory_space<hbm>> -> memref<1x640x128xf32, #tpu.memory_space<hbm>>
      %dma_wait3A_106 = tpu.memref_squeeze %dma_wait3A_105 : memref<1x640x128xf32, #tpu.memory_space<hbm>> -> memref<640x128xf32, #tpu.memory_space<hbm>>
      %dma_wait3A_107 = arith.constant 0 : i32
      %dma_wait3A_108 = tpu.memref_slice %arg11[%mul3A_95, %dma_wait3A_107] : memref<10240x128xf32, #tpu.memory_space<vmem_shared>> -> memref<640x128xf32, #tpu.memory_space<vmem_shared>>
      tpu.wait_dma2 semaphore(%run_scoped3A_98 : memref<!tpu.dma_semaphore, #tpu.memory_space<semaphore_mem>>) src(%dma_wait3A_108 : memref<640x128xf32, #tpu.memory_space<vmem_shared>>) dst(%dma_wait3A_106 : memref<640x128xf32, #tpu.memory_space<hbm>>)
      tpu.yield
    }) : () -> ()
    return
  }
}

#map = affine_map<(d0, d1) -> (0, 0)>
#map1 = affine_map<(d0, d1) -> (0, 0, 0)>
module attributes {stable_mosaic.version = 14 : i64} {
  func.func @_agg_body(%arg0: i32, %arg1: i32, %arg2: memref<10000x128xf32, #tpu.memory_space<hbm>>, %arg3: memref<2560x128xi32, #tpu.memory_space<hbm>>, %arg4: memref<2560x128xi32, #tpu.memory_space<hbm>>, %arg5: memref<10240x128xf32, #tpu.memory_space<hbm>>, %arg6: memref<2x10240x128xf32, #tpu.memory_space<hbm>>, %arg7: memref<40x128xi32, #tpu.memory_space<vmem>>, %arg8: memref<40x128xi32, #tpu.memory_space<vmem>>, %arg9: memref<128x128xf32, #tpu.memory_space<vmem>>, %arg10: memref<128x128xf32, #tpu.memory_space<vmem>>, %arg11: memref<10240x128xf32, #tpu.memory_space<vmem_shared>>, %arg12: memref<!tpu.dma_semaphore, #tpu.memory_space<semaphore_mem>>, %arg13: memref<!tpu.dma_semaphore, #tpu.memory_space<semaphore_mem>>, %arg14: memref<!tpu.dma_semaphore, #tpu.memory_space<semaphore_mem>>) attributes {dimension_semantics = [#tpu.dimension_semantics<core_parallel>, #tpu.dimension_semantics<subcore_parallel>], iteration_bounds = array<i64: 2, 16>, scalar_prefetch = 0 : i64, scratch_operands = 8 : i64, tpu.core_type = #tpu.core_type<sc_vector_subcore>, window_params = [{transform_indices = #map}, {transform_indices = #map}, {transform_indices = #map}, {transform_indices = #map}, {transform_indices = #map1}]} {
    %mul3A = arith.constant 2 : i32
    %mul3A_0 = arith.muli %arg1, %mul3A : i32
    %add3A = arith.addi %mul3A_0, %arg0 : i32
    %mul3A_1 = arith.constant 640 : i32
    %mul3A_2 = arith.muli %arg1, %mul3A_1 : i32
    %mul3A_3 = arith.constant 640 : i32
    %mul3A_4 = arith.muli %arg1, %mul3A_3 : i32
    %dma_start3A = arith.constant 0 : i32
    %dma_start3A_5 = tpu.memref_slice %arg11[%mul3A_4, %dma_start3A] : memref<10240x128xf32, #tpu.memory_space<vmem_shared>> -> memref<640x128xf32, #tpu.memory_space<vmem_shared>>
    %dma_start3A_6 = arith.constant 0 : i32
    %dma_start3A_7 = tpu.memref_slice %arg5[%mul3A_2, %dma_start3A_6] : memref<10240x128xf32, #tpu.memory_space<hbm>> -> memref<640x128xf32, #tpu.memory_space<hbm>>
    tpu.enqueue_dma source(%dma_start3A_7 : memref<640x128xf32, #tpu.memory_space<hbm>>) target(%dma_start3A_5 : memref<640x128xf32, #tpu.memory_space<vmem_shared>>) target_semaphore(%arg14 : memref<!tpu.dma_semaphore, #tpu.memory_space<semaphore_mem>>)
    %mul3A_8 = arith.constant 80 : i32
    %mul3A_9 = arith.muli %add3A, %mul3A_8 : i32
    %add3A_10 = arith.constant 0 : i32
    %add3A_11 = arith.addi %mul3A_9, %add3A_10 : i32
    "tpu.region"() ({
      %run_scoped3A_98 = tpu.sem_alloc : memref<!tpu.dma_semaphore, #tpu.memory_space<semaphore_mem>>
      %dma_start3A_99 = arith.constant 0 : i32
      %dma_start3A_100 = tpu.memref_slice %arg3[%add3A_11, %dma_start3A_99] : memref<2560x128xi32, #tpu.memory_space<hbm>> -> memref<40x128xi32, #tpu.memory_space<hbm>>
      %dma_start3A_101 = arith.constant 0 : i32
      %dma_start3A_102 = tpu.memref_slice %arg3[%add3A_11, %dma_start3A_101] : memref<2560x128xi32, #tpu.memory_space<hbm>> -> memref<40x128xi32, #tpu.memory_space<hbm>>
      tpu.enqueue_dma source(%dma_start3A_102 : memref<40x128xi32, #tpu.memory_space<hbm>>) target(%arg7 : memref<40x128xi32, #tpu.memory_space<vmem>>) target_semaphore(%run_scoped3A_98 : memref<!tpu.dma_semaphore, #tpu.memory_space<semaphore_mem>>)
      %dma_wait3A_103 = arith.constant 0 : i32
      %dma_wait3A_104 = tpu.memref_slice %arg3[%add3A_11, %dma_wait3A_103] : memref<2560x128xi32, #tpu.memory_space<hbm>> -> memref<40x128xi32, #tpu.memory_space<hbm>>
      %dma_wait3A_105 = arith.constant 0 : i32
      %dma_wait3A_106 = tpu.memref_slice %arg3[%add3A_11, %dma_wait3A_105] : memref<2560x128xi32, #tpu.memory_space<hbm>> -> memref<40x128xi32, #tpu.memory_space<hbm>>
      tpu.wait_dma2 semaphore(%run_scoped3A_98 : memref<!tpu.dma_semaphore, #tpu.memory_space<semaphore_mem>>) src(%dma_wait3A_106 : memref<40x128xi32, #tpu.memory_space<hbm>>) dst(%arg7 : memref<40x128xi32, #tpu.memory_space<vmem>>)
      tpu.yield
    }) : () -> ()
    "tpu.region"() ({
      %run_scoped3A_98 = tpu.sem_alloc : memref<!tpu.dma_semaphore, #tpu.memory_space<semaphore_mem>>
      %dma_start3A_99 = arith.constant 0 : i32
      %dma_start3A_100 = tpu.memref_slice %arg4[%add3A_11, %dma_start3A_99] : memref<2560x128xi32, #tpu.memory_space<hbm>> -> memref<40x128xi32, #tpu.memory_space<hbm>>
      %dma_start3A_101 = arith.constant 0 : i32
      %dma_start3A_102 = tpu.memref_slice %arg4[%add3A_11, %dma_start3A_101] : memref<2560x128xi32, #tpu.memory_space<hbm>> -> memref<40x128xi32, #tpu.memory_space<hbm>>
      tpu.enqueue_dma source(%dma_start3A_102 : memref<40x128xi32, #tpu.memory_space<hbm>>) target(%arg8 : memref<40x128xi32, #tpu.memory_space<vmem>>) target_semaphore(%run_scoped3A_98 : memref<!tpu.dma_semaphore, #tpu.memory_space<semaphore_mem>>)
      %dma_wait3A_103 = arith.constant 0 : i32
      %dma_wait3A_104 = tpu.memref_slice %arg4[%add3A_11, %dma_wait3A_103] : memref<2560x128xi32, #tpu.memory_space<hbm>> -> memref<40x128xi32, #tpu.memory_space<hbm>>
      %dma_wait3A_105 = arith.constant 0 : i32
      %dma_wait3A_106 = tpu.memref_slice %arg4[%add3A_11, %dma_wait3A_105] : memref<2560x128xi32, #tpu.memory_space<hbm>> -> memref<40x128xi32, #tpu.memory_space<hbm>>
      tpu.wait_dma2 semaphore(%run_scoped3A_98 : memref<!tpu.dma_semaphore, #tpu.memory_space<semaphore_mem>>) src(%dma_wait3A_106 : memref<40x128xi32, #tpu.memory_space<hbm>>) dst(%arg8 : memref<40x128xi32, #tpu.memory_space<vmem>>)
      tpu.yield
    }) : () -> ()
    %dma_start3A_12 = arith.constant 0 : i32
    %dma_start3A_13 = arith.constant 0 : i32
    %dma_start3A_14 = tpu.memref_slice %arg7[%dma_start3A_12, %dma_start3A_13] : memref<40x128xi32, #tpu.memory_space<vmem>> -> memref<1x128xi32, #tpu.memory_space<vmem>>
    %dma_start3A_15 = tpu.memref_squeeze %dma_start3A_14 : memref<1x128xi32, #tpu.memory_space<vmem>> -> memref<128xi32, #tpu.memory_space<vmem>>
    %dma_start3A_16 = arith.constant 0 : i32
    %dma_start3A_17 = arith.constant 0 : i32
    %dma_start3A_18 = tpu.memref_slice %arg2[%dma_start3A_16, %dma_start3A_17] : memref<10000x128xf32, #tpu.memory_space<hbm>> -> memref<10000x128xf32, #tpu.memory_space<hbm>>
    tpu.enqueue_indirect_dma source(%dma_start3A_18 : memref<10000x128xf32, #tpu.memory_space<hbm>>) target(%arg9 : memref<128x128xf32, #tpu.memory_space<vmem>>) offsets(%dma_start3A_15 : memref<128xi32, #tpu.memory_space<vmem>>) semaphore(%arg12 : memref<!tpu.dma_semaphore, #tpu.memory_space<semaphore_mem>>)
    %dma_start3A_19 = arith.constant 1 : i32
    %dma_start3A_20 = arith.constant 0 : i32
    %dma_start3A_21 = tpu.memref_slice %arg7[%dma_start3A_19, %dma_start3A_20] : memref<40x128xi32, #tpu.memory_space<vmem>> -> memref<1x128xi32, #tpu.memory_space<vmem>>
    %dma_start3A_22 = tpu.memref_squeeze %dma_start3A_21 : memref<1x128xi32, #tpu.memory_space<vmem>> -> memref<128xi32, #tpu.memory_space<vmem>>
    %dma_start3A_23 = arith.constant 0 : i32
    %dma_start3A_24 = arith.constant 0 : i32
    %dma_start3A_25 = tpu.memref_slice %arg2[%dma_start3A_23, %dma_start3A_24] : memref<10000x128xf32, #tpu.memory_space<hbm>> -> memref<10000x128xf32, #tpu.memory_space<hbm>>
    tpu.enqueue_indirect_dma source(%dma_start3A_25 : memref<10000x128xf32, #tpu.memory_space<hbm>>) target(%arg10 : memref<128x128xf32, #tpu.memory_space<vmem>>) offsets(%dma_start3A_22 : memref<128xi32, #tpu.memory_space<vmem>>) semaphore(%arg13 : memref<!tpu.dma_semaphore, #tpu.memory_space<semaphore_mem>>)
    %mul3A_26 = arith.constant 640 : i32
    %mul3A_27 = arith.muli %arg1, %mul3A_26 : i32
    %mul3A_28 = arith.constant 640 : i32
    %mul3A_29 = arith.muli %arg1, %mul3A_28 : i32
    %dma_wait3A = arith.constant 0 : i32
    %dma_wait3A_30 = tpu.memref_slice %arg11[%mul3A_29, %dma_wait3A] : memref<10240x128xf32, #tpu.memory_space<vmem_shared>> -> memref<640x128xf32, #tpu.memory_space<vmem_shared>>
    %dma_wait3A_31 = arith.constant 0 : i32
    %dma_wait3A_32 = tpu.memref_slice %arg5[%mul3A_27, %dma_wait3A_31] : memref<10240x128xf32, #tpu.memory_space<hbm>> -> memref<640x128xf32, #tpu.memory_space<hbm>>
    tpu.wait_dma2 semaphore(%arg14 : memref<!tpu.dma_semaphore, #tpu.memory_space<semaphore_mem>>) src(%dma_wait3A_32 : memref<640x128xf32, #tpu.memory_space<hbm>>) dst(%dma_wait3A_30 : memref<640x128xf32, #tpu.memory_space<vmem_shared>>)
    %barrier3A = arith.constant 0 : index
    tpu.barrier barrier_id(%barrier3A)
    %scan3A = arith.constant 0 : i32
    %scan3A_33 = arith.constant 0 : i32
    %scan3A_34 = arith.constant 19 : i32
    %scan3A_35 = arith.addi %scan3A_33, %scan3A_34 : i32
    %scan3A_36 = arith.constant 1 : i32
    scf.for %scan3A_98 = %scan3A_33 to %scan3A_35 step %scan3A_36  : i32 {
      %mul3A_99 = arith.constant 2 : i32
      %mul3A_100 = arith.muli %scan3A_98, %mul3A_99 : i32
      %dma_wait3A_101 = arith.constant 0 : i32
      %dma_wait3A_102 = tpu.memref_slice %arg7[%mul3A_100, %dma_wait3A_101] : memref<40x128xi32, #tpu.memory_space<vmem>> -> memref<1x128xi32, #tpu.memory_space<vmem>>
      %dma_wait3A_103 = tpu.memref_squeeze %dma_wait3A_102 : memref<1x128xi32, #tpu.memory_space<vmem>> -> memref<128xi32, #tpu.memory_space<vmem>>
      %dma_wait3A_104 = arith.constant 0 : i32
      %dma_wait3A_105 = arith.constant 0 : i32
      %dma_wait3A_106 = tpu.memref_slice %arg2[%dma_wait3A_104, %dma_wait3A_105] : memref<10000x128xf32, #tpu.memory_space<hbm>> -> memref<10000x128xf32, #tpu.memory_space<hbm>>
      tpu.wait_indirect_dma semaphore(%arg12 : memref<!tpu.dma_semaphore, #tpu.memory_space<semaphore_mem>>) src(%dma_wait3A_106 : memref<10000x128xf32, #tpu.memory_space<hbm>>) dst(%arg9 : memref<128x128xf32, #tpu.memory_space<vmem>>)
      "tpu.region"() ({
        %run_scoped3A_133 = tpu.sem_alloc : memref<!tpu.dma_semaphore, #tpu.memory_space<semaphore_mem>>
        %dma_start3A_134 = arith.constant 0 : i32
        %dma_start3A_135 = tpu.memref_slice %arg8[%mul3A_100, %dma_start3A_134] : memref<40x128xi32, #tpu.memory_space<vmem>> -> memref<1x128xi32, #tpu.memory_space<vmem>>
        %dma_start3A_136 = tpu.memref_squeeze %dma_start3A_135 : memref<1x128xi32, #tpu.memory_space<vmem>> -> memref<128xi32, #tpu.memory_space<vmem>>
        %dma_start3A_137 = arith.constant 0 : i32
        %dma_start3A_138 = arith.constant 0 : i32
        %dma_start3A_139 = tpu.memref_slice %arg11[%dma_start3A_137, %dma_start3A_138] : memref<10240x128xf32, #tpu.memory_space<vmem_shared>> -> memref<10240x128xf32, #tpu.memory_space<vmem_shared>>
        tpu.enqueue_indirect_dma source(%arg9 : memref<128x128xf32, #tpu.memory_space<vmem>>) target(%dma_start3A_139 : memref<10240x128xf32, #tpu.memory_space<vmem_shared>>) offsets(%dma_start3A_136 : memref<128xi32, #tpu.memory_space<vmem>>) semaphore(%run_scoped3A_133 : memref<!tpu.dma_semaphore, #tpu.memory_space<semaphore_mem>>) {add = true}
        %dma_wait3A_140 = arith.constant 0 : i32
        %dma_wait3A_141 = tpu.memref_slice %arg8[%mul3A_100, %dma_wait3A_140] : memref<40x128xi32, #tpu.memory_space<vmem>> -> memref<1x128xi32, #tpu.memory_space<vmem>>
        %dma_wait3A_142 = tpu.memref_squeeze %dma_wait3A_141 : memref<1x128xi32, #tpu.memory_space<vmem>> -> memref<128xi32, #tpu.memory_space<vmem>>
        %dma_wait3A_143 = arith.constant 0 : i32
        %dma_wait3A_144 = arith.constant 0 : i32
        %dma_wait3A_145 = tpu.memref_slice %arg11[%dma_wait3A_143, %dma_wait3A_144] : memref<10240x128xf32, #tpu.memory_space<vmem_shared>> -> memref<10240x128xf32, #tpu.memory_space<vmem_shared>>
        tpu.wait_indirect_dma semaphore(%run_scoped3A_133 : memref<!tpu.dma_semaphore, #tpu.memory_space<semaphore_mem>>) src(%arg9 : memref<128x128xf32, #tpu.memory_space<vmem>>) dst(%dma_wait3A_145 : memref<10240x128xf32, #tpu.memory_space<vmem_shared>>)
        tpu.yield
      }) : () -> ()
      %add3A_107 = arith.constant 2 : i32
      %add3A_108 = arith.addi %mul3A_100, %add3A_107 : i32
      %dma_start3A_109 = arith.constant 0 : i32
      %dma_start3A_110 = tpu.memref_slice %arg7[%add3A_108, %dma_start3A_109] : memref<40x128xi32, #tpu.memory_space<vmem>> -> memref<1x128xi32, #tpu.memory_space<vmem>>
      %dma_start3A_111 = tpu.memref_squeeze %dma_start3A_110 : memref<1x128xi32, #tpu.memory_space<vmem>> -> memref<128xi32, #tpu.memory_space<vmem>>
      %dma_start3A_112 = arith.constant 0 : i32
      %dma_start3A_113 = arith.constant 0 : i32
      %dma_start3A_114 = tpu.memref_slice %arg2[%dma_start3A_112, %dma_start3A_113] : memref<10000x128xf32, #tpu.memory_space<hbm>> -> memref<10000x128xf32, #tpu.memory_space<hbm>>
      tpu.enqueue_indirect_dma source(%dma_start3A_114 : memref<10000x128xf32, #tpu.memory_space<hbm>>) target(%arg9 : memref<128x128xf32, #tpu.memory_space<vmem>>) offsets(%dma_start3A_111 : memref<128xi32, #tpu.memory_space<vmem>>) semaphore(%arg12 : memref<!tpu.dma_semaphore, #tpu.memory_space<semaphore_mem>>)
      %add3A_115 = arith.constant 1 : i32
      %add3A_116 = arith.addi %mul3A_100, %add3A_115 : i32
      %dma_wait3A_117 = arith.constant 0 : i32
      %dma_wait3A_118 = tpu.memref_slice %arg7[%add3A_116, %dma_wait3A_117] : memref<40x128xi32, #tpu.memory_space<vmem>> -> memref<1x128xi32, #tpu.memory_space<vmem>>
      %dma_wait3A_119 = tpu.memref_squeeze %dma_wait3A_118 : memref<1x128xi32, #tpu.memory_space<vmem>> -> memref<128xi32, #tpu.memory_space<vmem>>
      %dma_wait3A_120 = arith.constant 0 : i32
      %dma_wait3A_121 = arith.constant 0 : i32
      %dma_wait3A_122 = tpu.memref_slice %arg2[%dma_wait3A_120, %dma_wait3A_121] : memref<10000x128xf32, #tpu.memory_space<hbm>> -> memref<10000x128xf32, #tpu.memory_space<hbm>>
      tpu.wait_indirect_dma semaphore(%arg13 : memref<!tpu.dma_semaphore, #tpu.memory_space<semaphore_mem>>) src(%dma_wait3A_122 : memref<10000x128xf32, #tpu.memory_space<hbm>>) dst(%arg10 : memref<128x128xf32, #tpu.memory_space<vmem>>)
      %add3A_123 = arith.constant 1 : i32
      %add3A_124 = arith.addi %mul3A_100, %add3A_123 : i32
      "tpu.region"() ({
        %run_scoped3A_133 = tpu.sem_alloc : memref<!tpu.dma_semaphore, #tpu.memory_space<semaphore_mem>>
        %dma_start3A_134 = arith.constant 0 : i32
        %dma_start3A_135 = tpu.memref_slice %arg8[%add3A_124, %dma_start3A_134] : memref<40x128xi32, #tpu.memory_space<vmem>> -> memref<1x128xi32, #tpu.memory_space<vmem>>
        %dma_start3A_136 = tpu.memref_squeeze %dma_start3A_135 : memref<1x128xi32, #tpu.memory_space<vmem>> -> memref<128xi32, #tpu.memory_space<vmem>>
        %dma_start3A_137 = arith.constant 0 : i32
        %dma_start3A_138 = arith.constant 0 : i32
        %dma_start3A_139 = tpu.memref_slice %arg11[%dma_start3A_137, %dma_start3A_138] : memref<10240x128xf32, #tpu.memory_space<vmem_shared>> -> memref<10240x128xf32, #tpu.memory_space<vmem_shared>>
        tpu.enqueue_indirect_dma source(%arg10 : memref<128x128xf32, #tpu.memory_space<vmem>>) target(%dma_start3A_139 : memref<10240x128xf32, #tpu.memory_space<vmem_shared>>) offsets(%dma_start3A_136 : memref<128xi32, #tpu.memory_space<vmem>>) semaphore(%run_scoped3A_133 : memref<!tpu.dma_semaphore, #tpu.memory_space<semaphore_mem>>) {add = true}
        %dma_wait3A_140 = arith.constant 0 : i32
        %dma_wait3A_141 = tpu.memref_slice %arg8[%add3A_124, %dma_wait3A_140] : memref<40x128xi32, #tpu.memory_space<vmem>> -> memref<1x128xi32, #tpu.memory_space<vmem>>
        %dma_wait3A_142 = tpu.memref_squeeze %dma_wait3A_141 : memref<1x128xi32, #tpu.memory_space<vmem>> -> memref<128xi32, #tpu.memory_space<vmem>>
        %dma_wait3A_143 = arith.constant 0 : i32
        %dma_wait3A_144 = arith.constant 0 : i32
        %dma_wait3A_145 = tpu.memref_slice %arg11[%dma_wait3A_143, %dma_wait3A_144] : memref<10240x128xf32, #tpu.memory_space<vmem_shared>> -> memref<10240x128xf32, #tpu.memory_space<vmem_shared>>
        tpu.wait_indirect_dma semaphore(%run_scoped3A_133 : memref<!tpu.dma_semaphore, #tpu.memory_space<semaphore_mem>>) src(%arg10 : memref<128x128xf32, #tpu.memory_space<vmem>>) dst(%dma_wait3A_145 : memref<10240x128xf32, #tpu.memory_space<vmem_shared>>)
        tpu.yield
      }) : () -> ()
      %add3A_125 = arith.constant 3 : i32
      %add3A_126 = arith.addi %mul3A_100, %add3A_125 : i32
      %dma_start3A_127 = arith.constant 0 : i32
      %dma_start3A_128 = tpu.memref_slice %arg7[%add3A_126, %dma_start3A_127] : memref<40x128xi32, #tpu.memory_space<vmem>> -> memref<1x128xi32, #tpu.memory_space<vmem>>
      %dma_start3A_129 = tpu.memref_squeeze %dma_start3A_128 : memref<1x128xi32, #tpu.memory_space<vmem>> -> memref<128xi32, #tpu.memory_space<vmem>>
      %dma_start3A_130 = arith.constant 0 : i32
      %dma_start3A_131 = arith.constant 0 : i32
      %dma_start3A_132 = tpu.memref_slice %arg2[%dma_start3A_130, %dma_start3A_131] : memref<10000x128xf32, #tpu.memory_space<hbm>> -> memref<10000x128xf32, #tpu.memory_space<hbm>>
      tpu.enqueue_indirect_dma source(%dma_start3A_132 : memref<10000x128xf32, #tpu.memory_space<hbm>>) target(%arg10 : memref<128x128xf32, #tpu.memory_space<vmem>>) offsets(%dma_start3A_129 : memref<128xi32, #tpu.memory_space<vmem>>) semaphore(%arg13 : memref<!tpu.dma_semaphore, #tpu.memory_space<semaphore_mem>>)
    }
    %scan3A_37 = arith.constant 19 : i32
    %dma_wait3A_38 = arith.constant 38 : i32
    %dma_wait3A_39 = arith.constant 0 : i32
    %dma_wait3A_40 = tpu.memref_slice %arg7[%dma_wait3A_38, %dma_wait3A_39] : memref<40x128xi32, #tpu.memory_space<vmem>> -> memref<1x128xi32, #tpu.memory_space<vmem>>
    %dma_wait3A_41 = tpu.memref_squeeze %dma_wait3A_40 : memref<1x128xi32, #tpu.memory_space<vmem>> -> memref<128xi32, #tpu.memory_space<vmem>>
    %dma_wait3A_42 = arith.constant 0 : i32
    %dma_wait3A_43 = arith.constant 0 : i32
    %dma_wait3A_44 = tpu.memref_slice %arg2[%dma_wait3A_42, %dma_wait3A_43] : memref<10000x128xf32, #tpu.memory_space<hbm>> -> memref<10000x128xf32, #tpu.memory_space<hbm>>
    tpu.wait_indirect_dma semaphore(%arg12 : memref<!tpu.dma_semaphore, #tpu.memory_space<semaphore_mem>>) src(%dma_wait3A_44 : memref<10000x128xf32, #tpu.memory_space<hbm>>) dst(%arg9 : memref<128x128xf32, #tpu.memory_space<vmem>>)
    %run_scoped3A = arith.constant 38 : i32
    "tpu.region"() ({
      %run_scoped3A_98 = tpu.sem_alloc : memref<!tpu.dma_semaphore, #tpu.memory_space<semaphore_mem>>
      %dma_start3A_99 = arith.constant 0 : i32
      %dma_start3A_100 = tpu.memref_slice %arg8[%run_scoped3A, %dma_start3A_99] : memref<40x128xi32, #tpu.memory_space<vmem>> -> memref<1x128xi32, #tpu.memory_space<vmem>>
      %dma_start3A_101 = tpu.memref_squeeze %dma_start3A_100 : memref<1x128xi32, #tpu.memory_space<vmem>> -> memref<128xi32, #tpu.memory_space<vmem>>
      %dma_start3A_102 = arith.constant 0 : i32
      %dma_start3A_103 = arith.constant 0 : i32
      %dma_start3A_104 = tpu.memref_slice %arg11[%dma_start3A_102, %dma_start3A_103] : memref<10240x128xf32, #tpu.memory_space<vmem_shared>> -> memref<10240x128xf32, #tpu.memory_space<vmem_shared>>
      tpu.enqueue_indirect_dma source(%arg9 : memref<128x128xf32, #tpu.memory_space<vmem>>) target(%dma_start3A_104 : memref<10240x128xf32, #tpu.memory_space<vmem_shared>>) offsets(%dma_start3A_101 : memref<128xi32, #tpu.memory_space<vmem>>) semaphore(%run_scoped3A_98 : memref<!tpu.dma_semaphore, #tpu.memory_space<semaphore_mem>>) {add = true}
      %dma_wait3A_105 = arith.constant 0 : i32
      %dma_wait3A_106 = tpu.memref_slice %arg8[%run_scoped3A, %dma_wait3A_105] : memref<40x128xi32, #tpu.memory_space<vmem>> -> memref<1x128xi32, #tpu.memory_space<vmem>>
      %dma_wait3A_107 = tpu.memref_squeeze %dma_wait3A_106 : memref<1x128xi32, #tpu.memory_space<vmem>> -> memref<128xi32, #tpu.memory_space<vmem>>
      %dma_wait3A_108 = arith.constant 0 : i32
      %dma_wait3A_109 = arith.constant 0 : i32
      %dma_wait3A_110 = tpu.memref_slice %arg11[%dma_wait3A_108, %dma_wait3A_109] : memref<10240x128xf32, #tpu.memory_space<vmem_shared>> -> memref<10240x128xf32, #tpu.memory_space<vmem_shared>>
      tpu.wait_indirect_dma semaphore(%run_scoped3A_98 : memref<!tpu.dma_semaphore, #tpu.memory_space<semaphore_mem>>) src(%arg9 : memref<128x128xf32, #tpu.memory_space<vmem>>) dst(%dma_wait3A_110 : memref<10240x128xf32, #tpu.memory_space<vmem_shared>>)
      tpu.yield
    }) : () -> ()
    %dma_wait3A_45 = arith.constant 39 : i32
    %dma_wait3A_46 = arith.constant 0 : i32
    %dma_wait3A_47 = tpu.memref_slice %arg7[%dma_wait3A_45, %dma_wait3A_46] : memref<40x128xi32, #tpu.memory_space<vmem>> -> memref<1x128xi32, #tpu.memory_space<vmem>>
    %dma_wait3A_48 = tpu.memref_squeeze %dma_wait3A_47 : memref<1x128xi32, #tpu.memory_space<vmem>> -> memref<128xi32, #tpu.memory_space<vmem>>
    %dma_wait3A_49 = arith.constant 0 : i32
    %dma_wait3A_50 = arith.constant 0 : i32
    %dma_wait3A_51 = tpu.memref_slice %arg2[%dma_wait3A_49, %dma_wait3A_50] : memref<10000x128xf32, #tpu.memory_space<hbm>> -> memref<10000x128xf32, #tpu.memory_space<hbm>>
    tpu.wait_indirect_dma semaphore(%arg13 : memref<!tpu.dma_semaphore, #tpu.memory_space<semaphore_mem>>) src(%dma_wait3A_51 : memref<10000x128xf32, #tpu.memory_space<hbm>>) dst(%arg10 : memref<128x128xf32, #tpu.memory_space<vmem>>)
    %run_scoped3A_52 = arith.constant 39 : i32
    "tpu.region"() ({
      %run_scoped3A_98 = tpu.sem_alloc : memref<!tpu.dma_semaphore, #tpu.memory_space<semaphore_mem>>
      %dma_start3A_99 = arith.constant 0 : i32
      %dma_start3A_100 = tpu.memref_slice %arg8[%run_scoped3A_52, %dma_start3A_99] : memref<40x128xi32, #tpu.memory_space<vmem>> -> memref<1x128xi32, #tpu.memory_space<vmem>>
      %dma_start3A_101 = tpu.memref_squeeze %dma_start3A_100 : memref<1x128xi32, #tpu.memory_space<vmem>> -> memref<128xi32, #tpu.memory_space<vmem>>
      %dma_start3A_102 = arith.constant 0 : i32
      %dma_start3A_103 = arith.constant 0 : i32
      %dma_start3A_104 = tpu.memref_slice %arg11[%dma_start3A_102, %dma_start3A_103] : memref<10240x128xf32, #tpu.memory_space<vmem_shared>> -> memref<10240x128xf32, #tpu.memory_space<vmem_shared>>
      tpu.enqueue_indirect_dma source(%arg10 : memref<128x128xf32, #tpu.memory_space<vmem>>) target(%dma_start3A_104 : memref<10240x128xf32, #tpu.memory_space<vmem_shared>>) offsets(%dma_start3A_101 : memref<128xi32, #tpu.memory_space<vmem>>) semaphore(%run_scoped3A_98 : memref<!tpu.dma_semaphore, #tpu.memory_space<semaphore_mem>>) {add = true}
      %dma_wait3A_105 = arith.constant 0 : i32
      %dma_wait3A_106 = tpu.memref_slice %arg8[%run_scoped3A_52, %dma_wait3A_105] : memref<40x128xi32, #tpu.memory_space<vmem>> -> memref<1x128xi32, #tpu.memory_space<vmem>>
      %dma_wait3A_107 = tpu.memref_squeeze %dma_wait3A_106 : memref<1x128xi32, #tpu.memory_space<vmem>> -> memref<128xi32, #tpu.memory_space<vmem>>
      %dma_wait3A_108 = arith.constant 0 : i32
      %dma_wait3A_109 = arith.constant 0 : i32
      %dma_wait3A_110 = tpu.memref_slice %arg11[%dma_wait3A_108, %dma_wait3A_109] : memref<10240x128xf32, #tpu.memory_space<vmem_shared>> -> memref<10240x128xf32, #tpu.memory_space<vmem_shared>>
      tpu.wait_indirect_dma semaphore(%run_scoped3A_98 : memref<!tpu.dma_semaphore, #tpu.memory_space<semaphore_mem>>) src(%arg10 : memref<128x128xf32, #tpu.memory_space<vmem>>) dst(%dma_wait3A_110 : memref<10240x128xf32, #tpu.memory_space<vmem_shared>>)
      tpu.yield
    }) : () -> ()
    %mul3A_53 = arith.constant 80 : i32
    %mul3A_54 = arith.muli %add3A, %mul3A_53 : i32
    %add3A_55 = arith.constant 40 : i32
    %add3A_56 = arith.addi %mul3A_54, %add3A_55 : i32
    "tpu.region"() ({
      %run_scoped3A_98 = tpu.sem_alloc : memref<!tpu.dma_semaphore, #tpu.memory_space<semaphore_mem>>
      %dma_start3A_99 = arith.constant 0 : i32
      %dma_start3A_100 = tpu.memref_slice %arg3[%add3A_56, %dma_start3A_99] : memref<2560x128xi32, #tpu.memory_space<hbm>> -> memref<40x128xi32, #tpu.memory_space<hbm>>
      %dma_start3A_101 = arith.constant 0 : i32
      %dma_start3A_102 = tpu.memref_slice %arg3[%add3A_56, %dma_start3A_101] : memref<2560x128xi32, #tpu.memory_space<hbm>> -> memref<40x128xi32, #tpu.memory_space<hbm>>
      tpu.enqueue_dma source(%dma_start3A_102 : memref<40x128xi32, #tpu.memory_space<hbm>>) target(%arg7 : memref<40x128xi32, #tpu.memory_space<vmem>>) target_semaphore(%run_scoped3A_98 : memref<!tpu.dma_semaphore, #tpu.memory_space<semaphore_mem>>)
      %dma_wait3A_103 = arith.constant 0 : i32
      %dma_wait3A_104 = tpu.memref_slice %arg3[%add3A_56, %dma_wait3A_103] : memref<2560x128xi32, #tpu.memory_space<hbm>> -> memref<40x128xi32, #tpu.memory_space<hbm>>
      %dma_wait3A_105 = arith.constant 0 : i32
      %dma_wait3A_106 = tpu.memref_slice %arg3[%add3A_56, %dma_wait3A_105] : memref<2560x128xi32, #tpu.memory_space<hbm>> -> memref<40x128xi32, #tpu.memory_space<hbm>>
      tpu.wait_dma2 semaphore(%run_scoped3A_98 : memref<!tpu.dma_semaphore, #tpu.memory_space<semaphore_mem>>) src(%dma_wait3A_106 : memref<40x128xi32, #tpu.memory_space<hbm>>) dst(%arg7 : memref<40x128xi32, #tpu.memory_space<vmem>>)
      tpu.yield
    }) : () -> ()
    "tpu.region"() ({
      %run_scoped3A_98 = tpu.sem_alloc : memref<!tpu.dma_semaphore, #tpu.memory_space<semaphore_mem>>
      %dma_start3A_99 = arith.constant 0 : i32
      %dma_start3A_100 = tpu.memref_slice %arg4[%add3A_56, %dma_start3A_99] : memref<2560x128xi32, #tpu.memory_space<hbm>> -> memref<40x128xi32, #tpu.memory_space<hbm>>
      %dma_start3A_101 = arith.constant 0 : i32
      %dma_start3A_102 = tpu.memref_slice %arg4[%add3A_56, %dma_start3A_101] : memref<2560x128xi32, #tpu.memory_space<hbm>> -> memref<40x128xi32, #tpu.memory_space<hbm>>
      tpu.enqueue_dma source(%dma_start3A_102 : memref<40x128xi32, #tpu.memory_space<hbm>>) target(%arg8 : memref<40x128xi32, #tpu.memory_space<vmem>>) target_semaphore(%run_scoped3A_98 : memref<!tpu.dma_semaphore, #tpu.memory_space<semaphore_mem>>)
      %dma_wait3A_103 = arith.constant 0 : i32
      %dma_wait3A_104 = tpu.memref_slice %arg4[%add3A_56, %dma_wait3A_103] : memref<2560x128xi32, #tpu.memory_space<hbm>> -> memref<40x128xi32, #tpu.memory_space<hbm>>
      %dma_wait3A_105 = arith.constant 0 : i32
      %dma_wait3A_106 = tpu.memref_slice %arg4[%add3A_56, %dma_wait3A_105] : memref<2560x128xi32, #tpu.memory_space<hbm>> -> memref<40x128xi32, #tpu.memory_space<hbm>>
      tpu.wait_dma2 semaphore(%run_scoped3A_98 : memref<!tpu.dma_semaphore, #tpu.memory_space<semaphore_mem>>) src(%dma_wait3A_106 : memref<40x128xi32, #tpu.memory_space<hbm>>) dst(%arg8 : memref<40x128xi32, #tpu.memory_space<vmem>>)
      tpu.yield
    }) : () -> ()
    %dma_start3A_57 = arith.constant 0 : i32
    %dma_start3A_58 = arith.constant 0 : i32
    %dma_start3A_59 = tpu.memref_slice %arg7[%dma_start3A_57, %dma_start3A_58] : memref<40x128xi32, #tpu.memory_space<vmem>> -> memref<1x128xi32, #tpu.memory_space<vmem>>
    %dma_start3A_60 = tpu.memref_squeeze %dma_start3A_59 : memref<1x128xi32, #tpu.memory_space<vmem>> -> memref<128xi32, #tpu.memory_space<vmem>>
    %dma_start3A_61 = arith.constant 0 : i32
    %dma_start3A_62 = arith.constant 0 : i32
    %dma_start3A_63 = tpu.memref_slice %arg2[%dma_start3A_61, %dma_start3A_62] : memref<10000x128xf32, #tpu.memory_space<hbm>> -> memref<10000x128xf32, #tpu.memory_space<hbm>>
    tpu.enqueue_indirect_dma source(%dma_start3A_63 : memref<10000x128xf32, #tpu.memory_space<hbm>>) target(%arg9 : memref<128x128xf32, #tpu.memory_space<vmem>>) offsets(%dma_start3A_60 : memref<128xi32, #tpu.memory_space<vmem>>) semaphore(%arg12 : memref<!tpu.dma_semaphore, #tpu.memory_space<semaphore_mem>>)
    %dma_start3A_64 = arith.constant 1 : i32
    %dma_start3A_65 = arith.constant 0 : i32
    %dma_start3A_66 = tpu.memref_slice %arg7[%dma_start3A_64, %dma_start3A_65] : memref<40x128xi32, #tpu.memory_space<vmem>> -> memref<1x128xi32, #tpu.memory_space<vmem>>
    %dma_start3A_67 = tpu.memref_squeeze %dma_start3A_66 : memref<1x128xi32, #tpu.memory_space<vmem>> -> memref<128xi32, #tpu.memory_space<vmem>>
    %dma_start3A_68 = arith.constant 0 : i32
    %dma_start3A_69 = arith.constant 0 : i32
    %dma_start3A_70 = tpu.memref_slice %arg2[%dma_start3A_68, %dma_start3A_69] : memref<10000x128xf32, #tpu.memory_space<hbm>> -> memref<10000x128xf32, #tpu.memory_space<hbm>>
    tpu.enqueue_indirect_dma source(%dma_start3A_70 : memref<10000x128xf32, #tpu.memory_space<hbm>>) target(%arg10 : memref<128x128xf32, #tpu.memory_space<vmem>>) offsets(%dma_start3A_67 : memref<128xi32, #tpu.memory_space<vmem>>) semaphore(%arg13 : memref<!tpu.dma_semaphore, #tpu.memory_space<semaphore_mem>>)
    %scan3A_71 = arith.constant 0 : i32
    %scan3A_72 = arith.constant 0 : i32
    %scan3A_73 = arith.constant 19 : i32
    %scan3A_74 = arith.addi %scan3A_72, %scan3A_73 : i32
    %scan3A_75 = arith.constant 1 : i32
    scf.for %scan3A_98 = %scan3A_72 to %scan3A_74 step %scan3A_75  : i32 {
      %mul3A_99 = arith.constant 2 : i32
      %mul3A_100 = arith.muli %scan3A_98, %mul3A_99 : i32
      %dma_wait3A_101 = arith.constant 0 : i32
      %dma_wait3A_102 = tpu.memref_slice %arg7[%mul3A_100, %dma_wait3A_101] : memref<40x128xi32, #tpu.memory_space<vmem>> -> memref<1x128xi32, #tpu.memory_space<vmem>>
      %dma_wait3A_103 = tpu.memref_squeeze %dma_wait3A_102 : memref<1x128xi32, #tpu.memory_space<vmem>> -> memref<128xi32, #tpu.memory_space<vmem>>
      %dma_wait3A_104 = arith.constant 0 : i32
      %dma_wait3A_105 = arith.constant 0 : i32
      %dma_wait3A_106 = tpu.memref_slice %arg2[%dma_wait3A_104, %dma_wait3A_105] : memref<10000x128xf32, #tpu.memory_space<hbm>> -> memref<10000x128xf32, #tpu.memory_space<hbm>>
      tpu.wait_indirect_dma semaphore(%arg12 : memref<!tpu.dma_semaphore, #tpu.memory_space<semaphore_mem>>) src(%dma_wait3A_106 : memref<10000x128xf32, #tpu.memory_space<hbm>>) dst(%arg9 : memref<128x128xf32, #tpu.memory_space<vmem>>)
      "tpu.region"() ({
        %run_scoped3A_133 = tpu.sem_alloc : memref<!tpu.dma_semaphore, #tpu.memory_space<semaphore_mem>>
        %dma_start3A_134 = arith.constant 0 : i32
        %dma_start3A_135 = tpu.memref_slice %arg8[%mul3A_100, %dma_start3A_134] : memref<40x128xi32, #tpu.memory_space<vmem>> -> memref<1x128xi32, #tpu.memory_space<vmem>>
        %dma_start3A_136 = tpu.memref_squeeze %dma_start3A_135 : memref<1x128xi32, #tpu.memory_space<vmem>> -> memref<128xi32, #tpu.memory_space<vmem>>
        %dma_start3A_137 = arith.constant 0 : i32
        %dma_start3A_138 = arith.constant 0 : i32
        %dma_start3A_139 = tpu.memref_slice %arg11[%dma_start3A_137, %dma_start3A_138] : memref<10240x128xf32, #tpu.memory_space<vmem_shared>> -> memref<10240x128xf32, #tpu.memory_space<vmem_shared>>
        tpu.enqueue_indirect_dma source(%arg9 : memref<128x128xf32, #tpu.memory_space<vmem>>) target(%dma_start3A_139 : memref<10240x128xf32, #tpu.memory_space<vmem_shared>>) offsets(%dma_start3A_136 : memref<128xi32, #tpu.memory_space<vmem>>) semaphore(%run_scoped3A_133 : memref<!tpu.dma_semaphore, #tpu.memory_space<semaphore_mem>>) {add = true}
        %dma_wait3A_140 = arith.constant 0 : i32
        %dma_wait3A_141 = tpu.memref_slice %arg8[%mul3A_100, %dma_wait3A_140] : memref<40x128xi32, #tpu.memory_space<vmem>> -> memref<1x128xi32, #tpu.memory_space<vmem>>
        %dma_wait3A_142 = tpu.memref_squeeze %dma_wait3A_141 : memref<1x128xi32, #tpu.memory_space<vmem>> -> memref<128xi32, #tpu.memory_space<vmem>>
        %dma_wait3A_143 = arith.constant 0 : i32
        %dma_wait3A_144 = arith.constant 0 : i32
        %dma_wait3A_145 = tpu.memref_slice %arg11[%dma_wait3A_143, %dma_wait3A_144] : memref<10240x128xf32, #tpu.memory_space<vmem_shared>> -> memref<10240x128xf32, #tpu.memory_space<vmem_shared>>
        tpu.wait_indirect_dma semaphore(%run_scoped3A_133 : memref<!tpu.dma_semaphore, #tpu.memory_space<semaphore_mem>>) src(%arg9 : memref<128x128xf32, #tpu.memory_space<vmem>>) dst(%dma_wait3A_145 : memref<10240x128xf32, #tpu.memory_space<vmem_shared>>)
        tpu.yield
      }) : () -> ()
      %add3A_107 = arith.constant 2 : i32
      %add3A_108 = arith.addi %mul3A_100, %add3A_107 : i32
      %dma_start3A_109 = arith.constant 0 : i32
      %dma_start3A_110 = tpu.memref_slice %arg7[%add3A_108, %dma_start3A_109] : memref<40x128xi32, #tpu.memory_space<vmem>> -> memref<1x128xi32, #tpu.memory_space<vmem>>
      %dma_start3A_111 = tpu.memref_squeeze %dma_start3A_110 : memref<1x128xi32, #tpu.memory_space<vmem>> -> memref<128xi32, #tpu.memory_space<vmem>>
      %dma_start3A_112 = arith.constant 0 : i32
      %dma_start3A_113 = arith.constant 0 : i32
      %dma_start3A_114 = tpu.memref_slice %arg2[%dma_start3A_112, %dma_start3A_113] : memref<10000x128xf32, #tpu.memory_space<hbm>> -> memref<10000x128xf32, #tpu.memory_space<hbm>>
      tpu.enqueue_indirect_dma source(%dma_start3A_114 : memref<10000x128xf32, #tpu.memory_space<hbm>>) target(%arg9 : memref<128x128xf32, #tpu.memory_space<vmem>>) offsets(%dma_start3A_111 : memref<128xi32, #tpu.memory_space<vmem>>) semaphore(%arg12 : memref<!tpu.dma_semaphore, #tpu.memory_space<semaphore_mem>>)
      %add3A_115 = arith.constant 1 : i32
      %add3A_116 = arith.addi %mul3A_100, %add3A_115 : i32
      %dma_wait3A_117 = arith.constant 0 : i32
      %dma_wait3A_118 = tpu.memref_slice %arg7[%add3A_116, %dma_wait3A_117] : memref<40x128xi32, #tpu.memory_space<vmem>> -> memref<1x128xi32, #tpu.memory_space<vmem>>
      %dma_wait3A_119 = tpu.memref_squeeze %dma_wait3A_118 : memref<1x128xi32, #tpu.memory_space<vmem>> -> memref<128xi32, #tpu.memory_space<vmem>>
      %dma_wait3A_120 = arith.constant 0 : i32
      %dma_wait3A_121 = arith.constant 0 : i32
      %dma_wait3A_122 = tpu.memref_slice %arg2[%dma_wait3A_120, %dma_wait3A_121] : memref<10000x128xf32, #tpu.memory_space<hbm>> -> memref<10000x128xf32, #tpu.memory_space<hbm>>
      tpu.wait_indirect_dma semaphore(%arg13 : memref<!tpu.dma_semaphore, #tpu.memory_space<semaphore_mem>>) src(%dma_wait3A_122 : memref<10000x128xf32, #tpu.memory_space<hbm>>) dst(%arg10 : memref<128x128xf32, #tpu.memory_space<vmem>>)
      %add3A_123 = arith.constant 1 : i32
      %add3A_124 = arith.addi %mul3A_100, %add3A_123 : i32
      "tpu.region"() ({
        %run_scoped3A_133 = tpu.sem_alloc : memref<!tpu.dma_semaphore, #tpu.memory_space<semaphore_mem>>
        %dma_start3A_134 = arith.constant 0 : i32
        %dma_start3A_135 = tpu.memref_slice %arg8[%add3A_124, %dma_start3A_134] : memref<40x128xi32, #tpu.memory_space<vmem>> -> memref<1x128xi32, #tpu.memory_space<vmem>>
        %dma_start3A_136 = tpu.memref_squeeze %dma_start3A_135 : memref<1x128xi32, #tpu.memory_space<vmem>> -> memref<128xi32, #tpu.memory_space<vmem>>
        %dma_start3A_137 = arith.constant 0 : i32
        %dma_start3A_138 = arith.constant 0 : i32
        %dma_start3A_139 = tpu.memref_slice %arg11[%dma_start3A_137, %dma_start3A_138] : memref<10240x128xf32, #tpu.memory_space<vmem_shared>> -> memref<10240x128xf32, #tpu.memory_space<vmem_shared>>
        tpu.enqueue_indirect_dma source(%arg10 : memref<128x128xf32, #tpu.memory_space<vmem>>) target(%dma_start3A_139 : memref<10240x128xf32, #tpu.memory_space<vmem_shared>>) offsets(%dma_start3A_136 : memref<128xi32, #tpu.memory_space<vmem>>) semaphore(%run_scoped3A_133 : memref<!tpu.dma_semaphore, #tpu.memory_space<semaphore_mem>>) {add = true}
        %dma_wait3A_140 = arith.constant 0 : i32
        %dma_wait3A_141 = tpu.memref_slice %arg8[%add3A_124, %dma_wait3A_140] : memref<40x128xi32, #tpu.memory_space<vmem>> -> memref<1x128xi32, #tpu.memory_space<vmem>>
        %dma_wait3A_142 = tpu.memref_squeeze %dma_wait3A_141 : memref<1x128xi32, #tpu.memory_space<vmem>> -> memref<128xi32, #tpu.memory_space<vmem>>
        %dma_wait3A_143 = arith.constant 0 : i32
        %dma_wait3A_144 = arith.constant 0 : i32
        %dma_wait3A_145 = tpu.memref_slice %arg11[%dma_wait3A_143, %dma_wait3A_144] : memref<10240x128xf32, #tpu.memory_space<vmem_shared>> -> memref<10240x128xf32, #tpu.memory_space<vmem_shared>>
        tpu.wait_indirect_dma semaphore(%run_scoped3A_133 : memref<!tpu.dma_semaphore, #tpu.memory_space<semaphore_mem>>) src(%arg10 : memref<128x128xf32, #tpu.memory_space<vmem>>) dst(%dma_wait3A_145 : memref<10240x128xf32, #tpu.memory_space<vmem_shared>>)
        tpu.yield
      }) : () -> ()
      %add3A_125 = arith.constant 3 : i32
      %add3A_126 = arith.addi %mul3A_100, %add3A_125 : i32
      %dma_start3A_127 = arith.constant 0 : i32
      %dma_start3A_128 = tpu.memref_slice %arg7[%add3A_126, %dma_start3A_127] : memref<40x128xi32, #tpu.memory_space<vmem>> -> memref<1x128xi32, #tpu.memory_space<vmem>>
      %dma_start3A_129 = tpu.memref_squeeze %dma_start3A_128 : memref<1x128xi32, #tpu.memory_space<vmem>> -> memref<128xi32, #tpu.memory_space<vmem>>
      %dma_start3A_130 = arith.constant 0 : i32
      %dma_start3A_131 = arith.constant 0 : i32
      %dma_start3A_132 = tpu.memref_slice %arg2[%dma_start3A_130, %dma_start3A_131] : memref<10000x128xf32, #tpu.memory_space<hbm>> -> memref<10000x128xf32, #tpu.memory_space<hbm>>
      tpu.enqueue_indirect_dma source(%dma_start3A_132 : memref<10000x128xf32, #tpu.memory_space<hbm>>) target(%arg10 : memref<128x128xf32, #tpu.memory_space<vmem>>) offsets(%dma_start3A_129 : memref<128xi32, #tpu.memory_space<vmem>>) semaphore(%arg13 : memref<!tpu.dma_semaphore, #tpu.memory_space<semaphore_mem>>)
    }
    %scan3A_76 = arith.constant 19 : i32
    %dma_wait3A_77 = arith.constant 38 : i32
    %dma_wait3A_78 = arith.constant 0 : i32
    %dma_wait3A_79 = tpu.memref_slice %arg7[%dma_wait3A_77, %dma_wait3A_78] : memref<40x128xi32, #tpu.memory_space<vmem>> -> memref<1x128xi32, #tpu.memory_space<vmem>>
    %dma_wait3A_80 = tpu.memref_squeeze %dma_wait3A_79 : memref<1x128xi32, #tpu.memory_space<vmem>> -> memref<128xi32, #tpu.memory_space<vmem>>
    %dma_wait3A_81 = arith.constant 0 : i32
    %dma_wait3A_82 = arith.constant 0 : i32
    %dma_wait3A_83 = tpu.memref_slice %arg2[%dma_wait3A_81, %dma_wait3A_82] : memref<10000x128xf32, #tpu.memory_space<hbm>> -> memref<10000x128xf32, #tpu.memory_space<hbm>>
    tpu.wait_indirect_dma semaphore(%arg12 : memref<!tpu.dma_semaphore, #tpu.memory_space<semaphore_mem>>) src(%dma_wait3A_83 : memref<10000x128xf32, #tpu.memory_space<hbm>>) dst(%arg9 : memref<128x128xf32, #tpu.memory_space<vmem>>)
    %run_scoped3A_84 = arith.constant 38 : i32
    "tpu.region"() ({
      %run_scoped3A_98 = tpu.sem_alloc : memref<!tpu.dma_semaphore, #tpu.memory_space<semaphore_mem>>
      %dma_start3A_99 = arith.constant 0 : i32
      %dma_start3A_100 = tpu.memref_slice %arg8[%run_scoped3A_84, %dma_start3A_99] : memref<40x128xi32, #tpu.memory_space<vmem>> -> memref<1x128xi32, #tpu.memory_space<vmem>>
      %dma_start3A_101 = tpu.memref_squeeze %dma_start3A_100 : memref<1x128xi32, #tpu.memory_space<vmem>> -> memref<128xi32, #tpu.memory_space<vmem>>
      %dma_start3A_102 = arith.constant 0 : i32
      %dma_start3A_103 = arith.constant 0 : i32
      %dma_start3A_104 = tpu.memref_slice %arg11[%dma_start3A_102, %dma_start3A_103] : memref<10240x128xf32, #tpu.memory_space<vmem_shared>> -> memref<10240x128xf32, #tpu.memory_space<vmem_shared>>
      tpu.enqueue_indirect_dma source(%arg9 : memref<128x128xf32, #tpu.memory_space<vmem>>) target(%dma_start3A_104 : memref<10240x128xf32, #tpu.memory_space<vmem_shared>>) offsets(%dma_start3A_101 : memref<128xi32, #tpu.memory_space<vmem>>) semaphore(%run_scoped3A_98 : memref<!tpu.dma_semaphore, #tpu.memory_space<semaphore_mem>>) {add = true}
      %dma_wait3A_105 = arith.constant 0 : i32
      %dma_wait3A_106 = tpu.memref_slice %arg8[%run_scoped3A_84, %dma_wait3A_105] : memref<40x128xi32, #tpu.memory_space<vmem>> -> memref<1x128xi32, #tpu.memory_space<vmem>>
      %dma_wait3A_107 = tpu.memref_squeeze %dma_wait3A_106 : memref<1x128xi32, #tpu.memory_space<vmem>> -> memref<128xi32, #tpu.memory_space<vmem>>
      %dma_wait3A_108 = arith.constant 0 : i32
      %dma_wait3A_109 = arith.constant 0 : i32
      %dma_wait3A_110 = tpu.memref_slice %arg11[%dma_wait3A_108, %dma_wait3A_109] : memref<10240x128xf32, #tpu.memory_space<vmem_shared>> -> memref<10240x128xf32, #tpu.memory_space<vmem_shared>>
      tpu.wait_indirect_dma semaphore(%run_scoped3A_98 : memref<!tpu.dma_semaphore, #tpu.memory_space<semaphore_mem>>) src(%arg9 : memref<128x128xf32, #tpu.memory_space<vmem>>) dst(%dma_wait3A_110 : memref<10240x128xf32, #tpu.memory_space<vmem_shared>>)
      tpu.yield
    }) : () -> ()
    %dma_wait3A_85 = arith.constant 39 : i32
    %dma_wait3A_86 = arith.constant 0 : i32
    %dma_wait3A_87 = tpu.memref_slice %arg7[%dma_wait3A_85, %dma_wait3A_86] : memref<40x128xi32, #tpu.memory_space<vmem>> -> memref<1x128xi32, #tpu.memory_space<vmem>>
    %dma_wait3A_88 = tpu.memref_squeeze %dma_wait3A_87 : memref<1x128xi32, #tpu.memory_space<vmem>> -> memref<128xi32, #tpu.memory_space<vmem>>
    %dma_wait3A_89 = arith.constant 0 : i32
    %dma_wait3A_90 = arith.constant 0 : i32
    %dma_wait3A_91 = tpu.memref_slice %arg2[%dma_wait3A_89, %dma_wait3A_90] : memref<10000x128xf32, #tpu.memory_space<hbm>> -> memref<10000x128xf32, #tpu.memory_space<hbm>>
    tpu.wait_indirect_dma semaphore(%arg13 : memref<!tpu.dma_semaphore, #tpu.memory_space<semaphore_mem>>) src(%dma_wait3A_91 : memref<10000x128xf32, #tpu.memory_space<hbm>>) dst(%arg10 : memref<128x128xf32, #tpu.memory_space<vmem>>)
    %run_scoped3A_92 = arith.constant 39 : i32
    "tpu.region"() ({
      %run_scoped3A_98 = tpu.sem_alloc : memref<!tpu.dma_semaphore, #tpu.memory_space<semaphore_mem>>
      %dma_start3A_99 = arith.constant 0 : i32
      %dma_start3A_100 = tpu.memref_slice %arg8[%run_scoped3A_92, %dma_start3A_99] : memref<40x128xi32, #tpu.memory_space<vmem>> -> memref<1x128xi32, #tpu.memory_space<vmem>>
      %dma_start3A_101 = tpu.memref_squeeze %dma_start3A_100 : memref<1x128xi32, #tpu.memory_space<vmem>> -> memref<128xi32, #tpu.memory_space<vmem>>
      %dma_start3A_102 = arith.constant 0 : i32
      %dma_start3A_103 = arith.constant 0 : i32
      %dma_start3A_104 = tpu.memref_slice %arg11[%dma_start3A_102, %dma_start3A_103] : memref<10240x128xf32, #tpu.memory_space<vmem_shared>> -> memref<10240x128xf32, #tpu.memory_space<vmem_shared>>
      tpu.enqueue_indirect_dma source(%arg10 : memref<128x128xf32, #tpu.memory_space<vmem>>) target(%dma_start3A_104 : memref<10240x128xf32, #tpu.memory_space<vmem_shared>>) offsets(%dma_start3A_101 : memref<128xi32, #tpu.memory_space<vmem>>) semaphore(%run_scoped3A_98 : memref<!tpu.dma_semaphore, #tpu.memory_space<semaphore_mem>>) {add = true}
      %dma_wait3A_105 = arith.constant 0 : i32
      %dma_wait3A_106 = tpu.memref_slice %arg8[%run_scoped3A_92, %dma_wait3A_105] : memref<40x128xi32, #tpu.memory_space<vmem>> -> memref<1x128xi32, #tpu.memory_space<vmem>>
      %dma_wait3A_107 = tpu.memref_squeeze %dma_wait3A_106 : memref<1x128xi32, #tpu.memory_space<vmem>> -> memref<128xi32, #tpu.memory_space<vmem>>
      %dma_wait3A_108 = arith.constant 0 : i32
      %dma_wait3A_109 = arith.constant 0 : i32
      %dma_wait3A_110 = tpu.memref_slice %arg11[%dma_wait3A_108, %dma_wait3A_109] : memref<10240x128xf32, #tpu.memory_space<vmem_shared>> -> memref<10240x128xf32, #tpu.memory_space<vmem_shared>>
      tpu.wait_indirect_dma semaphore(%run_scoped3A_98 : memref<!tpu.dma_semaphore, #tpu.memory_space<semaphore_mem>>) src(%arg10 : memref<128x128xf32, #tpu.memory_space<vmem>>) dst(%dma_wait3A_110 : memref<10240x128xf32, #tpu.memory_space<vmem_shared>>)
      tpu.yield
    }) : () -> ()
    %barrier3A_93 = arith.constant 0 : index
    tpu.barrier barrier_id(%barrier3A_93)
    %mul3A_94 = arith.constant 640 : i32
    %mul3A_95 = arith.muli %arg1, %mul3A_94 : i32
    %mul3A_96 = arith.constant 640 : i32
    %mul3A_97 = arith.muli %arg1, %mul3A_96 : i32
    "tpu.region"() ({
      %run_scoped3A_98 = tpu.sem_alloc : memref<!tpu.dma_semaphore, #tpu.memory_space<semaphore_mem>>
      %dma_start3A_99 = arith.constant 0 : i32
      %dma_start3A_100 = tpu.memref_slice %arg6[%arg0, %mul3A_97, %dma_start3A_99] : memref<2x10240x128xf32, #tpu.memory_space<hbm>> -> memref<1x640x128xf32, #tpu.memory_space<hbm>>
      %dma_start3A_101 = tpu.memref_squeeze %dma_start3A_100 : memref<1x640x128xf32, #tpu.memory_space<hbm>> -> memref<640x128xf32, #tpu.memory_space<hbm>>
      %dma_start3A_102 = arith.constant 0 : i32
      %dma_start3A_103 = tpu.memref_slice %arg11[%mul3A_95, %dma_start3A_102] : memref<10240x128xf32, #tpu.memory_space<vmem_shared>> -> memref<640x128xf32, #tpu.memory_space<vmem_shared>>
      tpu.enqueue_dma source(%dma_start3A_103 : memref<640x128xf32, #tpu.memory_space<vmem_shared>>) target(%dma_start3A_101 : memref<640x128xf32, #tpu.memory_space<hbm>>) target_semaphore(%run_scoped3A_98 : memref<!tpu.dma_semaphore, #tpu.memory_space<semaphore_mem>>)
      %dma_wait3A_104 = arith.constant 0 : i32
      %dma_wait3A_105 = tpu.memref_slice %arg6[%arg0, %mul3A_97, %dma_wait3A_104] : memref<2x10240x128xf32, #tpu.memory_space<hbm>> -> memref<1x640x128xf32, #tpu.memory_space<hbm>>
      %dma_wait3A_106 = tpu.memref_squeeze %dma_wait3A_105 : memref<1x640x128xf32, #tpu.memory_space<hbm>> -> memref<640x128xf32, #tpu.memory_space<hbm>>
      %dma_wait3A_107 = arith.constant 0 : i32
      %dma_wait3A_108 = tpu.memref_slice %arg11[%mul3A_95, %dma_wait3A_107] : memref<10240x128xf32, #tpu.memory_space<vmem_shared>> -> memref<640x128xf32, #tpu.memory_space<vmem_shared>>
      tpu.wait_dma2 semaphore(%run_scoped3A_98 : memref<!tpu.dma_semaphore, #tpu.memory_space<semaphore_mem>>) src(%dma_wait3A_108 : memref<640x128xf32, #tpu.memory_space<vmem_shared>>) dst(%dma_wait3A_106 : memref<640x128xf32, #tpu.memory_space<hbm>>)
      tpu.yield
    }) : () -> ()
    return
  }
}

#map = affine_map<(d0, d1) -> (0, 0)>
#map1 = affine_map<(d0, d1) -> (0, 0, 0)>
module attributes {stable_mosaic.version = 14 : i64} {
  func.func @_agg_body(%arg0: i32, %arg1: i32, %arg2: memref<10000x128xf32, #tpu.memory_space<hbm>>, %arg3: memref<2560x128xi32, #tpu.memory_space<hbm>>, %arg4: memref<2560x128xi32, #tpu.memory_space<hbm>>, %arg5: memref<10240x128xf32, #tpu.memory_space<hbm>>, %arg6: memref<2x10240x128xf32, #tpu.memory_space<hbm>>, %arg7: memref<40x128xi32, #tpu.memory_space<vmem>>, %arg8: memref<40x128xi32, #tpu.memory_space<vmem>>, %arg9: memref<128x128xf32, #tpu.memory_space<vmem>>, %arg10: memref<128x128xf32, #tpu.memory_space<vmem>>, %arg11: memref<10240x128xf32, #tpu.memory_space<vmem_shared>>, %arg12: memref<!tpu.dma_semaphore, #tpu.memory_space<semaphore_mem>>, %arg13: memref<!tpu.dma_semaphore, #tpu.memory_space<semaphore_mem>>, %arg14: memref<!tpu.dma_semaphore, #tpu.memory_space<semaphore_mem>>) attributes {dimension_semantics = [#tpu.dimension_semantics<core_parallel>, #tpu.dimension_semantics<subcore_parallel>], iteration_bounds = array<i64: 2, 16>, scalar_prefetch = 0 : i64, scratch_operands = 8 : i64, tpu.core_type = #tpu.core_type<sc_vector_subcore>, window_params = [{transform_indices = #map}, {transform_indices = #map}, {transform_indices = #map}, {transform_indices = #map}, {transform_indices = #map1}]} {
    %mul3A = arith.constant 2 : i32
    %mul3A_0 = arith.muli %arg1, %mul3A : i32
    %add3A = arith.addi %mul3A_0, %arg0 : i32
    %mul3A_1 = arith.constant 640 : i32
    %mul3A_2 = arith.muli %arg1, %mul3A_1 : i32
    %mul3A_3 = arith.constant 640 : i32
    %mul3A_4 = arith.muli %arg1, %mul3A_3 : i32
    %dma_start3A = arith.constant 0 : i32
    %dma_start3A_5 = tpu.memref_slice %arg11[%mul3A_4, %dma_start3A] : memref<10240x128xf32, #tpu.memory_space<vmem_shared>> -> memref<640x128xf32, #tpu.memory_space<vmem_shared>>
    %dma_start3A_6 = arith.constant 0 : i32
    %dma_start3A_7 = tpu.memref_slice %arg5[%mul3A_2, %dma_start3A_6] : memref<10240x128xf32, #tpu.memory_space<hbm>> -> memref<640x128xf32, #tpu.memory_space<hbm>>
    tpu.enqueue_dma source(%dma_start3A_7 : memref<640x128xf32, #tpu.memory_space<hbm>>) target(%dma_start3A_5 : memref<640x128xf32, #tpu.memory_space<vmem_shared>>) target_semaphore(%arg14 : memref<!tpu.dma_semaphore, #tpu.memory_space<semaphore_mem>>)
    %mul3A_8 = arith.constant 80 : i32
    %mul3A_9 = arith.muli %add3A, %mul3A_8 : i32
    %add3A_10 = arith.constant 0 : i32
    %add3A_11 = arith.addi %mul3A_9, %add3A_10 : i32
    "tpu.region"() ({
      %run_scoped3A_98 = tpu.sem_alloc : memref<!tpu.dma_semaphore, #tpu.memory_space<semaphore_mem>>
      %dma_start3A_99 = arith.constant 0 : i32
      %dma_start3A_100 = tpu.memref_slice %arg3[%add3A_11, %dma_start3A_99] : memref<2560x128xi32, #tpu.memory_space<hbm>> -> memref<40x128xi32, #tpu.memory_space<hbm>>
      %dma_start3A_101 = arith.constant 0 : i32
      %dma_start3A_102 = tpu.memref_slice %arg3[%add3A_11, %dma_start3A_101] : memref<2560x128xi32, #tpu.memory_space<hbm>> -> memref<40x128xi32, #tpu.memory_space<hbm>>
      tpu.enqueue_dma source(%dma_start3A_102 : memref<40x128xi32, #tpu.memory_space<hbm>>) target(%arg7 : memref<40x128xi32, #tpu.memory_space<vmem>>) target_semaphore(%run_scoped3A_98 : memref<!tpu.dma_semaphore, #tpu.memory_space<semaphore_mem>>)
      %dma_wait3A_103 = arith.constant 0 : i32
      %dma_wait3A_104 = tpu.memref_slice %arg3[%add3A_11, %dma_wait3A_103] : memref<2560x128xi32, #tpu.memory_space<hbm>> -> memref<40x128xi32, #tpu.memory_space<hbm>>
      %dma_wait3A_105 = arith.constant 0 : i32
      %dma_wait3A_106 = tpu.memref_slice %arg3[%add3A_11, %dma_wait3A_105] : memref<2560x128xi32, #tpu.memory_space<hbm>> -> memref<40x128xi32, #tpu.memory_space<hbm>>
      tpu.wait_dma2 semaphore(%run_scoped3A_98 : memref<!tpu.dma_semaphore, #tpu.memory_space<semaphore_mem>>) src(%dma_wait3A_106 : memref<40x128xi32, #tpu.memory_space<hbm>>) dst(%arg7 : memref<40x128xi32, #tpu.memory_space<vmem>>)
      tpu.yield
    }) : () -> ()
    "tpu.region"() ({
      %run_scoped3A_98 = tpu.sem_alloc : memref<!tpu.dma_semaphore, #tpu.memory_space<semaphore_mem>>
      %dma_start3A_99 = arith.constant 0 : i32
      %dma_start3A_100 = tpu.memref_slice %arg4[%add3A_11, %dma_start3A_99] : memref<2560x128xi32, #tpu.memory_space<hbm>> -> memref<40x128xi32, #tpu.memory_space<hbm>>
      %dma_start3A_101 = arith.constant 0 : i32
      %dma_start3A_102 = tpu.memref_slice %arg4[%add3A_11, %dma_start3A_101] : memref<2560x128xi32, #tpu.memory_space<hbm>> -> memref<40x128xi32, #tpu.memory_space<hbm>>
      tpu.enqueue_dma source(%dma_start3A_102 : memref<40x128xi32, #tpu.memory_space<hbm>>) target(%arg8 : memref<40x128xi32, #tpu.memory_space<vmem>>) target_semaphore(%run_scoped3A_98 : memref<!tpu.dma_semaphore, #tpu.memory_space<semaphore_mem>>)
      %dma_wait3A_103 = arith.constant 0 : i32
      %dma_wait3A_104 = tpu.memref_slice %arg4[%add3A_11, %dma_wait3A_103] : memref<2560x128xi32, #tpu.memory_space<hbm>> -> memref<40x128xi32, #tpu.memory_space<hbm>>
      %dma_wait3A_105 = arith.constant 0 : i32
      %dma_wait3A_106 = tpu.memref_slice %arg4[%add3A_11, %dma_wait3A_105] : memref<2560x128xi32, #tpu.memory_space<hbm>> -> memref<40x128xi32, #tpu.memory_space<hbm>>
      tpu.wait_dma2 semaphore(%run_scoped3A_98 : memref<!tpu.dma_semaphore, #tpu.memory_space<semaphore_mem>>) src(%dma_wait3A_106 : memref<40x128xi32, #tpu.memory_space<hbm>>) dst(%arg8 : memref<40x128xi32, #tpu.memory_space<vmem>>)
      tpu.yield
    }) : () -> ()
    %dma_start3A_12 = arith.constant 0 : i32
    %dma_start3A_13 = arith.constant 0 : i32
    %dma_start3A_14 = tpu.memref_slice %arg7[%dma_start3A_12, %dma_start3A_13] : memref<40x128xi32, #tpu.memory_space<vmem>> -> memref<1x128xi32, #tpu.memory_space<vmem>>
    %dma_start3A_15 = tpu.memref_squeeze %dma_start3A_14 : memref<1x128xi32, #tpu.memory_space<vmem>> -> memref<128xi32, #tpu.memory_space<vmem>>
    %dma_start3A_16 = arith.constant 0 : i32
    %dma_start3A_17 = arith.constant 0 : i32
    %dma_start3A_18 = tpu.memref_slice %arg2[%dma_start3A_16, %dma_start3A_17] : memref<10000x128xf32, #tpu.memory_space<hbm>> -> memref<10000x128xf32, #tpu.memory_space<hbm>>
    tpu.enqueue_indirect_dma source(%dma_start3A_18 : memref<10000x128xf32, #tpu.memory_space<hbm>>) target(%arg9 : memref<128x128xf32, #tpu.memory_space<vmem>>) offsets(%dma_start3A_15 : memref<128xi32, #tpu.memory_space<vmem>>) semaphore(%arg12 : memref<!tpu.dma_semaphore, #tpu.memory_space<semaphore_mem>>)
    %dma_start3A_19 = arith.constant 1 : i32
    %dma_start3A_20 = arith.constant 0 : i32
    %dma_start3A_21 = tpu.memref_slice %arg7[%dma_start3A_19, %dma_start3A_20] : memref<40x128xi32, #tpu.memory_space<vmem>> -> memref<1x128xi32, #tpu.memory_space<vmem>>
    %dma_start3A_22 = tpu.memref_squeeze %dma_start3A_21 : memref<1x128xi32, #tpu.memory_space<vmem>> -> memref<128xi32, #tpu.memory_space<vmem>>
    %dma_start3A_23 = arith.constant 0 : i32
    %dma_start3A_24 = arith.constant 0 : i32
    %dma_start3A_25 = tpu.memref_slice %arg2[%dma_start3A_23, %dma_start3A_24] : memref<10000x128xf32, #tpu.memory_space<hbm>> -> memref<10000x128xf32, #tpu.memory_space<hbm>>
    tpu.enqueue_indirect_dma source(%dma_start3A_25 : memref<10000x128xf32, #tpu.memory_space<hbm>>) target(%arg10 : memref<128x128xf32, #tpu.memory_space<vmem>>) offsets(%dma_start3A_22 : memref<128xi32, #tpu.memory_space<vmem>>) semaphore(%arg13 : memref<!tpu.dma_semaphore, #tpu.memory_space<semaphore_mem>>)
    %mul3A_26 = arith.constant 640 : i32
    %mul3A_27 = arith.muli %arg1, %mul3A_26 : i32
    %mul3A_28 = arith.constant 640 : i32
    %mul3A_29 = arith.muli %arg1, %mul3A_28 : i32
    %dma_wait3A = arith.constant 0 : i32
    %dma_wait3A_30 = tpu.memref_slice %arg11[%mul3A_29, %dma_wait3A] : memref<10240x128xf32, #tpu.memory_space<vmem_shared>> -> memref<640x128xf32, #tpu.memory_space<vmem_shared>>
    %dma_wait3A_31 = arith.constant 0 : i32
    %dma_wait3A_32 = tpu.memref_slice %arg5[%mul3A_27, %dma_wait3A_31] : memref<10240x128xf32, #tpu.memory_space<hbm>> -> memref<640x128xf32, #tpu.memory_space<hbm>>
    tpu.wait_dma2 semaphore(%arg14 : memref<!tpu.dma_semaphore, #tpu.memory_space<semaphore_mem>>) src(%dma_wait3A_32 : memref<640x128xf32, #tpu.memory_space<hbm>>) dst(%dma_wait3A_30 : memref<640x128xf32, #tpu.memory_space<vmem_shared>>)
    %barrier3A = arith.constant 0 : index
    tpu.barrier barrier_id(%barrier3A)
    %scan3A = arith.constant 0 : i32
    %scan3A_33 = arith.constant 0 : i32
    %scan3A_34 = arith.constant 19 : i32
    %scan3A_35 = arith.addi %scan3A_33, %scan3A_34 : i32
    %scan3A_36 = arith.constant 1 : i32
    scf.for %scan3A_98 = %scan3A_33 to %scan3A_35 step %scan3A_36  : i32 {
      %mul3A_99 = arith.constant 2 : i32
      %mul3A_100 = arith.muli %scan3A_98, %mul3A_99 : i32
      %dma_wait3A_101 = arith.constant 0 : i32
      %dma_wait3A_102 = tpu.memref_slice %arg7[%mul3A_100, %dma_wait3A_101] : memref<40x128xi32, #tpu.memory_space<vmem>> -> memref<1x128xi32, #tpu.memory_space<vmem>>
      %dma_wait3A_103 = tpu.memref_squeeze %dma_wait3A_102 : memref<1x128xi32, #tpu.memory_space<vmem>> -> memref<128xi32, #tpu.memory_space<vmem>>
      %dma_wait3A_104 = arith.constant 0 : i32
      %dma_wait3A_105 = arith.constant 0 : i32
      %dma_wait3A_106 = tpu.memref_slice %arg2[%dma_wait3A_104, %dma_wait3A_105] : memref<10000x128xf32, #tpu.memory_space<hbm>> -> memref<10000x128xf32, #tpu.memory_space<hbm>>
      tpu.wait_indirect_dma semaphore(%arg12 : memref<!tpu.dma_semaphore, #tpu.memory_space<semaphore_mem>>) src(%dma_wait3A_106 : memref<10000x128xf32, #tpu.memory_space<hbm>>) dst(%arg9 : memref<128x128xf32, #tpu.memory_space<vmem>>)
      "tpu.region"() ({
        %run_scoped3A_133 = tpu.sem_alloc : memref<!tpu.dma_semaphore, #tpu.memory_space<semaphore_mem>>
        %dma_start3A_134 = arith.constant 0 : i32
        %dma_start3A_135 = tpu.memref_slice %arg8[%mul3A_100, %dma_start3A_134] : memref<40x128xi32, #tpu.memory_space<vmem>> -> memref<1x128xi32, #tpu.memory_space<vmem>>
        %dma_start3A_136 = tpu.memref_squeeze %dma_start3A_135 : memref<1x128xi32, #tpu.memory_space<vmem>> -> memref<128xi32, #tpu.memory_space<vmem>>
        %dma_start3A_137 = arith.constant 0 : i32
        %dma_start3A_138 = arith.constant 0 : i32
        %dma_start3A_139 = tpu.memref_slice %arg11[%dma_start3A_137, %dma_start3A_138] : memref<10240x128xf32, #tpu.memory_space<vmem_shared>> -> memref<10240x128xf32, #tpu.memory_space<vmem_shared>>
        tpu.enqueue_indirect_dma source(%arg9 : memref<128x128xf32, #tpu.memory_space<vmem>>) target(%dma_start3A_139 : memref<10240x128xf32, #tpu.memory_space<vmem_shared>>) offsets(%dma_start3A_136 : memref<128xi32, #tpu.memory_space<vmem>>) semaphore(%run_scoped3A_133 : memref<!tpu.dma_semaphore, #tpu.memory_space<semaphore_mem>>) {add = true}
        %dma_wait3A_140 = arith.constant 0 : i32
        %dma_wait3A_141 = tpu.memref_slice %arg8[%mul3A_100, %dma_wait3A_140] : memref<40x128xi32, #tpu.memory_space<vmem>> -> memref<1x128xi32, #tpu.memory_space<vmem>>
        %dma_wait3A_142 = tpu.memref_squeeze %dma_wait3A_141 : memref<1x128xi32, #tpu.memory_space<vmem>> -> memref<128xi32, #tpu.memory_space<vmem>>
        %dma_wait3A_143 = arith.constant 0 : i32
        %dma_wait3A_144 = arith.constant 0 : i32
        %dma_wait3A_145 = tpu.memref_slice %arg11[%dma_wait3A_143, %dma_wait3A_144] : memref<10240x128xf32, #tpu.memory_space<vmem_shared>> -> memref<10240x128xf32, #tpu.memory_space<vmem_shared>>
        tpu.wait_indirect_dma semaphore(%run_scoped3A_133 : memref<!tpu.dma_semaphore, #tpu.memory_space<semaphore_mem>>) src(%arg9 : memref<128x128xf32, #tpu.memory_space<vmem>>) dst(%dma_wait3A_145 : memref<10240x128xf32, #tpu.memory_space<vmem_shared>>)
        tpu.yield
      }) : () -> ()
      %add3A_107 = arith.constant 2 : i32
      %add3A_108 = arith.addi %mul3A_100, %add3A_107 : i32
      %dma_start3A_109 = arith.constant 0 : i32
      %dma_start3A_110 = tpu.memref_slice %arg7[%add3A_108, %dma_start3A_109] : memref<40x128xi32, #tpu.memory_space<vmem>> -> memref<1x128xi32, #tpu.memory_space<vmem>>
      %dma_start3A_111 = tpu.memref_squeeze %dma_start3A_110 : memref<1x128xi32, #tpu.memory_space<vmem>> -> memref<128xi32, #tpu.memory_space<vmem>>
      %dma_start3A_112 = arith.constant 0 : i32
      %dma_start3A_113 = arith.constant 0 : i32
      %dma_start3A_114 = tpu.memref_slice %arg2[%dma_start3A_112, %dma_start3A_113] : memref<10000x128xf32, #tpu.memory_space<hbm>> -> memref<10000x128xf32, #tpu.memory_space<hbm>>
      tpu.enqueue_indirect_dma source(%dma_start3A_114 : memref<10000x128xf32, #tpu.memory_space<hbm>>) target(%arg9 : memref<128x128xf32, #tpu.memory_space<vmem>>) offsets(%dma_start3A_111 : memref<128xi32, #tpu.memory_space<vmem>>) semaphore(%arg12 : memref<!tpu.dma_semaphore, #tpu.memory_space<semaphore_mem>>)
      %add3A_115 = arith.constant 1 : i32
      %add3A_116 = arith.addi %mul3A_100, %add3A_115 : i32
      %dma_wait3A_117 = arith.constant 0 : i32
      %dma_wait3A_118 = tpu.memref_slice %arg7[%add3A_116, %dma_wait3A_117] : memref<40x128xi32, #tpu.memory_space<vmem>> -> memref<1x128xi32, #tpu.memory_space<vmem>>
      %dma_wait3A_119 = tpu.memref_squeeze %dma_wait3A_118 : memref<1x128xi32, #tpu.memory_space<vmem>> -> memref<128xi32, #tpu.memory_space<vmem>>
      %dma_wait3A_120 = arith.constant 0 : i32
      %dma_wait3A_121 = arith.constant 0 : i32
      %dma_wait3A_122 = tpu.memref_slice %arg2[%dma_wait3A_120, %dma_wait3A_121] : memref<10000x128xf32, #tpu.memory_space<hbm>> -> memref<10000x128xf32, #tpu.memory_space<hbm>>
      tpu.wait_indirect_dma semaphore(%arg13 : memref<!tpu.dma_semaphore, #tpu.memory_space<semaphore_mem>>) src(%dma_wait3A_122 : memref<10000x128xf32, #tpu.memory_space<hbm>>) dst(%arg10 : memref<128x128xf32, #tpu.memory_space<vmem>>)
      %add3A_123 = arith.constant 1 : i32
      %add3A_124 = arith.addi %mul3A_100, %add3A_123 : i32
      "tpu.region"() ({
        %run_scoped3A_133 = tpu.sem_alloc : memref<!tpu.dma_semaphore, #tpu.memory_space<semaphore_mem>>
        %dma_start3A_134 = arith.constant 0 : i32
        %dma_start3A_135 = tpu.memref_slice %arg8[%add3A_124, %dma_start3A_134] : memref<40x128xi32, #tpu.memory_space<vmem>> -> memref<1x128xi32, #tpu.memory_space<vmem>>
        %dma_start3A_136 = tpu.memref_squeeze %dma_start3A_135 : memref<1x128xi32, #tpu.memory_space<vmem>> -> memref<128xi32, #tpu.memory_space<vmem>>
        %dma_start3A_137 = arith.constant 0 : i32
        %dma_start3A_138 = arith.constant 0 : i32
        %dma_start3A_139 = tpu.memref_slice %arg11[%dma_start3A_137, %dma_start3A_138] : memref<10240x128xf32, #tpu.memory_space<vmem_shared>> -> memref<10240x128xf32, #tpu.memory_space<vmem_shared>>
        tpu.enqueue_indirect_dma source(%arg10 : memref<128x128xf32, #tpu.memory_space<vmem>>) target(%dma_start3A_139 : memref<10240x128xf32, #tpu.memory_space<vmem_shared>>) offsets(%dma_start3A_136 : memref<128xi32, #tpu.memory_space<vmem>>) semaphore(%run_scoped3A_133 : memref<!tpu.dma_semaphore, #tpu.memory_space<semaphore_mem>>) {add = true}
        %dma_wait3A_140 = arith.constant 0 : i32
        %dma_wait3A_141 = tpu.memref_slice %arg8[%add3A_124, %dma_wait3A_140] : memref<40x128xi32, #tpu.memory_space<vmem>> -> memref<1x128xi32, #tpu.memory_space<vmem>>
        %dma_wait3A_142 = tpu.memref_squeeze %dma_wait3A_141 : memref<1x128xi32, #tpu.memory_space<vmem>> -> memref<128xi32, #tpu.memory_space<vmem>>
        %dma_wait3A_143 = arith.constant 0 : i32
        %dma_wait3A_144 = arith.constant 0 : i32
        %dma_wait3A_145 = tpu.memref_slice %arg11[%dma_wait3A_143, %dma_wait3A_144] : memref<10240x128xf32, #tpu.memory_space<vmem_shared>> -> memref<10240x128xf32, #tpu.memory_space<vmem_shared>>
        tpu.wait_indirect_dma semaphore(%run_scoped3A_133 : memref<!tpu.dma_semaphore, #tpu.memory_space<semaphore_mem>>) src(%arg10 : memref<128x128xf32, #tpu.memory_space<vmem>>) dst(%dma_wait3A_145 : memref<10240x128xf32, #tpu.memory_space<vmem_shared>>)
        tpu.yield
      }) : () -> ()
      %add3A_125 = arith.constant 3 : i32
      %add3A_126 = arith.addi %mul3A_100, %add3A_125 : i32
      %dma_start3A_127 = arith.constant 0 : i32
      %dma_start3A_128 = tpu.memref_slice %arg7[%add3A_126, %dma_start3A_127] : memref<40x128xi32, #tpu.memory_space<vmem>> -> memref<1x128xi32, #tpu.memory_space<vmem>>
      %dma_start3A_129 = tpu.memref_squeeze %dma_start3A_128 : memref<1x128xi32, #tpu.memory_space<vmem>> -> memref<128xi32, #tpu.memory_space<vmem>>
      %dma_start3A_130 = arith.constant 0 : i32
      %dma_start3A_131 = arith.constant 0 : i32
      %dma_start3A_132 = tpu.memref_slice %arg2[%dma_start3A_130, %dma_start3A_131] : memref<10000x128xf32, #tpu.memory_space<hbm>> -> memref<10000x128xf32, #tpu.memory_space<hbm>>
      tpu.enqueue_indirect_dma source(%dma_start3A_132 : memref<10000x128xf32, #tpu.memory_space<hbm>>) target(%arg10 : memref<128x128xf32, #tpu.memory_space<vmem>>) offsets(%dma_start3A_129 : memref<128xi32, #tpu.memory_space<vmem>>) semaphore(%arg13 : memref<!tpu.dma_semaphore, #tpu.memory_space<semaphore_mem>>)
    }
    %scan3A_37 = arith.constant 19 : i32
    %dma_wait3A_38 = arith.constant 38 : i32
    %dma_wait3A_39 = arith.constant 0 : i32
    %dma_wait3A_40 = tpu.memref_slice %arg7[%dma_wait3A_38, %dma_wait3A_39] : memref<40x128xi32, #tpu.memory_space<vmem>> -> memref<1x128xi32, #tpu.memory_space<vmem>>
    %dma_wait3A_41 = tpu.memref_squeeze %dma_wait3A_40 : memref<1x128xi32, #tpu.memory_space<vmem>> -> memref<128xi32, #tpu.memory_space<vmem>>
    %dma_wait3A_42 = arith.constant 0 : i32
    %dma_wait3A_43 = arith.constant 0 : i32
    %dma_wait3A_44 = tpu.memref_slice %arg2[%dma_wait3A_42, %dma_wait3A_43] : memref<10000x128xf32, #tpu.memory_space<hbm>> -> memref<10000x128xf32, #tpu.memory_space<hbm>>
    tpu.wait_indirect_dma semaphore(%arg12 : memref<!tpu.dma_semaphore, #tpu.memory_space<semaphore_mem>>) src(%dma_wait3A_44 : memref<10000x128xf32, #tpu.memory_space<hbm>>) dst(%arg9 : memref<128x128xf32, #tpu.memory_space<vmem>>)
    %run_scoped3A = arith.constant 38 : i32
    "tpu.region"() ({
      %run_scoped3A_98 = tpu.sem_alloc : memref<!tpu.dma_semaphore, #tpu.memory_space<semaphore_mem>>
      %dma_start3A_99 = arith.constant 0 : i32
      %dma_start3A_100 = tpu.memref_slice %arg8[%run_scoped3A, %dma_start3A_99] : memref<40x128xi32, #tpu.memory_space<vmem>> -> memref<1x128xi32, #tpu.memory_space<vmem>>
      %dma_start3A_101 = tpu.memref_squeeze %dma_start3A_100 : memref<1x128xi32, #tpu.memory_space<vmem>> -> memref<128xi32, #tpu.memory_space<vmem>>
      %dma_start3A_102 = arith.constant 0 : i32
      %dma_start3A_103 = arith.constant 0 : i32
      %dma_start3A_104 = tpu.memref_slice %arg11[%dma_start3A_102, %dma_start3A_103] : memref<10240x128xf32, #tpu.memory_space<vmem_shared>> -> memref<10240x128xf32, #tpu.memory_space<vmem_shared>>
      tpu.enqueue_indirect_dma source(%arg9 : memref<128x128xf32, #tpu.memory_space<vmem>>) target(%dma_start3A_104 : memref<10240x128xf32, #tpu.memory_space<vmem_shared>>) offsets(%dma_start3A_101 : memref<128xi32, #tpu.memory_space<vmem>>) semaphore(%run_scoped3A_98 : memref<!tpu.dma_semaphore, #tpu.memory_space<semaphore_mem>>) {add = true}
      %dma_wait3A_105 = arith.constant 0 : i32
      %dma_wait3A_106 = tpu.memref_slice %arg8[%run_scoped3A, %dma_wait3A_105] : memref<40x128xi32, #tpu.memory_space<vmem>> -> memref<1x128xi32, #tpu.memory_space<vmem>>
      %dma_wait3A_107 = tpu.memref_squeeze %dma_wait3A_106 : memref<1x128xi32, #tpu.memory_space<vmem>> -> memref<128xi32, #tpu.memory_space<vmem>>
      %dma_wait3A_108 = arith.constant 0 : i32
      %dma_wait3A_109 = arith.constant 0 : i32
      %dma_wait3A_110 = tpu.memref_slice %arg11[%dma_wait3A_108, %dma_wait3A_109] : memref<10240x128xf32, #tpu.memory_space<vmem_shared>> -> memref<10240x128xf32, #tpu.memory_space<vmem_shared>>
      tpu.wait_indirect_dma semaphore(%run_scoped3A_98 : memref<!tpu.dma_semaphore, #tpu.memory_space<semaphore_mem>>) src(%arg9 : memref<128x128xf32, #tpu.memory_space<vmem>>) dst(%dma_wait3A_110 : memref<10240x128xf32, #tpu.memory_space<vmem_shared>>)
      tpu.yield
    }) : () -> ()
    %dma_wait3A_45 = arith.constant 39 : i32
    %dma_wait3A_46 = arith.constant 0 : i32
    %dma_wait3A_47 = tpu.memref_slice %arg7[%dma_wait3A_45, %dma_wait3A_46] : memref<40x128xi32, #tpu.memory_space<vmem>> -> memref<1x128xi32, #tpu.memory_space<vmem>>
    %dma_wait3A_48 = tpu.memref_squeeze %dma_wait3A_47 : memref<1x128xi32, #tpu.memory_space<vmem>> -> memref<128xi32, #tpu.memory_space<vmem>>
    %dma_wait3A_49 = arith.constant 0 : i32
    %dma_wait3A_50 = arith.constant 0 : i32
    %dma_wait3A_51 = tpu.memref_slice %arg2[%dma_wait3A_49, %dma_wait3A_50] : memref<10000x128xf32, #tpu.memory_space<hbm>> -> memref<10000x128xf32, #tpu.memory_space<hbm>>
    tpu.wait_indirect_dma semaphore(%arg13 : memref<!tpu.dma_semaphore, #tpu.memory_space<semaphore_mem>>) src(%dma_wait3A_51 : memref<10000x128xf32, #tpu.memory_space<hbm>>) dst(%arg10 : memref<128x128xf32, #tpu.memory_space<vmem>>)
    %run_scoped3A_52 = arith.constant 39 : i32
    "tpu.region"() ({
      %run_scoped3A_98 = tpu.sem_alloc : memref<!tpu.dma_semaphore, #tpu.memory_space<semaphore_mem>>
      %dma_start3A_99 = arith.constant 0 : i32
      %dma_start3A_100 = tpu.memref_slice %arg8[%run_scoped3A_52, %dma_start3A_99] : memref<40x128xi32, #tpu.memory_space<vmem>> -> memref<1x128xi32, #tpu.memory_space<vmem>>
      %dma_start3A_101 = tpu.memref_squeeze %dma_start3A_100 : memref<1x128xi32, #tpu.memory_space<vmem>> -> memref<128xi32, #tpu.memory_space<vmem>>
      %dma_start3A_102 = arith.constant 0 : i32
      %dma_start3A_103 = arith.constant 0 : i32
      %dma_start3A_104 = tpu.memref_slice %arg11[%dma_start3A_102, %dma_start3A_103] : memref<10240x128xf32, #tpu.memory_space<vmem_shared>> -> memref<10240x128xf32, #tpu.memory_space<vmem_shared>>
      tpu.enqueue_indirect_dma source(%arg10 : memref<128x128xf32, #tpu.memory_space<vmem>>) target(%dma_start3A_104 : memref<10240x128xf32, #tpu.memory_space<vmem_shared>>) offsets(%dma_start3A_101 : memref<128xi32, #tpu.memory_space<vmem>>) semaphore(%run_scoped3A_98 : memref<!tpu.dma_semaphore, #tpu.memory_space<semaphore_mem>>) {add = true}
      %dma_wait3A_105 = arith.constant 0 : i32
      %dma_wait3A_106 = tpu.memref_slice %arg8[%run_scoped3A_52, %dma_wait3A_105] : memref<40x128xi32, #tpu.memory_space<vmem>> -> memref<1x128xi32, #tpu.memory_space<vmem>>
      %dma_wait3A_107 = tpu.memref_squeeze %dma_wait3A_106 : memref<1x128xi32, #tpu.memory_space<vmem>> -> memref<128xi32, #tpu.memory_space<vmem>>
      %dma_wait3A_108 = arith.constant 0 : i32
      %dma_wait3A_109 = arith.constant 0 : i32
      %dma_wait3A_110 = tpu.memref_slice %arg11[%dma_wait3A_108, %dma_wait3A_109] : memref<10240x128xf32, #tpu.memory_space<vmem_shared>> -> memref<10240x128xf32, #tpu.memory_space<vmem_shared>>
      tpu.wait_indirect_dma semaphore(%run_scoped3A_98 : memref<!tpu.dma_semaphore, #tpu.memory_space<semaphore_mem>>) src(%arg10 : memref<128x128xf32, #tpu.memory_space<vmem>>) dst(%dma_wait3A_110 : memref<10240x128xf32, #tpu.memory_space<vmem_shared>>)
      tpu.yield
    }) : () -> ()
    %mul3A_53 = arith.constant 80 : i32
    %mul3A_54 = arith.muli %add3A, %mul3A_53 : i32
    %add3A_55 = arith.constant 40 : i32
    %add3A_56 = arith.addi %mul3A_54, %add3A_55 : i32
    "tpu.region"() ({
      %run_scoped3A_98 = tpu.sem_alloc : memref<!tpu.dma_semaphore, #tpu.memory_space<semaphore_mem>>
      %dma_start3A_99 = arith.constant 0 : i32
      %dma_start3A_100 = tpu.memref_slice %arg3[%add3A_56, %dma_start3A_99] : memref<2560x128xi32, #tpu.memory_space<hbm>> -> memref<40x128xi32, #tpu.memory_space<hbm>>
      %dma_start3A_101 = arith.constant 0 : i32
      %dma_start3A_102 = tpu.memref_slice %arg3[%add3A_56, %dma_start3A_101] : memref<2560x128xi32, #tpu.memory_space<hbm>> -> memref<40x128xi32, #tpu.memory_space<hbm>>
      tpu.enqueue_dma source(%dma_start3A_102 : memref<40x128xi32, #tpu.memory_space<hbm>>) target(%arg7 : memref<40x128xi32, #tpu.memory_space<vmem>>) target_semaphore(%run_scoped3A_98 : memref<!tpu.dma_semaphore, #tpu.memory_space<semaphore_mem>>)
      %dma_wait3A_103 = arith.constant 0 : i32
      %dma_wait3A_104 = tpu.memref_slice %arg3[%add3A_56, %dma_wait3A_103] : memref<2560x128xi32, #tpu.memory_space<hbm>> -> memref<40x128xi32, #tpu.memory_space<hbm>>
      %dma_wait3A_105 = arith.constant 0 : i32
      %dma_wait3A_106 = tpu.memref_slice %arg3[%add3A_56, %dma_wait3A_105] : memref<2560x128xi32, #tpu.memory_space<hbm>> -> memref<40x128xi32, #tpu.memory_space<hbm>>
      tpu.wait_dma2 semaphore(%run_scoped3A_98 : memref<!tpu.dma_semaphore, #tpu.memory_space<semaphore_mem>>) src(%dma_wait3A_106 : memref<40x128xi32, #tpu.memory_space<hbm>>) dst(%arg7 : memref<40x128xi32, #tpu.memory_space<vmem>>)
      tpu.yield
    }) : () -> ()
    "tpu.region"() ({
      %run_scoped3A_98 = tpu.sem_alloc : memref<!tpu.dma_semaphore, #tpu.memory_space<semaphore_mem>>
      %dma_start3A_99 = arith.constant 0 : i32
      %dma_start3A_100 = tpu.memref_slice %arg4[%add3A_56, %dma_start3A_99] : memref<2560x128xi32, #tpu.memory_space<hbm>> -> memref<40x128xi32, #tpu.memory_space<hbm>>
      %dma_start3A_101 = arith.constant 0 : i32
      %dma_start3A_102 = tpu.memref_slice %arg4[%add3A_56, %dma_start3A_101] : memref<2560x128xi32, #tpu.memory_space<hbm>> -> memref<40x128xi32, #tpu.memory_space<hbm>>
      tpu.enqueue_dma source(%dma_start3A_102 : memref<40x128xi32, #tpu.memory_space<hbm>>) target(%arg8 : memref<40x128xi32, #tpu.memory_space<vmem>>) target_semaphore(%run_scoped3A_98 : memref<!tpu.dma_semaphore, #tpu.memory_space<semaphore_mem>>)
      %dma_wait3A_103 = arith.constant 0 : i32
      %dma_wait3A_104 = tpu.memref_slice %arg4[%add3A_56, %dma_wait3A_103] : memref<2560x128xi32, #tpu.memory_space<hbm>> -> memref<40x128xi32, #tpu.memory_space<hbm>>
      %dma_wait3A_105 = arith.constant 0 : i32
      %dma_wait3A_106 = tpu.memref_slice %arg4[%add3A_56, %dma_wait3A_105] : memref<2560x128xi32, #tpu.memory_space<hbm>> -> memref<40x128xi32, #tpu.memory_space<hbm>>
      tpu.wait_dma2 semaphore(%run_scoped3A_98 : memref<!tpu.dma_semaphore, #tpu.memory_space<semaphore_mem>>) src(%dma_wait3A_106 : memref<40x128xi32, #tpu.memory_space<hbm>>) dst(%arg8 : memref<40x128xi32, #tpu.memory_space<vmem>>)
      tpu.yield
    }) : () -> ()
    %dma_start3A_57 = arith.constant 0 : i32
    %dma_start3A_58 = arith.constant 0 : i32
    %dma_start3A_59 = tpu.memref_slice %arg7[%dma_start3A_57, %dma_start3A_58] : memref<40x128xi32, #tpu.memory_space<vmem>> -> memref<1x128xi32, #tpu.memory_space<vmem>>
    %dma_start3A_60 = tpu.memref_squeeze %dma_start3A_59 : memref<1x128xi32, #tpu.memory_space<vmem>> -> memref<128xi32, #tpu.memory_space<vmem>>
    %dma_start3A_61 = arith.constant 0 : i32
    %dma_start3A_62 = arith.constant 0 : i32
    %dma_start3A_63 = tpu.memref_slice %arg2[%dma_start3A_61, %dma_start3A_62] : memref<10000x128xf32, #tpu.memory_space<hbm>> -> memref<10000x128xf32, #tpu.memory_space<hbm>>
    tpu.enqueue_indirect_dma source(%dma_start3A_63 : memref<10000x128xf32, #tpu.memory_space<hbm>>) target(%arg9 : memref<128x128xf32, #tpu.memory_space<vmem>>) offsets(%dma_start3A_60 : memref<128xi32, #tpu.memory_space<vmem>>) semaphore(%arg12 : memref<!tpu.dma_semaphore, #tpu.memory_space<semaphore_mem>>)
    %dma_start3A_64 = arith.constant 1 : i32
    %dma_start3A_65 = arith.constant 0 : i32
    %dma_start3A_66 = tpu.memref_slice %arg7[%dma_start3A_64, %dma_start3A_65] : memref<40x128xi32, #tpu.memory_space<vmem>> -> memref<1x128xi32, #tpu.memory_space<vmem>>
    %dma_start3A_67 = tpu.memref_squeeze %dma_start3A_66 : memref<1x128xi32, #tpu.memory_space<vmem>> -> memref<128xi32, #tpu.memory_space<vmem>>
    %dma_start3A_68 = arith.constant 0 : i32
    %dma_start3A_69 = arith.constant 0 : i32
    %dma_start3A_70 = tpu.memref_slice %arg2[%dma_start3A_68, %dma_start3A_69] : memref<10000x128xf32, #tpu.memory_space<hbm>> -> memref<10000x128xf32, #tpu.memory_space<hbm>>
    tpu.enqueue_indirect_dma source(%dma_start3A_70 : memref<10000x128xf32, #tpu.memory_space<hbm>>) target(%arg10 : memref<128x128xf32, #tpu.memory_space<vmem>>) offsets(%dma_start3A_67 : memref<128xi32, #tpu.memory_space<vmem>>) semaphore(%arg13 : memref<!tpu.dma_semaphore, #tpu.memory_space<semaphore_mem>>)
    %scan3A_71 = arith.constant 0 : i32
    %scan3A_72 = arith.constant 0 : i32
    %scan3A_73 = arith.constant 19 : i32
    %scan3A_74 = arith.addi %scan3A_72, %scan3A_73 : i32
    %scan3A_75 = arith.constant 1 : i32
    scf.for %scan3A_98 = %scan3A_72 to %scan3A_74 step %scan3A_75  : i32 {
      %mul3A_99 = arith.constant 2 : i32
      %mul3A_100 = arith.muli %scan3A_98, %mul3A_99 : i32
      %dma_wait3A_101 = arith.constant 0 : i32
      %dma_wait3A_102 = tpu.memref_slice %arg7[%mul3A_100, %dma_wait3A_101] : memref<40x128xi32, #tpu.memory_space<vmem>> -> memref<1x128xi32, #tpu.memory_space<vmem>>
      %dma_wait3A_103 = tpu.memref_squeeze %dma_wait3A_102 : memref<1x128xi32, #tpu.memory_space<vmem>> -> memref<128xi32, #tpu.memory_space<vmem>>
      %dma_wait3A_104 = arith.constant 0 : i32
      %dma_wait3A_105 = arith.constant 0 : i32
      %dma_wait3A_106 = tpu.memref_slice %arg2[%dma_wait3A_104, %dma_wait3A_105] : memref<10000x128xf32, #tpu.memory_space<hbm>> -> memref<10000x128xf32, #tpu.memory_space<hbm>>
      tpu.wait_indirect_dma semaphore(%arg12 : memref<!tpu.dma_semaphore, #tpu.memory_space<semaphore_mem>>) src(%dma_wait3A_106 : memref<10000x128xf32, #tpu.memory_space<hbm>>) dst(%arg9 : memref<128x128xf32, #tpu.memory_space<vmem>>)
      "tpu.region"() ({
        %run_scoped3A_133 = tpu.sem_alloc : memref<!tpu.dma_semaphore, #tpu.memory_space<semaphore_mem>>
        %dma_start3A_134 = arith.constant 0 : i32
        %dma_start3A_135 = tpu.memref_slice %arg8[%mul3A_100, %dma_start3A_134] : memref<40x128xi32, #tpu.memory_space<vmem>> -> memref<1x128xi32, #tpu.memory_space<vmem>>
        %dma_start3A_136 = tpu.memref_squeeze %dma_start3A_135 : memref<1x128xi32, #tpu.memory_space<vmem>> -> memref<128xi32, #tpu.memory_space<vmem>>
        %dma_start3A_137 = arith.constant 0 : i32
        %dma_start3A_138 = arith.constant 0 : i32
        %dma_start3A_139 = tpu.memref_slice %arg11[%dma_start3A_137, %dma_start3A_138] : memref<10240x128xf32, #tpu.memory_space<vmem_shared>> -> memref<10240x128xf32, #tpu.memory_space<vmem_shared>>
        tpu.enqueue_indirect_dma source(%arg9 : memref<128x128xf32, #tpu.memory_space<vmem>>) target(%dma_start3A_139 : memref<10240x128xf32, #tpu.memory_space<vmem_shared>>) offsets(%dma_start3A_136 : memref<128xi32, #tpu.memory_space<vmem>>) semaphore(%run_scoped3A_133 : memref<!tpu.dma_semaphore, #tpu.memory_space<semaphore_mem>>) {add = true}
        %dma_wait3A_140 = arith.constant 0 : i32
        %dma_wait3A_141 = tpu.memref_slice %arg8[%mul3A_100, %dma_wait3A_140] : memref<40x128xi32, #tpu.memory_space<vmem>> -> memref<1x128xi32, #tpu.memory_space<vmem>>
        %dma_wait3A_142 = tpu.memref_squeeze %dma_wait3A_141 : memref<1x128xi32, #tpu.memory_space<vmem>> -> memref<128xi32, #tpu.memory_space<vmem>>
        %dma_wait3A_143 = arith.constant 0 : i32
        %dma_wait3A_144 = arith.constant 0 : i32
        %dma_wait3A_145 = tpu.memref_slice %arg11[%dma_wait3A_143, %dma_wait3A_144] : memref<10240x128xf32, #tpu.memory_space<vmem_shared>> -> memref<10240x128xf32, #tpu.memory_space<vmem_shared>>
        tpu.wait_indirect_dma semaphore(%run_scoped3A_133 : memref<!tpu.dma_semaphore, #tpu.memory_space<semaphore_mem>>) src(%arg9 : memref<128x128xf32, #tpu.memory_space<vmem>>) dst(%dma_wait3A_145 : memref<10240x128xf32, #tpu.memory_space<vmem_shared>>)
        tpu.yield
      }) : () -> ()
      %add3A_107 = arith.constant 2 : i32
      %add3A_108 = arith.addi %mul3A_100, %add3A_107 : i32
      %dma_start3A_109 = arith.constant 0 : i32
      %dma_start3A_110 = tpu.memref_slice %arg7[%add3A_108, %dma_start3A_109] : memref<40x128xi32, #tpu.memory_space<vmem>> -> memref<1x128xi32, #tpu.memory_space<vmem>>
      %dma_start3A_111 = tpu.memref_squeeze %dma_start3A_110 : memref<1x128xi32, #tpu.memory_space<vmem>> -> memref<128xi32, #tpu.memory_space<vmem>>
      %dma_start3A_112 = arith.constant 0 : i32
      %dma_start3A_113 = arith.constant 0 : i32
      %dma_start3A_114 = tpu.memref_slice %arg2[%dma_start3A_112, %dma_start3A_113] : memref<10000x128xf32, #tpu.memory_space<hbm>> -> memref<10000x128xf32, #tpu.memory_space<hbm>>
      tpu.enqueue_indirect_dma source(%dma_start3A_114 : memref<10000x128xf32, #tpu.memory_space<hbm>>) target(%arg9 : memref<128x128xf32, #tpu.memory_space<vmem>>) offsets(%dma_start3A_111 : memref<128xi32, #tpu.memory_space<vmem>>) semaphore(%arg12 : memref<!tpu.dma_semaphore, #tpu.memory_space<semaphore_mem>>)
      %add3A_115 = arith.constant 1 : i32
      %add3A_116 = arith.addi %mul3A_100, %add3A_115 : i32
      %dma_wait3A_117 = arith.constant 0 : i32
      %dma_wait3A_118 = tpu.memref_slice %arg7[%add3A_116, %dma_wait3A_117] : memref<40x128xi32, #tpu.memory_space<vmem>> -> memref<1x128xi32, #tpu.memory_space<vmem>>
      %dma_wait3A_119 = tpu.memref_squeeze %dma_wait3A_118 : memref<1x128xi32, #tpu.memory_space<vmem>> -> memref<128xi32, #tpu.memory_space<vmem>>
      %dma_wait3A_120 = arith.constant 0 : i32
      %dma_wait3A_121 = arith.constant 0 : i32
      %dma_wait3A_122 = tpu.memref_slice %arg2[%dma_wait3A_120, %dma_wait3A_121] : memref<10000x128xf32, #tpu.memory_space<hbm>> -> memref<10000x128xf32, #tpu.memory_space<hbm>>
      tpu.wait_indirect_dma semaphore(%arg13 : memref<!tpu.dma_semaphore, #tpu.memory_space<semaphore_mem>>) src(%dma_wait3A_122 : memref<10000x128xf32, #tpu.memory_space<hbm>>) dst(%arg10 : memref<128x128xf32, #tpu.memory_space<vmem>>)
      %add3A_123 = arith.constant 1 : i32
      %add3A_124 = arith.addi %mul3A_100, %add3A_123 : i32
      "tpu.region"() ({
        %run_scoped3A_133 = tpu.sem_alloc : memref<!tpu.dma_semaphore, #tpu.memory_space<semaphore_mem>>
        %dma_start3A_134 = arith.constant 0 : i32
        %dma_start3A_135 = tpu.memref_slice %arg8[%add3A_124, %dma_start3A_134] : memref<40x128xi32, #tpu.memory_space<vmem>> -> memref<1x128xi32, #tpu.memory_space<vmem>>
        %dma_start3A_136 = tpu.memref_squeeze %dma_start3A_135 : memref<1x128xi32, #tpu.memory_space<vmem>> -> memref<128xi32, #tpu.memory_space<vmem>>
        %dma_start3A_137 = arith.constant 0 : i32
        %dma_start3A_138 = arith.constant 0 : i32
        %dma_start3A_139 = tpu.memref_slice %arg11[%dma_start3A_137, %dma_start3A_138] : memref<10240x128xf32, #tpu.memory_space<vmem_shared>> -> memref<10240x128xf32, #tpu.memory_space<vmem_shared>>
        tpu.enqueue_indirect_dma source(%arg10 : memref<128x128xf32, #tpu.memory_space<vmem>>) target(%dma_start3A_139 : memref<10240x128xf32, #tpu.memory_space<vmem_shared>>) offsets(%dma_start3A_136 : memref<128xi32, #tpu.memory_space<vmem>>) semaphore(%run_scoped3A_133 : memref<!tpu.dma_semaphore, #tpu.memory_space<semaphore_mem>>) {add = true}
        %dma_wait3A_140 = arith.constant 0 : i32
        %dma_wait3A_141 = tpu.memref_slice %arg8[%add3A_124, %dma_wait3A_140] : memref<40x128xi32, #tpu.memory_space<vmem>> -> memref<1x128xi32, #tpu.memory_space<vmem>>
        %dma_wait3A_142 = tpu.memref_squeeze %dma_wait3A_141 : memref<1x128xi32, #tpu.memory_space<vmem>> -> memref<128xi32, #tpu.memory_space<vmem>>
        %dma_wait3A_143 = arith.constant 0 : i32
        %dma_wait3A_144 = arith.constant 0 : i32
        %dma_wait3A_145 = tpu.memref_slice %arg11[%dma_wait3A_143, %dma_wait3A_144] : memref<10240x128xf32, #tpu.memory_space<vmem_shared>> -> memref<10240x128xf32, #tpu.memory_space<vmem_shared>>
        tpu.wait_indirect_dma semaphore(%run_scoped3A_133 : memref<!tpu.dma_semaphore, #tpu.memory_space<semaphore_mem>>) src(%arg10 : memref<128x128xf32, #tpu.memory_space<vmem>>) dst(%dma_wait3A_145 : memref<10240x128xf32, #tpu.memory_space<vmem_shared>>)
        tpu.yield
      }) : () -> ()
      %add3A_125 = arith.constant 3 : i32
      %add3A_126 = arith.addi %mul3A_100, %add3A_125 : i32
      %dma_start3A_127 = arith.constant 0 : i32
      %dma_start3A_128 = tpu.memref_slice %arg7[%add3A_126, %dma_start3A_127] : memref<40x128xi32, #tpu.memory_space<vmem>> -> memref<1x128xi32, #tpu.memory_space<vmem>>
      %dma_start3A_129 = tpu.memref_squeeze %dma_start3A_128 : memref<1x128xi32, #tpu.memory_space<vmem>> -> memref<128xi32, #tpu.memory_space<vmem>>
      %dma_start3A_130 = arith.constant 0 : i32
      %dma_start3A_131 = arith.constant 0 : i32
      %dma_start3A_132 = tpu.memref_slice %arg2[%dma_start3A_130, %dma_start3A_131] : memref<10000x128xf32, #tpu.memory_space<hbm>> -> memref<10000x128xf32, #tpu.memory_space<hbm>>
      tpu.enqueue_indirect_dma source(%dma_start3A_132 : memref<10000x128xf32, #tpu.memory_space<hbm>>) target(%arg10 : memref<128x128xf32, #tpu.memory_space<vmem>>) offsets(%dma_start3A_129 : memref<128xi32, #tpu.memory_space<vmem>>) semaphore(%arg13 : memref<!tpu.dma_semaphore, #tpu.memory_space<semaphore_mem>>)
    }
    %scan3A_76 = arith.constant 19 : i32
    %dma_wait3A_77 = arith.constant 38 : i32
    %dma_wait3A_78 = arith.constant 0 : i32
    %dma_wait3A_79 = tpu.memref_slice %arg7[%dma_wait3A_77, %dma_wait3A_78] : memref<40x128xi32, #tpu.memory_space<vmem>> -> memref<1x128xi32, #tpu.memory_space<vmem>>
    %dma_wait3A_80 = tpu.memref_squeeze %dma_wait3A_79 : memref<1x128xi32, #tpu.memory_space<vmem>> -> memref<128xi32, #tpu.memory_space<vmem>>
    %dma_wait3A_81 = arith.constant 0 : i32
    %dma_wait3A_82 = arith.constant 0 : i32
    %dma_wait3A_83 = tpu.memref_slice %arg2[%dma_wait3A_81, %dma_wait3A_82] : memref<10000x128xf32, #tpu.memory_space<hbm>> -> memref<10000x128xf32, #tpu.memory_space<hbm>>
    tpu.wait_indirect_dma semaphore(%arg12 : memref<!tpu.dma_semaphore, #tpu.memory_space<semaphore_mem>>) src(%dma_wait3A_83 : memref<10000x128xf32, #tpu.memory_space<hbm>>) dst(%arg9 : memref<128x128xf32, #tpu.memory_space<vmem>>)
    %run_scoped3A_84 = arith.constant 38 : i32
    "tpu.region"() ({
      %run_scoped3A_98 = tpu.sem_alloc : memref<!tpu.dma_semaphore, #tpu.memory_space<semaphore_mem>>
      %dma_start3A_99 = arith.constant 0 : i32
      %dma_start3A_100 = tpu.memref_slice %arg8[%run_scoped3A_84, %dma_start3A_99] : memref<40x128xi32, #tpu.memory_space<vmem>> -> memref<1x128xi32, #tpu.memory_space<vmem>>
      %dma_start3A_101 = tpu.memref_squeeze %dma_start3A_100 : memref<1x128xi32, #tpu.memory_space<vmem>> -> memref<128xi32, #tpu.memory_space<vmem>>
      %dma_start3A_102 = arith.constant 0 : i32
      %dma_start3A_103 = arith.constant 0 : i32
      %dma_start3A_104 = tpu.memref_slice %arg11[%dma_start3A_102, %dma_start3A_103] : memref<10240x128xf32, #tpu.memory_space<vmem_shared>> -> memref<10240x128xf32, #tpu.memory_space<vmem_shared>>
      tpu.enqueue_indirect_dma source(%arg9 : memref<128x128xf32, #tpu.memory_space<vmem>>) target(%dma_start3A_104 : memref<10240x128xf32, #tpu.memory_space<vmem_shared>>) offsets(%dma_start3A_101 : memref<128xi32, #tpu.memory_space<vmem>>) semaphore(%run_scoped3A_98 : memref<!tpu.dma_semaphore, #tpu.memory_space<semaphore_mem>>) {add = true}
      %dma_wait3A_105 = arith.constant 0 : i32
      %dma_wait3A_106 = tpu.memref_slice %arg8[%run_scoped3A_84, %dma_wait3A_105] : memref<40x128xi32, #tpu.memory_space<vmem>> -> memref<1x128xi32, #tpu.memory_space<vmem>>
      %dma_wait3A_107 = tpu.memref_squeeze %dma_wait3A_106 : memref<1x128xi32, #tpu.memory_space<vmem>> -> memref<128xi32, #tpu.memory_space<vmem>>
      %dma_wait3A_108 = arith.constant 0 : i32
      %dma_wait3A_109 = arith.constant 0 : i32
      %dma_wait3A_110 = tpu.memref_slice %arg11[%dma_wait3A_108, %dma_wait3A_109] : memref<10240x128xf32, #tpu.memory_space<vmem_shared>> -> memref<10240x128xf32, #tpu.memory_space<vmem_shared>>
      tpu.wait_indirect_dma semaphore(%run_scoped3A_98 : memref<!tpu.dma_semaphore, #tpu.memory_space<semaphore_mem>>) src(%arg9 : memref<128x128xf32, #tpu.memory_space<vmem>>) dst(%dma_wait3A_110 : memref<10240x128xf32, #tpu.memory_space<vmem_shared>>)
      tpu.yield
    }) : () -> ()
    %dma_wait3A_85 = arith.constant 39 : i32
    %dma_wait3A_86 = arith.constant 0 : i32
    %dma_wait3A_87 = tpu.memref_slice %arg7[%dma_wait3A_85, %dma_wait3A_86] : memref<40x128xi32, #tpu.memory_space<vmem>> -> memref<1x128xi32, #tpu.memory_space<vmem>>
    %dma_wait3A_88 = tpu.memref_squeeze %dma_wait3A_87 : memref<1x128xi32, #tpu.memory_space<vmem>> -> memref<128xi32, #tpu.memory_space<vmem>>
    %dma_wait3A_89 = arith.constant 0 : i32
    %dma_wait3A_90 = arith.constant 0 : i32
    %dma_wait3A_91 = tpu.memref_slice %arg2[%dma_wait3A_89, %dma_wait3A_90] : memref<10000x128xf32, #tpu.memory_space<hbm>> -> memref<10000x128xf32, #tpu.memory_space<hbm>>
    tpu.wait_indirect_dma semaphore(%arg13 : memref<!tpu.dma_semaphore, #tpu.memory_space<semaphore_mem>>) src(%dma_wait3A_91 : memref<10000x128xf32, #tpu.memory_space<hbm>>) dst(%arg10 : memref<128x128xf32, #tpu.memory_space<vmem>>)
    %run_scoped3A_92 = arith.constant 39 : i32
    "tpu.region"() ({
      %run_scoped3A_98 = tpu.sem_alloc : memref<!tpu.dma_semaphore, #tpu.memory_space<semaphore_mem>>
      %dma_start3A_99 = arith.constant 0 : i32
      %dma_start3A_100 = tpu.memref_slice %arg8[%run_scoped3A_92, %dma_start3A_99] : memref<40x128xi32, #tpu.memory_space<vmem>> -> memref<1x128xi32, #tpu.memory_space<vmem>>
      %dma_start3A_101 = tpu.memref_squeeze %dma_start3A_100 : memref<1x128xi32, #tpu.memory_space<vmem>> -> memref<128xi32, #tpu.memory_space<vmem>>
      %dma_start3A_102 = arith.constant 0 : i32
      %dma_start3A_103 = arith.constant 0 : i32
      %dma_start3A_104 = tpu.memref_slice %arg11[%dma_start3A_102, %dma_start3A_103] : memref<10240x128xf32, #tpu.memory_space<vmem_shared>> -> memref<10240x128xf32, #tpu.memory_space<vmem_shared>>
      tpu.enqueue_indirect_dma source(%arg10 : memref<128x128xf32, #tpu.memory_space<vmem>>) target(%dma_start3A_104 : memref<10240x128xf32, #tpu.memory_space<vmem_shared>>) offsets(%dma_start3A_101 : memref<128xi32, #tpu.memory_space<vmem>>) semaphore(%run_scoped3A_98 : memref<!tpu.dma_semaphore, #tpu.memory_space<semaphore_mem>>) {add = true}
      %dma_wait3A_105 = arith.constant 0 : i32
      %dma_wait3A_106 = tpu.memref_slice %arg8[%run_scoped3A_92, %dma_wait3A_105] : memref<40x128xi32, #tpu.memory_space<vmem>> -> memref<1x128xi32, #tpu.memory_space<vmem>>
      %dma_wait3A_107 = tpu.memref_squeeze %dma_wait3A_106 : memref<1x128xi32, #tpu.memory_space<vmem>> -> memref<128xi32, #tpu.memory_space<vmem>>
      %dma_wait3A_108 = arith.constant 0 : i32
      %dma_wait3A_109 = arith.constant 0 : i32
      %dma_wait3A_110 = tpu.memref_slice %arg11[%dma_wait3A_108, %dma_wait3A_109] : memref<10240x128xf32, #tpu.memory_space<vmem_shared>> -> memref<10240x128xf32, #tpu.memory_space<vmem_shared>>
      tpu.wait_indirect_dma semaphore(%run_scoped3A_98 : memref<!tpu.dma_semaphore, #tpu.memory_space<semaphore_mem>>) src(%arg10 : memref<128x128xf32, #tpu.memory_space<vmem>>) dst(%dma_wait3A_110 : memref<10240x128xf32, #tpu.memory_space<vmem_shared>>)
      tpu.yield
    }) : () -> ()
    %barrier3A_93 = arith.constant 0 : index
    tpu.barrier barrier_id(%barrier3A_93)
    %mul3A_94 = arith.constant 640 : i32
    %mul3A_95 = arith.muli %arg1, %mul3A_94 : i32
    %mul3A_96 = arith.constant 640 : i32
    %mul3A_97 = arith.muli %arg1, %mul3A_96 : i32
    "tpu.region"() ({
      %run_scoped3A_98 = tpu.sem_alloc : memref<!tpu.dma_semaphore, #tpu.memory_space<semaphore_mem>>
      %dma_start3A_99 = arith.constant 0 : i32
      %dma_start3A_100 = tpu.memref_slice %arg6[%arg0, %mul3A_97, %dma_start3A_99] : memref<2x10240x128xf32, #tpu.memory_space<hbm>> -> memref<1x640x128xf32, #tpu.memory_space<hbm>>
      %dma_start3A_101 = tpu.memref_squeeze %dma_start3A_100 : memref<1x640x128xf32, #tpu.memory_space<hbm>> -> memref<640x128xf32, #tpu.memory_space<hbm>>
      %dma_start3A_102 = arith.constant 0 : i32
      %dma_start3A_103 = tpu.memref_slice %arg11[%mul3A_95, %dma_start3A_102] : memref<10240x128xf32, #tpu.memory_space<vmem_shared>> -> memref<640x128xf32, #tpu.memory_space<vmem_shared>>
      tpu.enqueue_dma source(%dma_start3A_103 : memref<640x128xf32, #tpu.memory_space<vmem_shared>>) target(%dma_start3A_101 : memref<640x128xf32, #tpu.memory_space<hbm>>) target_semaphore(%run_scoped3A_98 : memref<!tpu.dma_semaphore, #tpu.memory_space<semaphore_mem>>)
      %dma_wait3A_104 = arith.constant 0 : i32
      %dma_wait3A_105 = tpu.memref_slice %arg6[%arg0, %mul3A_97, %dma_wait3A_104] : memref<2x10240x128xf32, #tpu.memory_space<hbm>> -> memref<1x640x128xf32, #tpu.memory_space<hbm>>
      %dma_wait3A_106 = tpu.memref_squeeze %dma_wait3A_105 : memref<1x640x128xf32, #tpu.memory_space<hbm>> -> memref<640x128xf32, #tpu.memory_space<hbm>>
      %dma_wait3A_107 = arith.constant 0 : i32
      %dma_wait3A_108 = tpu.memref_slice %arg11[%mul3A_95, %dma_wait3A_107] : memref<10240x128xf32, #tpu.memory_space<vmem_shared>> -> memref<640x128xf32, #tpu.memory_space<vmem_shared>>
      tpu.wait_dma2 semaphore(%run_scoped3A_98 : memref<!tpu.dma_semaphore, #tpu.memory_space<semaphore_mem>>) src(%dma_wait3A_108 : memref<640x128xf32, #tpu.memory_space<vmem_shared>>) dst(%dma_wait3A_106 : memref<640x128xf32, #tpu.memory_space<hbm>>)
      tpu.yield
    }) : () -> ()
    return
  }
}

module attributes {stable_mosaic.version = 14 : i64} {
  func.func @_detile_body(%arg0: i32, %arg1: memref<2x65536xi32, #tpu.memory_space<vmem>>, %arg2: memref<512x128xi32, #tpu.memory_space<vmem>>, %arg3: memref<512x128xi32, #tpu.memory_space<vmem>>) attributes {dimension_semantics = [#tpu.dimension_semantics<arbitrary>], iteration_bounds = array<i64: 5>, scalar_prefetch = 0 : i64, scratch_operands = 0 : i64, tpu.core_type = #tpu.core_type<tc>, window_params = [{transform_indices = @transform_0, window_bounds = array<i64: 2, 65536>}, {transform_indices = @transform_1, window_bounds = array<i64: 512, 128>}, {transform_indices = @transform_2, window_bounds = array<i64: 512, 128>}]} {
    %get3A = arith.constant 0 : index
    %get3A_0 = arith.constant 0 : index
    %get3A_1 = vector.load %arg1[%get3A, %get3A_0] : memref<2x65536xi32, #tpu.memory_space<vmem>>, vector<2x65536xi32>
    %slice3A = vector.extract_strided_slice %get3A_1 {offsets = [0, 0], sizes = [1, 65536], strides = [1, 1]} : vector<2x65536xi32> to vector<1x65536xi32>
    %squeeze3A = vector.shape_cast %slice3A : vector<1x65536xi32> to vector<65536xi32>
    %reshape3A = vector.shape_cast %squeeze3A : vector<65536xi32> to vector<512x128xi32>
    %slice3A_2 = vector.extract_strided_slice %get3A_1 {offsets = [1, 0], sizes = [1, 65536], strides = [1, 1]} : vector<2x65536xi32> to vector<1x65536xi32>
    %squeeze3A_3 = vector.shape_cast %slice3A_2 : vector<1x65536xi32> to vector<65536xi32>
    %reshape3A_4 = vector.shape_cast %squeeze3A_3 : vector<65536xi32> to vector<512x128xi32>
    %mul3A = arith.constant 65536 : i32
    %mul3A_5 = arith.muli %arg0, %mul3A : i32
    %iota3A = tpu.iota {dimensions = array<i32: 0>} : vector<512x128xi32>
    %mul3A_6 = arith.constant 128 : i32
    %mul3A_7 = vector.broadcast %mul3A_6 : i32 to vector<512x128xi32>
    %mul3A_8 = arith.muli %iota3A, %mul3A_7 : vector<512x128xi32>
    %add3A = vector.broadcast %mul3A_5 : i32 to vector<512x128xi32>
    %add3A_9 = arith.addi %add3A, %mul3A_8 : vector<512x128xi32>
    %iota3A_10 = tpu.iota {dimensions = array<i32: 1>} : vector<512x128xi32>
    %add3A_11 = arith.addi %add3A_9, %iota3A_10 : vector<512x128xi32>
    %lt3A = arith.constant 320000 : i32
    %lt3A_12 = vector.broadcast %lt3A : i32 to vector<512x128xi32>
    %lt3A_13 = arith.cmpi slt, %add3A_11, %lt3A_12 : vector<512x128xi32>
    %sub3A = arith.constant 320000 : i32
    %sub3A_14 = vector.broadcast %sub3A : i32 to vector<512x128xi32>
    %sub3A_15 = arith.subi %add3A_11, %sub3A_14 : vector<512x128xi32>
    %and3A = arith.constant 8191 : i32
    %and3A_16 = vector.broadcast %and3A : i32 to vector<512x128xi32>
    %and3A_17 = arith.andi %sub3A_15, %and3A_16 : vector<512x128xi32>
    %select_n3A = arith.select %lt3A_13, %reshape3A, %and3A_17 : vector<512x128xi1>, vector<512x128xi32>
    %swap3A = arith.constant 0 : index
    %swap3A_18 = arith.constant 0 : index
    %swap3A_19 = vector.load %arg2[%swap3A, %swap3A_18] : memref<512x128xi32, #tpu.memory_space<vmem>>, vector<512x128xi32>
    tpu.vector_store %arg2[%swap3A, %swap3A_18], %select_n3A {strides = array<i32>} : memref<512x128xi32, #tpu.memory_space<vmem>>, vector<512x128xi32>,
    %and3A_20 = arith.constant 127 : i32
    %and3A_21 = vector.broadcast %and3A_20 : i32 to vector<512x128xi32>
    %and3A_22 = arith.andi %sub3A_15, %and3A_21 : vector<512x128xi32>
    %add3A_23 = arith.constant 10000 : i32
    %add3A_24 = vector.broadcast %add3A_23 : i32 to vector<512x128xi32>
    %add3A_25 = arith.addi %add3A_24, %and3A_22 : vector<512x128xi32>
    %select_n3A_26 = arith.select %lt3A_13, %reshape3A_4, %add3A_25 : vector<512x128xi1>, vector<512x128xi32>
    %swap3A_27 = arith.constant 0 : index
    %swap3A_28 = arith.constant 0 : index
    %swap3A_29 = vector.load %arg3[%swap3A_27, %swap3A_28] : memref<512x128xi32, #tpu.memory_space<vmem>>, vector<512x128xi32>
    tpu.vector_store %arg3[%swap3A_27, %swap3A_28], %select_n3A_26 {strides = array<i32>} : memref<512x128xi32, #tpu.memory_space<vmem>>, vector<512x128xi32>,
    return
  }
  func.func @transform_0(%arg0: i32) -> (i32, i32) {
    %c0_i32 = arith.constant 0 : i32
    %c0_i32_0 = arith.constant 0 : i32
    return %c0_i32, %arg0 : i32, i32
  }
  func.func @transform_1(%arg0: i32) -> (i32, i32) {
    %c0_i32 = arith.constant 0 : i32
    %c0_i32_0 = arith.constant 0 : i32
    return %arg0, %c0_i32 : i32, i32
  }
  func.func @transform_2(%arg0: i32) -> (i32, i32) {
    %c0_i32 = arith.constant 0 : i32
    %c0_i32_0 = arith.constant 0 : i32
    return %arg0, %c0_i32 : i32, i32
  }
}

module attributes {stable_mosaic.version = 14 : i64} {
  func.func @_dense2_body(%arg0: i32, %arg1: memref<2000x128xf32, #tpu.memory_space<vmem>>, %arg2: memref<2x2000x128xf32, #tpu.memory_space<vmem>>, %arg3: memref<128x128xf32, #tpu.memory_space<vmem>>, %arg4: memref<1x128xf32, #tpu.memory_space<vmem>>, %arg5: memref<128x128xf32, #tpu.memory_space<vmem>>, %arg6: memref<1x128xf32, #tpu.memory_space<vmem>>, %arg7: memref<128x128xf32, #tpu.memory_space<vmem>>, %arg8: memref<1x128xf32, #tpu.memory_space<vmem>>, %arg9: memref<128x128xf32, #tpu.memory_space<vmem>>, %arg10: memref<1x128xf32, #tpu.memory_space<vmem>>, %arg11: memref<128x128xf32, #tpu.memory_space<vmem>>, %arg12: memref<1x128xf32, #tpu.memory_space<vmem>>, %arg13: memref<2000x128xf32, #tpu.memory_space<vmem>>) attributes {dimension_semantics = [#tpu.dimension_semantics<arbitrary>], iteration_bounds = array<i64: 5>, scalar_prefetch = 0 : i64, scratch_operands = 0 : i64, tpu.core_type = #tpu.core_type<tc>, window_params = [{transform_indices = @transform_0, window_bounds = array<i64: 2000, 128>}, {transform_indices = @transform_1, window_bounds = array<i64: 2, 2000, 128>}, {pipeline_mode = #tpu.pipeline_mode<synchronous>, transform_indices = @transform_2, window_bounds = array<i64: 128, 128>}, {pipeline_mode = #tpu.pipeline_mode<synchronous>, transform_indices = @transform_3, window_bounds = array<i64: 1, 128>}, {pipeline_mode = #tpu.pipeline_mode<synchronous>, transform_indices = @transform_4, window_bounds = array<i64: 128, 128>}, {pipeline_mode = #tpu.pipeline_mode<synchronous>, transform_indices = @transform_5, window_bounds = array<i64: 1, 128>}, {pipeline_mode = #tpu.pipeline_mode<synchronous>, transform_indices = @transform_6, window_bounds = array<i64: 128, 128>}, {pipeline_mode = #tpu.pipeline_mode<synchronous>, transform_indices = @transform_7, window_bounds = array<i64: 1, 128>}, {pipeline_mode = #tpu.pipeline_mode<synchronous>, transform_indices = @transform_8, window_bounds = array<i64: 128, 128>}, {pipeline_mode = #tpu.pipeline_mode<synchronous>, transform_indices = @transform_9, window_bounds = array<i64: 1, 128>}, {pipeline_mode = #tpu.pipeline_mode<synchronous>, transform_indices = @transform_10, window_bounds = array<i64: 128, 128>}, {pipeline_mode = #tpu.pipeline_mode<synchronous>, transform_indices = @transform_11, window_bounds = array<i64: 1, 128>}, {transform_indices = @transform_12, window_bounds = array<i64: 2000, 128>}]} {
    %get3A = arith.constant 0 : index
    %get3A_0 = arith.constant 0 : index
    %get3A_1 = vector.load %arg1[%get3A, %get3A_0] : memref<2000x128xf32, #tpu.memory_space<vmem>>, vector<2000x128xf32>
    %get3A_2 = arith.constant 0 : index
    %get3A_3 = arith.constant 0 : index
    %get3A_4 = arith.constant 0 : index
    %get3A_5 = vector.load %arg2[%get3A_2, %get3A_3, %get3A_4] : memref<2x2000x128xf32, #tpu.memory_space<vmem>>, vector<1x2000x128xf32>
    %get3A_6 = vector.shape_cast %get3A_5 : vector<1x2000x128xf32> to vector<2000x128xf32>
    %add3A = arith.addf %get3A_1, %get3A_6 : vector<2000x128xf32>
    %get3A_7 = arith.constant 1 : index
    %get3A_8 = arith.constant 0 : index
    %get3A_9 = arith.constant 0 : index
    %get3A_10 = vector.load %arg2[%get3A_7, %get3A_8, %get3A_9] : memref<2x2000x128xf32, #tpu.memory_space<vmem>>, vector<1x2000x128xf32>
    %get3A_11 = vector.shape_cast %get3A_10 : vector<1x2000x128xf32> to vector<2000x128xf32>
    %add3A_12 = arith.addf %add3A, %get3A_11 : vector<2000x128xf32>
    %get3A_13 = arith.constant 0 : index
    %get3A_14 = arith.constant 0 : index
    %get3A_15 = vector.load %arg3[%get3A_13, %get3A_14] : memref<128x128xf32, #tpu.memory_space<vmem>>, vector<128x128xf32>
    %dot_general3A = arith.constant dense<0.000000e+00> : vector<2000x128xf32>
    %dot_general3A_16 = tpu.matmul %add3A_12, %get3A_15, %dot_general3A {dimension_numbers = #tpu.dot_dimension_numbers<[1], [0], [0], [1], [0, 0, 1, 1], [], []>, transpose_lhs_hint = false} : vector<2000x128xf32>, vector<128x128xf32>, vector<2000x128xf32> -> vector<2000x128xf32>
    %get3A_17 = arith.constant 0 : index
    %get3A_18 = arith.constant 0 : index
    %get3A_19 = vector.load %arg4[%get3A_17, %get3A_18] : memref<1x128xf32, #tpu.memory_space<vmem>>, vector<1x128xf32>
    %add3A_20 = vector.broadcast %get3A_19 : vector<1x128xf32> to vector<2000x128xf32>
    %add3A_21 = arith.addf %dot_general3A_16, %add3A_20 : vector<2000x128xf32>
    %max3A = arith.constant 0.000000e+00 : f32
    %max3A_22 = vector.broadcast %max3A : f32 to vector<2000x128xf32>
    %max3A_23 = arith.maximumf %add3A_21, %max3A_22 : vector<2000x128xf32>
    %get3A_24 = arith.constant 0 : index
    %get3A_25 = arith.constant 0 : index
    %get3A_26 = vector.load %arg5[%get3A_24, %get3A_25] : memref<128x128xf32, #tpu.memory_space<vmem>>, vector<128x128xf32>
    %dot_general3A_27 = arith.constant dense<0.000000e+00> : vector<2000x128xf32>
    %dot_general3A_28 = tpu.matmul %max3A_23, %get3A_26, %dot_general3A_27 {dimension_numbers = #tpu.dot_dimension_numbers<[1], [0], [0], [1], [0, 0, 1, 1], [], []>, transpose_lhs_hint = false} : vector<2000x128xf32>, vector<128x128xf32>, vector<2000x128xf32> -> vector<2000x128xf32>
    %get3A_29 = arith.constant 0 : index
    %get3A_30 = arith.constant 0 : index
    %get3A_31 = vector.load %arg6[%get3A_29, %get3A_30] : memref<1x128xf32, #tpu.memory_space<vmem>>, vector<1x128xf32>
    %add3A_32 = vector.broadcast %get3A_31 : vector<1x128xf32> to vector<2000x128xf32>
    %add3A_33 = arith.addf %dot_general3A_28, %add3A_32 : vector<2000x128xf32>
    %max3A_34 = arith.constant 0.000000e+00 : f32
    %max3A_35 = vector.broadcast %max3A_34 : f32 to vector<2000x128xf32>
    %max3A_36 = arith.maximumf %add3A_33, %max3A_35 : vector<2000x128xf32>
    %get3A_37 = arith.constant 0 : index
    %get3A_38 = arith.constant 0 : index
    %get3A_39 = vector.load %arg7[%get3A_37, %get3A_38] : memref<128x128xf32, #tpu.memory_space<vmem>>, vector<128x128xf32>
    %dot_general3A_40 = arith.constant dense<0.000000e+00> : vector<2000x128xf32>
    %dot_general3A_41 = tpu.matmul %max3A_36, %get3A_39, %dot_general3A_40 {dimension_numbers = #tpu.dot_dimension_numbers<[1], [0], [0], [1], [0, 0, 1, 1], [], []>, transpose_lhs_hint = false} : vector<2000x128xf32>, vector<128x128xf32>, vector<2000x128xf32> -> vector<2000x128xf32>
    %get3A_42 = arith.constant 0 : index
    %get3A_43 = arith.constant 0 : index
    %get3A_44 = vector.load %arg8[%get3A_42, %get3A_43] : memref<1x128xf32, #tpu.memory_space<vmem>>, vector<1x128xf32>
    %add3A_45 = vector.broadcast %get3A_44 : vector<1x128xf32> to vector<2000x128xf32>
    %add3A_46 = arith.addf %dot_general3A_41, %add3A_45 : vector<2000x128xf32>
    %max3A_47 = arith.constant 0.000000e+00 : f32
    %max3A_48 = vector.broadcast %max3A_47 : f32 to vector<2000x128xf32>
    %max3A_49 = arith.maximumf %add3A_46, %max3A_48 : vector<2000x128xf32>
    %get3A_50 = arith.constant 0 : index
    %get3A_51 = arith.constant 0 : index
    %get3A_52 = vector.load %arg9[%get3A_50, %get3A_51] : memref<128x128xf32, #tpu.memory_space<vmem>>, vector<128x128xf32>
    %dot_general3A_53 = arith.constant dense<0.000000e+00> : vector<2000x128xf32>
    %dot_general3A_54 = tpu.matmul %max3A_49, %get3A_52, %dot_general3A_53 {dimension_numbers = #tpu.dot_dimension_numbers<[1], [0], [0], [1], [0, 0, 1, 1], [], []>, transpose_lhs_hint = false} : vector<2000x128xf32>, vector<128x128xf32>, vector<2000x128xf32> -> vector<2000x128xf32>
    %get3A_55 = arith.constant 0 : index
    %get3A_56 = arith.constant 0 : index
    %get3A_57 = vector.load %arg10[%get3A_55, %get3A_56] : memref<1x128xf32, #tpu.memory_space<vmem>>, vector<1x128xf32>
    %add3A_58 = vector.broadcast %get3A_57 : vector<1x128xf32> to vector<2000x128xf32>
    %add3A_59 = arith.addf %dot_general3A_54, %add3A_58 : vector<2000x128xf32>
    %get3A_60 = arith.constant 0 : index
    %get3A_61 = arith.constant 0 : index
    %get3A_62 = vector.load %arg11[%get3A_60, %get3A_61] : memref<128x128xf32, #tpu.memory_space<vmem>>, vector<128x128xf32>
    %dot_general3A_63 = arith.constant dense<0.000000e+00> : vector<2000x128xf32>
    %dot_general3A_64 = tpu.matmul %add3A_59, %get3A_62, %dot_general3A_63 {dimension_numbers = #tpu.dot_dimension_numbers<[1], [0], [0], [1], [0, 0, 1, 1], [], []>, transpose_lhs_hint = false} : vector<2000x128xf32>, vector<128x128xf32>, vector<2000x128xf32> -> vector<2000x128xf32>
    %get3A_65 = arith.constant 0 : index
    %get3A_66 = arith.constant 0 : index
    %get3A_67 = vector.load %arg12[%get3A_65, %get3A_66] : memref<1x128xf32, #tpu.memory_space<vmem>>, vector<1x128xf32>
    %add3A_68 = vector.broadcast %get3A_67 : vector<1x128xf32> to vector<2000x128xf32>
    %add3A_69 = arith.addf %dot_general3A_64, %add3A_68 : vector<2000x128xf32>
    %max3A_70 = arith.constant 0.000000e+00 : f32
    %max3A_71 = vector.broadcast %max3A_70 : f32 to vector<2000x128xf32>
    %max3A_72 = arith.maximumf %add3A_69, %max3A_71 : vector<2000x128xf32>
    %swap3A = arith.constant 0 : index
    %swap3A_73 = arith.constant 0 : index
    %swap3A_74 = vector.load %arg13[%swap3A, %swap3A_73] : memref<2000x128xf32, #tpu.memory_space<vmem>>, vector<2000x128xf32>
    tpu.vector_store %arg13[%swap3A, %swap3A_73], %max3A_72 {strides = array<i32>} : memref<2000x128xf32, #tpu.memory_space<vmem>>, vector<2000x128xf32>,
    return
  }
  func.func @transform_0(%arg0: i32) -> (i32, i32) {
    %c0_i32 = arith.constant 0 : i32
    %c0_i32_0 = arith.constant 0 : i32
    return %arg0, %c0_i32 : i32, i32
  }
  func.func @transform_1(%arg0: i32) -> (i32, i32, i32) {
    %c0_i32 = arith.constant 0 : i32
    %c0_i32_0 = arith.constant 0 : i32
    %c0_i32_1 = arith.constant 0 : i32
    return %c0_i32, %arg0, %c0_i32_0 : i32, i32, i32
  }
  func.func @transform_2(%arg0: i32) -> (i32, i32) {
    %c0_i32 = arith.constant 0 : i32
    %c0_i32_0 = arith.constant 0 : i32
    %c0_i32_1 = arith.constant 0 : i32
    return %c0_i32, %c0_i32_0 : i32, i32
  }
  func.func @transform_3(%arg0: i32) -> (i32, i32) {
    %c0_i32 = arith.constant 0 : i32
    %c0_i32_0 = arith.constant 0 : i32
    %c0_i32_1 = arith.constant 0 : i32
    return %c0_i32, %c0_i32_0 : i32, i32
  }
  func.func @transform_4(%arg0: i32) -> (i32, i32) {
    %c0_i32 = arith.constant 0 : i32
    %c0_i32_0 = arith.constant 0 : i32
    %c0_i32_1 = arith.constant 0 : i32
    return %c0_i32, %c0_i32_0 : i32, i32
  }
  func.func @transform_5(%arg0: i32) -> (i32, i32) {
    %c0_i32 = arith.constant 0 : i32
    %c0_i32_0 = arith.constant 0 : i32
    %c0_i32_1 = arith.constant 0 : i32
    return %c0_i32, %c0_i32_0 : i32, i32
  }
  func.func @transform_6(%arg0: i32) -> (i32, i32) {
    %c0_i32 = arith.constant 0 : i32
    %c0_i32_0 = arith.constant 0 : i32
    %c0_i32_1 = arith.constant 0 : i32
    return %c0_i32, %c0_i32_0 : i32, i32
  }
  func.func @transform_7(%arg0: i32) -> (i32, i32) {
    %c0_i32 = arith.constant 0 : i32
    %c0_i32_0 = arith.constant 0 : i32
    %c0_i32_1 = arith.constant 0 : i32
    return %c0_i32, %c0_i32_0 : i32, i32
  }
  func.func @transform_8(%arg0: i32) -> (i32, i32) {
    %c0_i32 = arith.constant 0 : i32
    %c0_i32_0 = arith.constant 0 : i32
    %c0_i32_1 = arith.constant 0 : i32
    return %c0_i32, %c0_i32_0 : i32, i32
  }
  func.func @transform_9(%arg0: i32) -> (i32, i32) {
    %c0_i32 = arith.constant 0 : i32
    %c0_i32_0 = arith.constant 0 : i32
    %c0_i32_1 = arith.constant 0 : i32
    return %c0_i32, %c0_i32_0 : i32, i32
  }
  func.func @transform_10(%arg0: i32) -> (i32, i32) {
    %c0_i32 = arith.constant 0 : i32
    %c0_i32_0 = arith.constant 0 : i32
    %c0_i32_1 = arith.constant 0 : i32
    return %c0_i32, %c0_i32_0 : i32, i32
  }
  func.func @transform_11(%arg0: i32) -> (i32, i32) {
    %c0_i32 = arith.constant 0 : i32
    %c0_i32_0 = arith.constant 0 : i32
    %c0_i32_1 = arith.constant 0 : i32
    return %c0_i32, %c0_i32_0 : i32, i32
  }
  func.func @transform_12(%arg0: i32) -> (i32, i32) {
    %c0_i32 = arith.constant 0 : i32
    %c0_i32_0 = arith.constant 0 : i32
    return %arg0, %c0_i32 : i32, i32
  }
}

module attributes {stable_mosaic.version = 14 : i64} {
  func.func @_dense1_body(%arg0: i32, %arg1: memref<2000x128xf32, #tpu.memory_space<vmem>>, %arg2: memref<2x2000x128xf32, #tpu.memory_space<vmem>>, %arg3: memref<128x128xf32, #tpu.memory_space<vmem>>, %arg4: memref<1x128xf32, #tpu.memory_space<vmem>>, %arg5: memref<128x128xf32, #tpu.memory_space<vmem>>, %arg6: memref<1x128xf32, #tpu.memory_space<vmem>>, %arg7: memref<128x128xf32, #tpu.memory_space<vmem>>, %arg8: memref<1x128xf32, #tpu.memory_space<vmem>>, %arg9: memref<2000x128xf32, #tpu.memory_space<vmem>>) attributes {dimension_semantics = [#tpu.dimension_semantics<arbitrary>], iteration_bounds = array<i64: 5>, scalar_prefetch = 0 : i64, scratch_operands = 0 : i64, tpu.core_type = #tpu.core_type<tc>, window_params = [{transform_indices = @transform_0, window_bounds = array<i64: 2000, 128>}, {transform_indices = @transform_1, window_bounds = array<i64: 2, 2000, 128>}, {pipeline_mode = #tpu.pipeline_mode<synchronous>, transform_indices = @transform_2, window_bounds = array<i64: 128, 128>}, {pipeline_mode = #tpu.pipeline_mode<synchronous>, transform_indices = @transform_3, window_bounds = array<i64: 1, 128>}, {pipeline_mode = #tpu.pipeline_mode<synchronous>, transform_indices = @transform_4, window_bounds = array<i64: 128, 128>}, {pipeline_mode = #tpu.pipeline_mode<synchronous>, transform_indices = @transform_5, window_bounds = array<i64: 1, 128>}, {pipeline_mode = #tpu.pipeline_mode<synchronous>, transform_indices = @transform_6, window_bounds = array<i64: 128, 128>}, {pipeline_mode = #tpu.pipeline_mode<synchronous>, transform_indices = @transform_7, window_bounds = array<i64: 1, 128>}, {transform_indices = @transform_8, window_bounds = array<i64: 2000, 128>}]} {
    %get3A = arith.constant 0 : index
    %get3A_0 = arith.constant 0 : index
    %get3A_1 = vector.load %arg1[%get3A, %get3A_0] : memref<2000x128xf32, #tpu.memory_space<vmem>>, vector<2000x128xf32>
    %get3A_2 = arith.constant 0 : index
    %get3A_3 = arith.constant 0 : index
    %get3A_4 = arith.constant 0 : index
    %get3A_5 = vector.load %arg2[%get3A_2, %get3A_3, %get3A_4] : memref<2x2000x128xf32, #tpu.memory_space<vmem>>, vector<1x2000x128xf32>
    %get3A_6 = vector.shape_cast %get3A_5 : vector<1x2000x128xf32> to vector<2000x128xf32>
    %add3A = arith.addf %get3A_1, %get3A_6 : vector<2000x128xf32>
    %get3A_7 = arith.constant 1 : index
    %get3A_8 = arith.constant 0 : index
    %get3A_9 = arith.constant 0 : index
    %get3A_10 = vector.load %arg2[%get3A_7, %get3A_8, %get3A_9] : memref<2x2000x128xf32, #tpu.memory_space<vmem>>, vector<1x2000x128xf32>
    %get3A_11 = vector.shape_cast %get3A_10 : vector<1x2000x128xf32> to vector<2000x128xf32>
    %add3A_12 = arith.addf %add3A, %get3A_11 : vector<2000x128xf32>
    %get3A_13 = arith.constant 0 : index
    %get3A_14 = arith.constant 0 : index
    %get3A_15 = vector.load %arg3[%get3A_13, %get3A_14] : memref<128x128xf32, #tpu.memory_space<vmem>>, vector<128x128xf32>
    %dot_general3A = arith.constant dense<0.000000e+00> : vector<2000x128xf32>
    %dot_general3A_16 = tpu.matmul %add3A_12, %get3A_15, %dot_general3A {dimension_numbers = #tpu.dot_dimension_numbers<[1], [0], [0], [1], [0, 0, 1, 1], [], []>, transpose_lhs_hint = false} : vector<2000x128xf32>, vector<128x128xf32>, vector<2000x128xf32> -> vector<2000x128xf32>
    %get3A_17 = arith.constant 0 : index
    %get3A_18 = arith.constant 0 : index
    %get3A_19 = vector.load %arg4[%get3A_17, %get3A_18] : memref<1x128xf32, #tpu.memory_space<vmem>>, vector<1x128xf32>
    %add3A_20 = vector.broadcast %get3A_19 : vector<1x128xf32> to vector<2000x128xf32>
    %add3A_21 = arith.addf %dot_general3A_16, %add3A_20 : vector<2000x128xf32>
    %max3A = arith.constant 0.000000e+00 : f32
    %max3A_22 = vector.broadcast %max3A : f32 to vector<2000x128xf32>
    %max3A_23 = arith.maximumf %add3A_21, %max3A_22 : vector<2000x128xf32>
    %get3A_24 = arith.constant 0 : index
    %get3A_25 = arith.constant 0 : index
    %get3A_26 = vector.load %arg5[%get3A_24, %get3A_25] : memref<128x128xf32, #tpu.memory_space<vmem>>, vector<128x128xf32>
    %dot_general3A_27 = arith.constant dense<0.000000e+00> : vector<2000x128xf32>
    %dot_general3A_28 = tpu.matmul %max3A_23, %get3A_26, %dot_general3A_27 {dimension_numbers = #tpu.dot_dimension_numbers<[1], [0], [0], [1], [0, 0, 1, 1], [], []>, transpose_lhs_hint = false} : vector<2000x128xf32>, vector<128x128xf32>, vector<2000x128xf32> -> vector<2000x128xf32>
    %get3A_29 = arith.constant 0 : index
    %get3A_30 = arith.constant 0 : index
    %get3A_31 = vector.load %arg6[%get3A_29, %get3A_30] : memref<1x128xf32, #tpu.memory_space<vmem>>, vector<1x128xf32>
    %add3A_32 = vector.broadcast %get3A_31 : vector<1x128xf32> to vector<2000x128xf32>
    %add3A_33 = arith.addf %dot_general3A_28, %add3A_32 : vector<2000x128xf32>
    %max3A_34 = arith.constant 0.000000e+00 : f32
    %max3A_35 = vector.broadcast %max3A_34 : f32 to vector<2000x128xf32>
    %max3A_36 = arith.maximumf %add3A_33, %max3A_35 : vector<2000x128xf32>
    %get3A_37 = arith.constant 0 : index
    %get3A_38 = arith.constant 0 : index
    %get3A_39 = vector.load %arg7[%get3A_37, %get3A_38] : memref<128x128xf32, #tpu.memory_space<vmem>>, vector<128x128xf32>
    %dot_general3A_40 = arith.constant dense<0.000000e+00> : vector<2000x128xf32>
    %dot_general3A_41 = tpu.matmul %max3A_36, %get3A_39, %dot_general3A_40 {dimension_numbers = #tpu.dot_dimension_numbers<[1], [0], [0], [1], [0, 0, 1, 1], [], []>, transpose_lhs_hint = false} : vector<2000x128xf32>, vector<128x128xf32>, vector<2000x128xf32> -> vector<2000x128xf32>
    %get3A_42 = arith.constant 0 : index
    %get3A_43 = arith.constant 0 : index
    %get3A_44 = vector.load %arg8[%get3A_42, %get3A_43] : memref<1x128xf32, #tpu.memory_space<vmem>>, vector<1x128xf32>
    %add3A_45 = vector.broadcast %get3A_44 : vector<1x128xf32> to vector<2000x128xf32>
    %add3A_46 = arith.addf %dot_general3A_41, %add3A_45 : vector<2000x128xf32>
    %max3A_47 = arith.constant 0.000000e+00 : f32
    %max3A_48 = vector.broadcast %max3A_47 : f32 to vector<2000x128xf32>
    %max3A_49 = arith.maximumf %add3A_46, %max3A_48 : vector<2000x128xf32>
    %swap3A = arith.constant 0 : index
    %swap3A_50 = arith.constant 0 : index
    %swap3A_51 = vector.load %arg9[%swap3A, %swap3A_50] : memref<2000x128xf32, #tpu.memory_space<vmem>>, vector<2000x128xf32>
    tpu.vector_store %arg9[%swap3A, %swap3A_50], %max3A_49 {strides = array<i32>} : memref<2000x128xf32, #tpu.memory_space<vmem>>, vector<2000x128xf32>,
    return
  }
  func.func @transform_0(%arg0: i32) -> (i32, i32) {
    %c0_i32 = arith.constant 0 : i32
    %c0_i32_0 = arith.constant 0 : i32
    return %arg0, %c0_i32 : i32, i32
  }
  func.func @transform_1(%arg0: i32) -> (i32, i32, i32) {
    %c0_i32 = arith.constant 0 : i32
    %c0_i32_0 = arith.constant 0 : i32
    %c0_i32_1 = arith.constant 0 : i32
    return %c0_i32, %arg0, %c0_i32_0 : i32, i32, i32
  }
  func.func @transform_2(%arg0: i32) -> (i32, i32) {
    %c0_i32 = arith.constant 0 : i32
    %c0_i32_0 = arith.constant 0 : i32
    %c0_i32_1 = arith.constant 0 : i32
    return %c0_i32, %c0_i32_0 : i32, i32
  }
  func.func @transform_3(%arg0: i32) -> (i32, i32) {
    %c0_i32 = arith.constant 0 : i32
    %c0_i32_0 = arith.constant 0 : i32
    %c0_i32_1 = arith.constant 0 : i32
    return %c0_i32, %c0_i32_0 : i32, i32
  }
  func.func @transform_4(%arg0: i32) -> (i32, i32) {
    %c0_i32 = arith.constant 0 : i32
    %c0_i32_0 = arith.constant 0 : i32
    %c0_i32_1 = arith.constant 0 : i32
    return %c0_i32, %c0_i32_0 : i32, i32
  }
  func.func @transform_5(%arg0: i32) -> (i32, i32) {
    %c0_i32 = arith.constant 0 : i32
    %c0_i32_0 = arith.constant 0 : i32
    %c0_i32_1 = arith.constant 0 : i32
    return %c0_i32, %c0_i32_0 : i32, i32
  }
  func.func @transform_6(%arg0: i32) -> (i32, i32) {
    %c0_i32 = arith.constant 0 : i32
    %c0_i32_0 = arith.constant 0 : i32
    %c0_i32_1 = arith.constant 0 : i32
    return %c0_i32, %c0_i32_0 : i32, i32
  }
  func.func @transform_7(%arg0: i32) -> (i32, i32) {
    %c0_i32 = arith.constant 0 : i32
    %c0_i32_0 = arith.constant 0 : i32
    %c0_i32_1 = arith.constant 0 : i32
    return %c0_i32, %c0_i32_0 : i32, i32
  }
  func.func @transform_8(%arg0: i32) -> (i32, i32) {
    %c0_i32 = arith.constant 0 : i32
    %c0_i32_0 = arith.constant 0 : i32
    return %arg0, %c0_i32 : i32, i32
  }
}

module attributes {stable_mosaic.version = 14 : i64} {
  func.func @_dense3_body(%arg0: i32, %arg1: memref<2000x128xf32, #tpu.memory_space<vmem>>, %arg2: memref<2x2000x128xf32, #tpu.memory_space<vmem>>, %arg3: memref<1x1x2000xi32, #tpu.memory_space<vmem>>, %arg4: memref<128x128xf32, #tpu.memory_space<vmem>>, %arg5: memref<1x128xf32, #tpu.memory_space<vmem>>, %arg6: memref<128x128xf32, #tpu.memory_space<vmem>>, %arg7: memref<1x128xf32, #tpu.memory_space<vmem>>, %arg8: memref<128x128xf32, #tpu.memory_space<vmem>>, %arg9: memref<1x128xf32, #tpu.memory_space<vmem>>, %arg10: memref<128x128xf32, #tpu.memory_space<vmem>>, %arg11: memref<1x128xf32, #tpu.memory_space<vmem>>, %arg12: memref<128x128xf32, #tpu.memory_space<vmem>>, %arg13: memref<1x128xf32, #tpu.memory_space<vmem>>, %arg14: memref<128x128xf32, #tpu.memory_space<vmem>>, %arg15: memref<128x128xf32, #tpu.memory_space<vmem>>) attributes {dimension_semantics = [#tpu.dimension_semantics<arbitrary>], iteration_bounds = array<i64: 5>, scalar_prefetch = 0 : i64, scratch_operands = 1 : i64, tpu.core_type = #tpu.core_type<tc>, window_params = [{transform_indices = @transform_0, window_bounds = array<i64: 2000, 128>}, {transform_indices = @transform_1, window_bounds = array<i64: 2, 2000, 128>}, {transform_indices = @transform_2, window_bounds = array<i64: 1, 1, 2000>}, {pipeline_mode = #tpu.pipeline_mode<synchronous>, transform_indices = @transform_3, window_bounds = array<i64: 128, 128>}, {pipeline_mode = #tpu.pipeline_mode<synchronous>, transform_indices = @transform_4, window_bounds = array<i64: 1, 128>}, {pipeline_mode = #tpu.pipeline_mode<synchronous>, transform_indices = @transform_5, window_bounds = array<i64: 128, 128>}, {pipeline_mode = #tpu.pipeline_mode<synchronous>, transform_indices = @transform_6, window_bounds = array<i64: 1, 128>}, {pipeline_mode = #tpu.pipeline_mode<synchronous>, transform_indices = @transform_7, window_bounds = array<i64: 128, 128>}, {pipeline_mode = #tpu.pipeline_mode<synchronous>, transform_indices = @transform_8, window_bounds = array<i64: 1, 128>}, {pipeline_mode = #tpu.pipeline_mode<synchronous>, transform_indices = @transform_9, window_bounds = array<i64: 128, 128>}, {pipeline_mode = #tpu.pipeline_mode<synchronous>, transform_indices = @transform_10, window_bounds = array<i64: 1, 128>}, {pipeline_mode = #tpu.pipeline_mode<synchronous>, transform_indices = @transform_11, window_bounds = array<i64: 128, 128>}, {pipeline_mode = #tpu.pipeline_mode<synchronous>, transform_indices = @transform_12, window_bounds = array<i64: 1, 128>}, {pipeline_mode = #tpu.pipeline_mode<synchronous>, transform_indices = @transform_13, window_bounds = array<i64: 128, 128>}]} {
    %eq3A = arith.constant 0 : i32
    %eq3A_0 = arith.cmpi eq, %arg0, %eq3A : i32
    %convert_element_type3A = arith.extui %eq3A_0 : i1 to i32
    %cond3A = arith.constant 0 : i32
    %cond3A_1 = arith.cmpi ne, %convert_element_type3A, %cond3A : i32
    scf.if %cond3A_1 {
      %broadcast_in_dim3A = arith.constant 0.000000e+00 : f32
      %broadcast_in_dim3A_71 = vector.broadcast %broadcast_in_dim3A : f32 to vector<128x128xf32>
      %swap3A_72 = arith.constant 0 : index
      %swap3A_73 = arith.constant 0 : index
      %swap3A_74 = vector.load %arg15[%swap3A_72, %swap3A_73] : memref<128x128xf32, #tpu.memory_space<vmem>>, vector<128x128xf32>
      tpu.vector_store %arg15[%swap3A_72, %swap3A_73], %broadcast_in_dim3A_71 {strides = array<i32>} : memref<128x128xf32, #tpu.memory_space<vmem>>, vector<128x128xf32>,
    } else {
    }
    %get3A = arith.constant 0 : index
    %get3A_2 = arith.constant 0 : index
    %get3A_3 = vector.load %arg1[%get3A, %get3A_2] : memref<2000x128xf32, #tpu.memory_space<vmem>>, vector<2000x128xf32>
    %get3A_4 = arith.constant 0 : index
    %get3A_5 = arith.constant 0 : index
    %get3A_6 = arith.constant 0 : index
    %get3A_7 = vector.load %arg2[%get3A_4, %get3A_5, %get3A_6] : memref<2x2000x128xf32, #tpu.memory_space<vmem>>, vector<1x2000x128xf32>
    %get3A_8 = vector.shape_cast %get3A_7 : vector<1x2000x128xf32> to vector<2000x128xf32>
    %add3A = arith.addf %get3A_3, %get3A_8 : vector<2000x128xf32>
    %get3A_9 = arith.constant 1 : index
    %get3A_10 = arith.constant 0 : index
    %get3A_11 = arith.constant 0 : index
    %get3A_12 = vector.load %arg2[%get3A_9, %get3A_10, %get3A_11] : memref<2x2000x128xf32, #tpu.memory_space<vmem>>, vector<1x2000x128xf32>
    %get3A_13 = vector.shape_cast %get3A_12 : vector<1x2000x128xf32> to vector<2000x128xf32>
    %add3A_14 = arith.addf %add3A, %get3A_13 : vector<2000x128xf32>
    %get3A_15 = arith.constant 0 : index
    %get3A_16 = arith.constant 0 : index
    %get3A_17 = vector.load %arg4[%get3A_15, %get3A_16] : memref<128x128xf32, #tpu.memory_space<vmem>>, vector<128x128xf32>
    %dot_general3A = arith.constant dense<0.000000e+00> : vector<2000x128xf32>
    %dot_general3A_18 = tpu.matmul %add3A_14, %get3A_17, %dot_general3A {dimension_numbers = #tpu.dot_dimension_numbers<[1], [0], [0], [1], [0, 0, 1, 1], [], []>, transpose_lhs_hint = false} : vector<2000x128xf32>, vector<128x128xf32>, vector<2000x128xf32> -> vector<2000x128xf32>
    %get3A_19 = arith.constant 0 : index
    %get3A_20 = arith.constant 0 : index
    %get3A_21 = vector.load %arg5[%get3A_19, %get3A_20] : memref<1x128xf32, #tpu.memory_space<vmem>>, vector<1x128xf32>
    %add3A_22 = vector.broadcast %get3A_21 : vector<1x128xf32> to vector<2000x128xf32>
    %add3A_23 = arith.addf %dot_general3A_18, %add3A_22 : vector<2000x128xf32>
    %max3A = arith.constant 0.000000e+00 : f32
    %max3A_24 = vector.broadcast %max3A : f32 to vector<2000x128xf32>
    %max3A_25 = arith.maximumf %add3A_23, %max3A_24 : vector<2000x128xf32>
    %get3A_26 = arith.constant 0 : index
    %get3A_27 = arith.constant 0 : index
    %get3A_28 = vector.load %arg6[%get3A_26, %get3A_27] : memref<128x128xf32, #tpu.memory_space<vmem>>, vector<128x128xf32>
    %dot_general3A_29 = arith.constant dense<0.000000e+00> : vector<2000x128xf32>
    %dot_general3A_30 = tpu.matmul %max3A_25, %get3A_28, %dot_general3A_29 {dimension_numbers = #tpu.dot_dimension_numbers<[1], [0], [0], [1], [0, 0, 1, 1], [], []>, transpose_lhs_hint = false} : vector<2000x128xf32>, vector<128x128xf32>, vector<2000x128xf32> -> vector<2000x128xf32>
    %get3A_31 = arith.constant 0 : index
    %get3A_32 = arith.constant 0 : index
    %get3A_33 = vector.load %arg7[%get3A_31, %get3A_32] : memref<1x128xf32, #tpu.memory_space<vmem>>, vector<1x128xf32>
    %add3A_34 = vector.broadcast %get3A_33 : vector<1x128xf32> to vector<2000x128xf32>
    %add3A_35 = arith.addf %dot_general3A_30, %add3A_34 : vector<2000x128xf32>
    %max3A_36 = arith.constant 0.000000e+00 : f32
    %max3A_37 = vector.broadcast %max3A_36 : f32 to vector<2000x128xf32>
    %max3A_38 = arith.maximumf %add3A_35, %max3A_37 : vector<2000x128xf32>
    %get3A_39 = arith.constant 0 : index
    %get3A_40 = arith.constant 0 : index
    %get3A_41 = vector.load %arg8[%get3A_39, %get3A_40] : memref<128x128xf32, #tpu.memory_space<vmem>>, vector<128x128xf32>
    %dot_general3A_42 = arith.constant dense<0.000000e+00> : vector<2000x128xf32>
    %dot_general3A_43 = tpu.matmul %max3A_38, %get3A_41, %dot_general3A_42 {dimension_numbers = #tpu.dot_dimension_numbers<[1], [0], [0], [1], [0, 0, 1, 1], [], []>, transpose_lhs_hint = false} : vector<2000x128xf32>, vector<128x128xf32>, vector<2000x128xf32> -> vector<2000x128xf32>
    %get3A_44 = arith.constant 0 : index
    %get3A_45 = arith.constant 0 : index
    %get3A_46 = vector.load %arg9[%get3A_44, %get3A_45] : memref<1x128xf32, #tpu.memory_space<vmem>>, vector<1x128xf32>
    %add3A_47 = vector.broadcast %get3A_46 : vector<1x128xf32> to vector<2000x128xf32>
    %add3A_48 = arith.addf %dot_general3A_43, %add3A_47 : vector<2000x128xf32>
    %iota3A = tpu.iota {dimensions = array<i32: 0>} : vector<128x2000xi32>
    %get3A_49 = arith.constant 0 : index
    %get3A_50 = arith.constant 0 : index
    %get3A_51 = arith.constant 0 : index
    %get3A_52 = vector.load %arg3[%get3A_49, %get3A_50, %get3A_51] : memref<1x1x2000xi32, #tpu.memory_space<vmem>>, vector<1x1x2000xi32>
    %get3A_53 = vector.shape_cast %get3A_52 : vector<1x1x2000xi32> to vector<1x2000xi32>
    %eq3A_54 = vector.broadcast %get3A_53 : vector<1x2000xi32> to vector<128x2000xi32>
    %eq3A_55 = arith.cmpi eq, %iota3A, %eq3A_54 : vector<128x2000xi32>
    %convert_element_type3A_56 = arith.extui %eq3A_55 : vector<128x2000xi1> to vector<128x2000xi32>
    %convert_element_type3A_57 = arith.sitofp %convert_element_type3A_56 : vector<128x2000xi32> to vector<128x2000xf32>
    %get3A_58 = arith.constant 0 : index
    %get3A_59 = arith.constant 0 : index
    %get3A_60 = vector.load %arg15[%get3A_58, %get3A_59] : memref<128x128xf32, #tpu.memory_space<vmem>>, vector<128x128xf32>
    %dot_general3A_61 = arith.constant dense<0.000000e+00> : vector<128x128xf32>
    %dot_general3A_62 = tpu.matmul %convert_element_type3A_57, %add3A_48, %dot_general3A_61 {dimension_numbers = #tpu.dot_dimension_numbers<[1], [0], [0], [1], [0, 0, 1, 1], [], []>, transpose_lhs_hint = false} : vector<128x2000xf32>, vector<2000x128xf32>, vector<128x128xf32> -> vector<128x128xf32>
    %add3A_63 = arith.addf %get3A_60, %dot_general3A_62 : vector<128x128xf32>
    %swap3A = arith.constant 0 : index
    %swap3A_64 = arith.constant 0 : index
    %swap3A_65 = vector.load %arg15[%swap3A, %swap3A_64] : memref<128x128xf32, #tpu.memory_space<vmem>>, vector<128x128xf32>
    tpu.vector_store %arg15[%swap3A, %swap3A_64], %add3A_63 {strides = array<i32>} : memref<128x128xf32, #tpu.memory_space<vmem>>, vector<128x128xf32>,
    %eq3A_66 = arith.constant 4 : i32
    %eq3A_67 = arith.cmpi eq, %arg0, %eq3A_66 : i32
    %convert_element_type3A_68 = arith.extui %eq3A_67 : i1 to i32
    %cond3A_69 = arith.constant 0 : i32
    %cond3A_70 = arith.cmpi ne, %convert_element_type3A_68, %cond3A_69 : i32
    scf.if %cond3A_70 {
      %get3A_71 = arith.constant 0 : index
      %get3A_72 = arith.constant 0 : index
      %get3A_73 = vector.load %arg15[%get3A_71, %get3A_72] : memref<128x128xf32, #tpu.memory_space<vmem>>, vector<128x128xf32>
      %get3A_74 = arith.constant 0 : index
      %get3A_75 = arith.constant 0 : index
      %get3A_76 = vector.load %arg10[%get3A_74, %get3A_75] : memref<128x128xf32, #tpu.memory_space<vmem>>, vector<128x128xf32>
      %dot_general3A_77 = arith.constant dense<0.000000e+00> : vector<128x128xf32>
      %dot_general3A_78 = tpu.matmul %get3A_73, %get3A_76, %dot_general3A_77 {dimension_numbers = #tpu.dot_dimension_numbers<[1], [0], [0], [1], [0, 0, 1, 1], [], []>, transpose_lhs_hint = false} : vector<128x128xf32>, vector<128x128xf32>, vector<128x128xf32> -> vector<128x128xf32>
      %get3A_79 = arith.constant 0 : index
      %get3A_80 = arith.constant 0 : index
      %get3A_81 = vector.load %arg11[%get3A_79, %get3A_80] : memref<1x128xf32, #tpu.memory_space<vmem>>, vector<1x128xf32>
      %add3A_82 = vector.broadcast %get3A_81 : vector<1x128xf32> to vector<128x128xf32>
      %add3A_83 = arith.addf %dot_general3A_78, %add3A_82 : vector<128x128xf32>
      %max3A_84 = arith.constant 0.000000e+00 : f32
      %max3A_85 = vector.broadcast %max3A_84 : f32 to vector<128x128xf32>
      %max3A_86 = arith.maximumf %add3A_83, %max3A_85 : vector<128x128xf32>
      %get3A_87 = arith.constant 0 : index
      %get3A_88 = arith.constant 0 : index
      %get3A_89 = vector.load %arg12[%get3A_87, %get3A_88] : memref<128x128xf32, #tpu.memory_space<vmem>>, vector<128x128xf32>
      %dot_general3A_90 = arith.constant dense<0.000000e+00> : vector<128x128xf32>
      %dot_general3A_91 = tpu.matmul %max3A_86, %get3A_89, %dot_general3A_90 {dimension_numbers = #tpu.dot_dimension_numbers<[1], [0], [0], [1], [0, 0, 1, 1], [], []>, transpose_lhs_hint = false} : vector<128x128xf32>, vector<128x128xf32>, vector<128x128xf32> -> vector<128x128xf32>
      %get3A_92 = arith.constant 0 : index
      %get3A_93 = arith.constant 0 : index
      %get3A_94 = vector.load %arg13[%get3A_92, %get3A_93] : memref<1x128xf32, #tpu.memory_space<vmem>>, vector<1x128xf32>
      %add3A_95 = vector.broadcast %get3A_94 : vector<1x128xf32> to vector<128x128xf32>
      %add3A_96 = arith.addf %dot_general3A_91, %add3A_95 : vector<128x128xf32>
      %reduce_max3A = arith.constant dense<0xFF800000> : vector<128xf32>
      %reduce_max3A_97 = vector.multi_reduction <maximumf>, %add3A_96, %reduce_max3A [1] : vector<128x128xf32> to vector<128xf32>
      %broadcast_in_dim3A = vector.shape_cast %reduce_max3A_97 : vector<128xf32> to vector<128x1xf32>
      %sub3A = vector.broadcast %broadcast_in_dim3A : vector<128x1xf32> to vector<128x128xf32>
      %sub3A_98 = arith.subf %add3A_96, %sub3A : vector<128x128xf32>
      %exp3A = math.exp %sub3A_98 : vector<128x128xf32>
      %reduce_sum3A = arith.constant dense<0.000000e+00> : vector<128xf32>
      %reduce_sum3A_99 = vector.multi_reduction <add>, %exp3A, %reduce_sum3A [1] : vector<128x128xf32> to vector<128xf32>
      %broadcast_in_dim3A_100 = vector.shape_cast %reduce_sum3A_99 : vector<128xf32> to vector<128x1xf32>
      %log3A = math.log %broadcast_in_dim3A_100 : vector<128x1xf32>
      %add3A_101 = arith.addf %log3A, %broadcast_in_dim3A : vector<128x1xf32>
      %sub3A_102 = vector.broadcast %add3A_101 : vector<128x1xf32> to vector<128x128xf32>
      %sub3A_103 = arith.subf %add3A_96, %sub3A_102 : vector<128x128xf32>
      %swap3A_104 = arith.constant 0 : index
      %swap3A_105 = arith.constant 0 : index
      %swap3A_106 = vector.load %arg14[%swap3A_104, %swap3A_105] : memref<128x128xf32, #tpu.memory_space<vmem>>, vector<128x128xf32>
      tpu.vector_store %arg14[%swap3A_104, %swap3A_105], %sub3A_103 {strides = array<i32>} : memref<128x128xf32, #tpu.memory_space<vmem>>, vector<128x128xf32>,
    } else {
    }
    return
  }
  func.func @transform_0(%arg0: i32) -> (i32, i32) {
    %c0_i32 = arith.constant 0 : i32
    %c0_i32_0 = arith.constant 0 : i32
    return %arg0, %c0_i32 : i32, i32
  }
  func.func @transform_1(%arg0: i32) -> (i32, i32, i32) {
    %c0_i32 = arith.constant 0 : i32
    %c0_i32_0 = arith.constant 0 : i32
    %c0_i32_1 = arith.constant 0 : i32
    return %c0_i32, %arg0, %c0_i32_0 : i32, i32, i32
  }
  func.func @transform_2(%arg0: i32) -> (i32, i32, i32) {
    %c0_i32 = arith.constant 0 : i32
    %c0_i32_0 = arith.constant 0 : i32
    %c0_i32_1 = arith.constant 0 : i32
    return %arg0, %c0_i32, %c0_i32_0 : i32, i32, i32
  }
  func.func @transform_3(%arg0: i32) -> (i32, i32) {
    %c0_i32 = arith.constant 0 : i32
    %c0_i32_0 = arith.constant 0 : i32
    %c0_i32_1 = arith.constant 0 : i32
    return %c0_i32, %c0_i32_0 : i32, i32
  }
  func.func @transform_4(%arg0: i32) -> (i32, i32) {
    %c0_i32 = arith.constant 0 : i32
    %c0_i32_0 = arith.constant 0 : i32
    %c0_i32_1 = arith.constant 0 : i32
    return %c0_i32, %c0_i32_0 : i32, i32
  }
  func.func @transform_5(%arg0: i32) -> (i32, i32) {
    %c0_i32 = arith.constant 0 : i32
    %c0_i32_0 = arith.constant 0 : i32
    %c0_i32_1 = arith.constant 0 : i32
    return %c0_i32, %c0_i32_0 : i32, i32
  }
  func.func @transform_6(%arg0: i32) -> (i32, i32) {
    %c0_i32 = arith.constant 0 : i32
    %c0_i32_0 = arith.constant 0 : i32
    %c0_i32_1 = arith.constant 0 : i32
    return %c0_i32, %c0_i32_0 : i32, i32
  }
  func.func @transform_7(%arg0: i32) -> (i32, i32) {
    %c0_i32 = arith.constant 0 : i32
    %c0_i32_0 = arith.constant 0 : i32
    %c0_i32_1 = arith.constant 0 : i32
    return %c0_i32, %c0_i32_0 : i32, i32
  }
  func.func @transform_8(%arg0: i32) -> (i32, i32) {
    %c0_i32 = arith.constant 0 : i32
    %c0_i32_0 = arith.constant 0 : i32
    %c0_i32_1 = arith.constant 0 : i32
    return %c0_i32, %c0_i32_0 : i32, i32
  }
  func.func @transform_9(%arg0: i32) -> (i32, i32) {
    %c0_i32 = arith.constant 0 : i32
    %c0_i32_0 = arith.constant 0 : i32
    %c0_i32_1 = arith.constant 0 : i32
    return %c0_i32, %c0_i32_0 : i32, i32
  }
  func.func @transform_10(%arg0: i32) -> (i32, i32) {
    %c0_i32 = arith.constant 0 : i32
    %c0_i32_0 = arith.constant 0 : i32
    %c0_i32_1 = arith.constant 0 : i32
    return %c0_i32, %c0_i32_0 : i32, i32
  }
  func.func @transform_11(%arg0: i32) -> (i32, i32) {
    %c0_i32 = arith.constant 0 : i32
    %c0_i32_0 = arith.constant 0 : i32
    %c0_i32_1 = arith.constant 0 : i32
    return %c0_i32, %c0_i32_0 : i32, i32
  }
  func.func @transform_12(%arg0: i32) -> (i32, i32) {
    %c0_i32 = arith.constant 0 : i32
    %c0_i32_0 = arith.constant 0 : i32
    %c0_i32_1 = arith.constant 0 : i32
    return %c0_i32, %c0_i32_0 : i32, i32
  }
  func.func @transform_13(%arg0: i32) -> (i32, i32) {
    %c0_i32 = arith.constant 0 : i32
    %c0_i32_0 = arith.constant 0 : i32
    %c0_i32_1 = arith.constant 0 : i32
    return %c0_i32, %c0_i32_0 : i32, i32
  }
}

</mosaic_0001>

<sc_bundles>
// kernel: kernel.12.cloned.1.call-start
scs
__scs_entry_jumppad:
0x0: {  	(pc) =	sbr.rel $0x88, $3  }
0x1: {  	(tag) =	ssettag $0x0;
	lr =	simm.s32 $0x1  }
0x2: {  	[smem:$0x3F84] =	sst lr;
	_ =	strace $0xD0000000  }
0x3: {  	_ = 	snop  }
0x4: {  	_ = 	snop  }
0x5: {  	_ = 	snop  }
0x6: {  	_ = 	snop  }
0x7: {  	_ = 	snop  }
__scs_overlays_trampoline_lowered:
0x8: {  	[smem:$0x3F93] =	sst s0  }
0x9: {  	[smem:$0x3F94] =	sst s1  }
0xa: {  	[smem:$0x3F95] =	sst s2  }
0xb: {  	[smem:$0x3F96] =	sst s3  }
0xc: {  	[smem:$0x3F97] =	sst s4  }
0xd: {  	[smem:$0x3F98] =	sst s5  }
0xe: {  	[smem:$0x3F99] =	sst s6  }
0xf: {  	[smem:$0x3F9A] =	sst s7  }
0x10: {  	[smem:$0x3F9B] =	sst s8  }
0x11: {  	[smem:$0x3F9C] =	sst s9;
	s0 =	simm.s32 @!p0 $0x0  }
0x12: {  	s1 =	sld [smem:$0x3F82];
	s0 =	simm.s32 @p0 $0x1  }
0x13: {  	[smem:$0x3F9D] =	sst s0;
	s0 =	simm.s32 @!p1 $0x0  }
0x14: {  	s2 =	sld [smem:$0x3F81];
	s0 =	simm.s32 @p1 $0x1  }
0x15: {  	[smem:$0x3F9E] =	sst s0;
	s0 =	simm.s32 @!p2 $0x0  }
0x16: {  	s3 =	sld [smem:$0x3FDB];
	s0 =	simm.s32 @p2 $0x1  }
0x17: {  	s4 =	simm.s32 $0x1BF5;
	[smem:$0x3FA0] =	sst s0  }
0x18: {  	s0 =	sld [smem:$0x3F83];
	_ =	swait.ge [sflag:s4], $0x0  }
0x19: {  	s7 =	sld [smem:$0x3F84]  }
0x1a: {  	s8 =	sadd.s32 $0xFFFFE003, lr  }
0x1b: {  	s9 =	sadd.s32 $0xFFFFFEF7, lr;
	s5 =	simm.s32 $0xFFFFFFFF;
	p2 =	slt.u32 s8, $0xFFFFF086  }
0x1c: {  	p1 =	slt.u32 s9, $0xF7A;
	s5 =	simm.s32 @!p2 $0x0  }
0x1d: {  	s5 =	simm.s32 @p1 $0x1;
	p0 =	seq.s32 s7, s2  }
0x1e: {  	s7 =	smul.u32 @!p0 $0xF7A, s2;
	p2 =	seq.s32 @!p0 s5, $0x0  }
0x1f: {  	s9 =	smul.u32 $0xF7A, s1;
	s8 =	simm.s32 @!p0 $0x1BF5;
	p2 =	por !p2, p0  }
0x20: {  	[sflag:s8] =	ssyncset.s32 @!p0 $0xFFFFF086;
	s6 =	sadd.s32 @!p0 s3, s7;
	s7 =	simm.s32 @!p0 $0x108  }
0x21: {  	s3 =	sadd.s32 s3, s9;
	s6 =	sadd.s32 @!p0 $0x88, s6;
	s7 =	simm.s32 @p2 $0x1082  }
0x22: {  	[simem:s7], [sflag:s8] =	dma.local @!p0 [hbm:s6], $0xF7A  }
0x23: {  	s9 =	sor.u32 $0xD0000000, s2;
	s6 =	simm.s32 $0x108;
	_ =	swait.ge @!p0 [sflag:s8], $0x0  }
0x24: {  	s3 =	sadd.s32 $0x88, s3;
	s6 =	simm.s32 @!p1 $0x1082;
	[sflag:s4] =	ssyncset.s32 $0xFFFFF086  }
0x25: {  	[simem:s6], [sflag:s4] =	dma.local [hbm:s3], $0xF7A  }
0x26: {  	[smem:$0x3F84] =	sst s1;
	(tag) =	ssettag s2;
	_ =	strace s9  }
0x27: {  	s1 =	sld [smem:$0x3F94]  }
0x28: {  	s2 =	sld [smem:$0x3F95]  }
0x29: {  	s4 =	sld [smem:$0x3F97]  }
0x2a: {  	p0 =	seq.s32 s5, $0x0;
	s5 =	sld [smem:$0x3F98]  }
0x2b: {  	s6 =	sld [smem:$0x3F99]  }
0x2c: {  	s7 =	sld [smem:$0x3F9A]  }
0x2d: {  	s3 =	simm.s32 $0x108;
	s8 =	sld [smem:$0x3F9B]  }
0x2e: {  	s3 =	simm.s32 @!p0 $0x1082;
	s9 =	sld [smem:$0x3F9C]  }
0x2f: {  	lr =	sadd.s32 s0, s3;
	s0 =	sld [smem:$0x3F93]  }
0x30: {  	s3 =	sld [smem:$0x3F96]  }
0x31: {  	[smem:$0x3F9F] =	sst s10  }
0x32: {  	s10 =	sld [smem:$0x3F9D];
	_ =	sdelay $0x3  }
0x33: {  	p0 =	seq.s32 s10, $0x1;
	s10 =	sld [smem:$0x3F9F];
	_ =	sdelay $0x3  }
0x34: {  	[smem:$0x3F9F] =	sst s10  }
0x35: {  	s10 =	sld [smem:$0x3F9E];
	_ =	sdelay $0x3  }
0x36: {  	p1 =	seq.s32 s10, $0x1;
	s10 =	sld [smem:$0x3F9F];
	_ =	sdelay $0x3  }
0x37: {  	[smem:$0x3F9F] =	sst s10  }
0x38: {  	s10 =	sld [smem:$0x3FA0]  }
0x39: {  	_ = 	snop;
	(pc) =	sbr.ind lr, $3  }
0x3a: {  	_ = 	snop  }
0x3b: {  	_ = 	snop  }
0x3c: {  	p2 =	seq.s32 s10, $0x1;
	s10 =	sld [smem:$0x3F9F]  }
0x3d: {  	_ =	shalt  }
0x3e: {  	_ =	shalt  }
0x3f: {  	_ =	shalt  }
0x40: {  	_ =	shalt  }
0x41: {  	_ =	shalt  }
0x42: {  	_ =	shalt  }
0x43: {  	_ =	shalt  }
0x44: {  	_ =	shalt  }
0x45: {  	_ =	shalt  }
0x46: {  	_ =	shalt  }
0x47: {  	_ =	shalt  }
0x48: {  	_ =	shalt  }
0x49: {  	_ =	shalt  }
0x4a: {  	_ =	shalt  }
0x4b: {  	_ =	shalt  }
0x4c: {  	_ =	shalt  }
0x4d: {  	_ =	shalt  }
0x4e: {  	_ =	shalt  }
0x4f: {  	_ =	shalt  }
0x50: {  	_ =	shalt  }
0x51: {  	_ =	shalt  }
0x52: {  	_ =	shalt  }
0x53: {  	_ =	shalt  }
0x54: {  	_ =	shalt  }
0x55: {  	_ =	shalt  }
0x56: {  	_ =	shalt  }
0x57: {  	_ =	shalt  }
0x58: {  	_ =	shalt  }
0x59: {  	_ =	shalt  }
0x5a: {  	_ =	shalt  }
0x5b: {  	_ =	shalt  }
0x5c: {  	_ =	shalt  }
0x5d: {  	_ =	shalt  }
0x5e: {  	_ =	shalt  }
0x5f: {  	_ =	shalt  }
0x60: {  	_ =	shalt  }
0x61: {  	_ =	shalt  }
0x62: {  	_ =	shalt  }
0x63: {  	_ =	shalt  }
0x64: {  	_ =	shalt  }
0x65: {  	_ =	shalt  }
0x66: {  	_ =	shalt  }
0x67: {  	_ =	shalt  }
0x68: {  	_ =	shalt  }
0x69: {  	_ =	shalt  }
0x6a: {  	_ =	shalt  }
0x6b: {  	_ =	shalt  }
0x6c: {  	_ =	shalt  }
0x6d: {  	_ =	shalt  }
0x6e: {  	_ =	shalt  }
0x6f: {  	_ =	shalt  }
0x70: {  	_ =	shalt  }
0x71: {  	_ =	shalt  }
0x72: {  	_ =	shalt  }
0x73: {  	_ =	shalt  }
0x74: {  	_ =	shalt  }
0x75: {  	_ =	shalt  }
0x76: {  	_ =	shalt  }
0x77: {  	_ =	shalt  }
0x78: {  	_ =	shalt  }
0x79: {  	_ =	shalt  }
0x7a: {  	_ =	shalt  }
0x7b: {  	_ =	shalt  }
0x7c: {  	_ =	shalt  }
0x7d: {  	_ =	shalt  }
0x7e: {  	_ =	shalt  }
0x7f: {  	_ =	shalt  }
0x80: {  	_ =	shalt  }
0x81: {  	_ =	shalt  }
0x82: {  	_ =	shalt  }
0x83: {  	_ =	shalt  }
0x84: {  	_ =	shalt  }
0x85: {  	_ =	shalt  }
0x86: {  	_ =	shalt  }
0x87: {  	_ =	shalt  }
.Lfunc_end0:
.L_simem_size_0:
called_computation.1_lowered:
.L_overlay_start_0:
0x88: {  	s2 =	sld [smem:$0x3FD9]  }
0x89: {  	s3 =	sld [smem:$0x3FFE];
	_ =	sdelay $0x1  }
0x8a: {  	s1 =	srdreg.scid  }
0x8b: {  	s0 =	sand.u32 $0x1, s1  }
0x8c: {  	s16 =	sshll.u32 s0, $0xA;
	s2 =	sadd.s32 s3, s2  }
0x8d: {  	s2 =	sadd.s32 s2, s16  }
0x8e: {  	[smem:$0x3FAB] =	sst s2  }
0x8f: {  	_ = 	snop  }
0x90: {  	(tm) =	ssettm $0x1  }
0x91: {  	s17 =	sld [smem:$0x3FFB];
	_ =	sdelay $0x3  }
0x92: {  	_ =	strace s17  }
0x93: {  	s2 =	sld [smem:$0x3FFC];
	_ =	sdelay $0x3  }
0x94: {  	_ =	strace s2  }
0x95: {  	s2 =	sld [smem:$0x3FFD];
	_ =	sdelay $0x3  }
0x96: {  	_ =	strace s2  }
0x97: {  	_ =	strace $0x8FFFFFFF  }
0x98: {  	s18 =	sld [smem:$0x3FDB];
	_ =	sdelay $0x1  }
0x99: {  	s19 =	simm.s32 $_scs_section_size  }
0x9a: {  	s4 =	simm.s32 $_size__tile_overlayer_lowered;
	s5 =	simm.s32 $_tile_overlayer_lowered  }
0x9b: {  	s22 =	simm.s32 $0x1BFF;
	s21 =	sshll.u32 s5, $0x1;
	s2 =	sadd.s32 s19, s18  }
0x9c: {  	s6 =	simm.s32 $0x0;
	s20 =	sshll.u32 s4, $0x1;
	s4 =	sadd.s32 s21, s2  }
0x9d: {  	[timem:s6], [sflag:s22] =	dma.local [hbm:s4], s20  }
0x9e: {  	_ =	swait.ge [sflag:s22], s20  }
0x9f: {  	s3 =	ssub.s32 $0x0, s20;
	[sflag:s22] =	ssyncset.done $0x0  }
0xa0: {  	[sflag:s22] =	ssyncadd.s32 s3;
	_ =	sdelay $0x1  }
0xa1: {  	s23 =	simm.s32 $0x1B8B  }
0xa2: {  	_ =	swait.ge [sflag:s23], $0x1  }
0xa3: {  	[sflag:s23] =	ssyncset.done $0x0  }
0xa4: {  	s25 =	simm.s32 $0x1B8E;
	s24 =	sld [smem:$0x3FFE];
	[sflag:s23] =	ssyncadd.s32 $0xFFFFFFFF  }
0xa5: {  	s26 =	simm.s32 $execute0_lowered;
	[smem:$0x3FD2] =	sst s25  }
0xa6: {  	s4 =	sshll.u32 s26, $0x1;
	_ =	strace $0x80000049;
	[dreg:$0x1] =	wrdreg $0xFFFFFFFF  }
0xa7: {  	s28 =	simm.s32 $_size_execute0_lowered;
	s2 =	sadd.s32 s2, s4;
	[dreg:$0x0] =	wrdreg $0x0  }
0xa8: {  	s4 =	sshll.u32 s28, $0x1;
	[dreg:$0x2] =	wrdreg s2  }
0xa9: {  	[dreg:$0x3] =	wrdreg s4  }
0xaa: {  	[dreg:$0x4] =	wrdreg $0xC0  }
0xab: {  	_ =	task [dreg:s6], $0x5FFFF  }
0xac: {  	[dreg:$0x1] =	wrdreg $0xFFFFFFFF  }
0xad: {  	[dreg:$0x0] =	wrdreg $0x60  }
0xae: {  	[dreg:$0x2] =	wrdreg s24  }
0xaf: {  	[dreg:$0x3] =	wrdreg $0xA8000  }
0xb0: {  	[dreg:$0x4] =	wrdreg $0x9  }
0xb1: {  	_ =	task.clear_ibuf [dreg:s6], $0x5FFFF;
	_ =	strace $0x90000049  }
0xb2: {  	s29 =	simm.s32 $0x9;
	_ =	strace $0x8000004B  }
0xb3: {  	_ =	swait.ge [sflag:s29], $0x1  }
0xb4: {  	[sflag:s29] =	ssyncadd.s32 $0xFFFFFFFF  }
0xb5: {  	_ =	strace $0x9000004B  }
0xb6: {  	_ =	sfence  }
0xb7: {  	s30 =	sld [smem:$0x0];
	_ =	sdelay $0x2  }
0xb8: {  	s31 =	sshll.u32 s1, $0xD;
	s1 =	sshrl.u32 s1, $0x2  }
0xb9: {  	s3 =	sand.u32 $0x4000, s31;
	s1 =	sadd.s32 s1, s30  }
0xba: {  	s0 =	sor.u32 s3, s0;
	s1 =	sshll.u32 s1, $0x11  }
0xbb: {  	s0 =	sor.u32 s1, s0  }
0xbc: {  	s0 =	sadd.s32 $0x8F2B, s0  }
0xbd: {  	[sflag:s0] =	ssyncadd.remote.s32 $0x1  }
0xbe: {  	_ =	sfence.sel $0xFFFF  }
0xbf: {  	[dreg:$0x0] =	wrdreg $0xFFFFFFFF;
	(pc) =	sbr.abs _section_cstart, $3  }
0xc0: {  	[dreg:$0x1] =	wrdreg $0xFFFFFFFF  }
0xc1: {  	_ =	task.clear_ibuf [dreg:s6], $0x2FFFF;
	_ =	strace $0x9FFFFFFF  }
0xc2: {  	(tm) =	ssettm $0x7FFFFFFF  }
0xc3: {  	_ =	shalt  }
tec
execute0_lowered:
.L_overlay_start_1:
0x0: {  	(tag) =	ssettag $0x1  }
0x1: {  	s5 =	rddreg [dreg:$0x0]  }
0x2: {  	s2 =	rddreg [dreg:$0x1]  }
0x3: {  	s0 =	rddreg [dreg:$0x2];
	s3 =	simm.s32 $0x0  }
0x4: {  	s1 =	stileid.u32;
	s4 =	srdreg.scid;
	s17 =	simm.s32 $0x80  }
0x5: {  	s18 =	simm.s32 $0x2800;
	s19 =	simm.s32 $0x6800;
	s20 =	simm.s32 $0x3  }
0x6: {  	s21 =	simm.s32 $0x1;
	s22 =	simm.s32 $0x2;
	s23 =	simm.s32 $0x2700  }
0x7: {  	s24 =	simm.s32 $0x2780;
	s25 =	simm.s32 $0x0;
	[smem:$0x7FF] =	sst s3  }
0x8: {  	s6 =	smul.u32 $0x14000, s1;
	s7 =	sand.u32 $0x1, s4;
	s4 =	sadd.s32 $0x41C00, s5  }
0x9: {  	s10 =	sadd.s32 $0x5C00, s5;
	s11 =	sadd.s32 $0xFC00, s5;
	s12 =	smul.u32 $0x50000, s1  }
0xa: {  	s28 =	sshll.u32 s1, $0x1;
	_ =	strace $0x8000004A;
	s9 =	smul.u32 $0x140000, s7  }
0xb: {  	s13 =	ssub.s32 $0x2, s7;
	s7 =	sor.u32 s7, s28;
	s8 =	sshrl.u32 s6, $0x3  }
0xc: {  	s29 =	sshrl.u32 s13, $0x1;
	s12 =	sshrl.u32 s12, $0x2;
	s14 =	smul.u32 $0x2800, s7  }
0xd: {  	s30 =	smul.u32 $0x500, s7;
	s8 =	sadd.s32 s8, s5;
	s6 =	sadd.s32 s6, s9  }
0xe: {  	s13 =	ssub.s32 s13, s29;
	s16 =	sadd.s32 s12, s2;
	s6 =	sshrl.u32 s6, $0x3  }
0xf: {  	s31 =	sshrl.u32 s14, $0x3;
	s9 =	sadd.s32 s11, s30;
	s13 =	smax.u32 s13, $0x1  }
0x10: {  	s14 =	sshrl.u32 s16, $0x3;
	s16 =	simm.s32 $0x1400;
	s15 =	sadd.s32 s6, s5  }
0x11: {  	s5 =	sshll.u32 s1, $0x6;
	s6 =	sadd.s32 $0x19C00, s8;
	s12 =	sadd.s32 $0x280, s31  }
0x12: {  	s8 =	sadd.s32 s10, s30;
	s7 =	sor.u32 $0x1C03, s5;
	s10 =	sadd.s32 s10, s12  }
0x13: {  	s11 =	sadd.s32 s11, s12;
	s12 =	sadd.s32 $0x68E00, s15;
	s15 =	simm.s32 $0x4  }
.LBB2_1:
0x14: {  	[spmem:s14], [sflag:s7] =	dma.local [hbm:s6], $0x2800  }
0x15: {  	[tilespmem:s3], [sflag:$0x4] =	stream.linear.gather [hbm4b:s8+s3], $0x1400, $0x38;
	[tilespmem:$0x1E800] =	vst v63  }
0x16: {  	_ =	swait.ge [sflag:s15], $0x1400  }
0x17: {  	[sflag:s15] =	ssyncset.done $0x0  }
0x18: {  	[sflag:s15] =	ssyncadd.s32 $0xFFFFEC00  }
0x19: {  	[tilespmem:s16], [sflag:$0x4] =	stream.linear.gather [hbm4b:s9+s3], $0x1400, $0x38;
	[tilespmem:$0x1E800] =	vst v63  }
0x1a: {  	_ =	swait.ge [sflag:s15], $0x1400  }
0x1b: {  	[sflag:s15] =	ssyncset.done $0x0  }
0x1c: {  	[sflag:s15] =	ssyncadd.s32 $0xFFFFEC00  }
0x1d: {  	[tilespmem:s18], [sflag:$0x1] =	stream.indirect.gather [hbm4b:s4+s17], $0x80, s3, s17, $0xb8;
	[tilespmem:$0x1E800] =	vst v63  }
0x1e: {  	_ = 	snop  }
0x1f: {  	[tilespmem:s19], [sflag:$0x2] =	stream.indirect.gather [hbm4b:s4+s17], $0x80, s17, s17, $0xb8;
	[tilespmem:$0x1E800] =	vst v63  }
0x20: {  	_ =	swait.ge [sflag:s20], $0x2800  }
0x21: {  	[sflag:s20] =	ssyncset.done $0x0  }
0x22: {  	[sflag:s20] =	ssyncadd.s32 $0xFFFFD800  }
0x23: {  	[bflag:$0x0] =	sbarrier.arrive $0xFFFF  }
0x24: {  	_ =	swait.ge [sflag:s21], $0x4000  }
0x25: {  	[sflag:s21] =	ssyncset.done $0x0  }
0x26: {  	s26 =	simm.s32 $0x1400;
	[sflag:s21] =	ssyncadd.s32 $0xFFFFC000  }
0x27: {  	[spmem:s2] =	stream.indirect.scatter.add.f32 [tilespmem:s18], [sflag:$0x4], $0x80, s26, s17, $0xb8;
	[tilespmem:$0x1E800] =	vst v63  }
0x28: {  	_ =	swait.ge [sflag:s15], $0x4000  }
0x29: {  	[sflag:s15] =	ssyncset.done $0x0  }
0x2a: {  	s30 =	simm.s32 $0x100;
	[sflag:s15] =	ssyncadd.s32 $0xFFFFC000  }
0x2b: {  	[tilespmem:s18], [sflag:$0x1] =	stream.indirect.gather [hbm4b:s4+s17], $0x80, s30, s17, $0xb8;
	[tilespmem:$0x1E800] =	vst v63  }
0x2c: {  	_ =	swait.ge [sflag:s22], $0x4000  }
0x2d: {  	[sflag:s22] =	ssyncset.done $0x0  }
0x2e: {  	s31 =	simm.s32 $0x1480;
	[sflag:s22] =	ssyncadd.s32 $0xFFFFC000  }
0x2f: {  	[spmem:s2] =	stream.indirect.scatter.add.f32 [tilespmem:s19], [sflag:$0x4], $0x80, s31, s17, $0xb8;
	[tilespmem:$0x1E800] =	vst v63  }
0x30: {  	_ =	swait.ge [sflag:s15], $0x4000  }
0x31: {  	[sflag:s15] =	ssyncset.done $0x0  }
0x32: {  	s28 =	simm.s32 $0x180;
	s26 =	simm.s32 $0x400;
	[sflag:s15] =	ssyncadd.s32 $0xFFFFC000  }
.LBB2_2:
0x33: {  	[tilespmem:s19], [sflag:$0x2] =	stream.indirect.gather [hbm4b:s4+s17], $0x80, s28, s17, $0xb8;
	[tilespmem:$0x1E800] =	vst v63  }
0x34: {  	s28 =	smov.u32 s26  }
0x35: {  	p0 =	sne.s32 s26, $0x4800;
	s26 =	sadd.s32 $0x400, s26;
	_ =	swait.ge [sflag:s21], $0x4000  }
0x36: {  	s28 =	sshra.s32 s28, $0x2;
	[sflag:s21] =	ssyncset.done $0x0  }
0x37: {  	s29 =	sadd.s32 $0x1400, s28;
	[sflag:s21] =	ssyncadd.s32 $0xFFFFC000  }
0x38: {  	[spmem:s2] =	stream.indirect.scatter.add.f32 [tilespmem:s18], [sflag:$0x4], $0x80, s29, s17, $0xb8;
	[tilespmem:$0x1E800] =	vst v63  }
0x39: {  	_ =	swait.ge [sflag:s15], $0x4000  }
0x3a: {  	[sflag:s15] =	ssyncset.done $0x0  }
0x3b: {  	s29 =	sadd.s32 $0x100, s28;
	[sflag:s15] =	ssyncadd.s32 $0xFFFFC000  }
0x3c: {  	[tilespmem:s18], [sflag:$0x1] =	stream.indirect.gather [hbm4b:s4+s17], $0x80, s29, s17, $0xb8;
	[tilespmem:$0x1E800] =	vst v63  }
0x3d: {  	_ =	swait.ge [sflag:s22], $0x4000  }
0x3e: {  	[sflag:s22] =	ssyncset.done $0x0  }
.Ltmp0:
0x3f: {  	s29 =	sadd.s32 $0x1480, s28;
	[sflag:s22] =	ssyncadd.s32 $0xFFFFC000;
	(pc) =	sbr.rel @p0 .LBB2_2-.Ltmp0, $4  }
0x40: {  	[spmem:s2] =	stream.indirect.scatter.add.f32 [tilespmem:s19], [sflag:$0x4], $0x80, s29, s17, $0xb8;
	[tilespmem:$0x1E800] =	vst v63  }
0x41: {  	_ =	swait.ge [sflag:s15], $0x4000  }
0x42: {  	[sflag:s15] =	ssyncset.done $0x0  }
0x43: {  	s28 =	sadd.s32 $0x180, s28;
	[sflag:s15] =	ssyncadd.s32 $0xFFFFC000  }
0x44: {  	[tilespmem:s19], [sflag:$0x2] =	stream.indirect.gather [hbm4b:s4+s17], $0x80, s28, s17, $0xb8;
	[tilespmem:$0x1E800] =	vst v63  }
0x45: {  	_ =	swait.ge [sflag:s21], $0x4000  }
0x46: {  	[sflag:s21] =	ssyncset.done $0x0  }
0x47: {  	[sflag:s21] =	ssyncadd.s32 $0xFFFFC000  }
0x48: {  	[spmem:s2] =	stream.indirect.scatter.add.f32 [tilespmem:s18], [sflag:$0x4], $0x80, s23, s17, $0xb8;
	[tilespmem:$0x1E800] =	vst v63  }
0x49: {  	_ =	swait.ge [sflag:s15], $0x4000  }
0x4a: {  	[sflag:s15] =	ssyncset.done $0x0  }
0x4b: {  	[sflag:s15] =	ssyncadd.s32 $0xFFFFC000  }
0x4c: {  	_ =	swait.ge [sflag:s22], $0x4000  }
0x4d: {  	[sflag:s22] =	ssyncset.done $0x0  }
0x4e: {  	[sflag:s22] =	ssyncadd.s32 $0xFFFFC000  }
0x4f: {  	[spmem:s2] =	stream.indirect.scatter.add.f32 [tilespmem:s19], [sflag:$0x4], $0x80, s24, s17, $0xb8;
	[tilespmem:$0x1E800] =	vst v63  }
0x50: {  	_ =	swait.ge [sflag:s15], $0x4000  }
0x51: {  	[sflag:s15] =	ssyncset.done $0x0  }
0x52: {  	s26 =	simm.s32 $0x0;
	[sflag:s15] =	ssyncadd.s32 $0xFFFFC000  }
0x53: {  	[tilespmem:s26], [sflag:$0x4] =	stream.linear.gather [hbm4b:s10+s26], $0x1400, $0x38;
	[tilespmem:$0x1E800] =	vst v63  }
0x54: {  	_ =	swait.ge [sflag:s15], $0x1400  }
0x55: {  	[sflag:s15] =	ssyncset.done $0x0  }
0x56: {  	[sflag:s15] =	ssyncadd.s32 $0xFFFFEC00  }
0x57: {  	[tilespmem:s16], [sflag:$0x4] =	stream.linear.gather [hbm4b:s11+s26], $0x1400, $0x38;
	[tilespmem:$0x1E800] =	vst v63  }
0x58: {  	_ =	swait.ge [sflag:s15], $0x1400  }
0x59: {  	[sflag:s15] =	ssyncset.done $0x0  }
0x5a: {  	[sflag:s15] =	ssyncadd.s32 $0xFFFFEC00  }
0x5b: {  	[tilespmem:s18], [sflag:$0x1] =	stream.indirect.gather [hbm4b:s4+s17], $0x80, s26, s17, $0xb8;
	[tilespmem:$0x1E800] =	vst v63  }
0x5c: {  	_ = 	snop  }
0x5d: {  	[tilespmem:s19], [sflag:$0x2] =	stream.indirect.gather [hbm4b:s4+s17], $0x80, s17, s17, $0xb8;
	[tilespmem:$0x1E800] =	vst v63  }
0x5e: {  	_ =	swait.ge [sflag:s21], $0x4000  }
0x5f: {  	[sflag:s21] =	ssyncset.done $0x0  }
0x60: {  	s29 =	simm.s32 $0x1400;
	[sflag:s21] =	ssyncadd.s32 $0xFFFFC000  }
0x61: {  	[spmem:s2] =	stream.indirect.scatter.add.f32 [tilespmem:s18], [sflag:$0x4], $0x80, s29, s17, $0xb8;
	[tilespmem:$0x1E800] =	vst v63  }
0x62: {  	_ =	swait.ge [sflag:s15], $0x4000  }
0x63: {  	[sflag:s15] =	ssyncset.done $0x0  }
0x64: {  	s30 =	simm.s32 $0x100;
	[sflag:s15] =	ssyncadd.s32 $0xFFFFC000  }
0x65: {  	[tilespmem:s18], [sflag:$0x1] =	stream.indirect.gather [hbm4b:s4+s17], $0x80, s30, s17, $0xb8;
	[tilespmem:$0x1E800] =	vst v63  }
0x66: {  	_ =	swait.ge [sflag:s22], $0x4000  }
0x67: {  	[sflag:s22] =	ssyncset.done $0x0  }
0x68: {  	s31 =	simm.s32 $0x1480;
	[sflag:s22] =	ssyncadd.s32 $0xFFFFC000  }
0x69: {  	[spmem:s2] =	stream.indirect.scatter.add.f32 [tilespmem:s19], [sflag:$0x4], $0x80, s31, s17, $0xb8;
	[tilespmem:$0x1E800] =	vst v63  }
0x6a: {  	_ =	swait.ge [sflag:s15], $0x4000  }
0x6b: {  	[sflag:s15] =	ssyncset.done $0x0  }
0x6c: {  	s28 =	simm.s32 $0x180;
	s26 =	simm.s32 $0x400;
	[sflag:s15] =	ssyncadd.s32 $0xFFFFC000  }
.LBB2_4:
0x6d: {  	[tilespmem:s19], [sflag:$0x2] =	stream.indirect.gather [hbm4b:s4+s17], $0x80, s28, s17, $0xb8;
	[tilespmem:$0x1E800] =	vst v63  }
0x6e: {  	s28 =	smov.u32 s26  }
0x6f: {  	p0 =	sne.s32 s26, $0x4800;
	s26 =	sadd.s32 $0x400, s26;
	_ =	swait.ge [sflag:s21], $0x4000  }
0x70: {  	s28 =	sshra.s32 s28, $0x2;
	[sflag:s21] =	ssyncset.done $0x0  }
0x71: {  	s29 =	sadd.s32 $0x1400, s28;
	[sflag:s21] =	ssyncadd.s32 $0xFFFFC000  }
0x72: {  	[spmem:s2] =	stream.indirect.scatter.add.f32 [tilespmem:s18], [sflag:$0x4], $0x80, s29, s17, $0xb8;
	[tilespmem:$0x1E800] =	vst v63  }
0x73: {  	_ =	swait.ge [sflag:s15], $0x4000  }
0x74: {  	[sflag:s15] =	ssyncset.done $0x0  }
0x75: {  	s29 =	sadd.s32 $0x100, s28;
	[sflag:s15] =	ssyncadd.s32 $0xFFFFC000  }
0x76: {  	[tilespmem:s18], [sflag:$0x1] =	stream.indirect.gather [hbm4b:s4+s17], $0x80, s29, s17, $0xb8;
	[tilespmem:$0x1E800] =	vst v63  }
0x77: {  	_ =	swait.ge [sflag:s22], $0x4000  }
0x78: {  	[sflag:s22] =	ssyncset.done $0x0  }
.Ltmp1:
0x79: {  	s29 =	sadd.s32 $0x1480, s28;
	[sflag:s22] =	ssyncadd.s32 $0xFFFFC000;
	(pc) =	sbr.rel @p0 .LBB2_4-.Ltmp1, $4  }
0x7a: {  	[spmem:s2] =	stream.indirect.scatter.add.f32 [tilespmem:s19], [sflag:$0x4], $0x80, s29, s17, $0xb8;
	[tilespmem:$0x1E800] =	vst v63  }
0x7b: {  	_ =	swait.ge [sflag:s15], $0x4000  }
0x7c: {  	[sflag:s15] =	ssyncset.done $0x0  }
0x7d: {  	s28 =	sadd.s32 $0x180, s28;
	[sflag:s15] =	ssyncadd.s32 $0xFFFFC000  }
0x7e: {  	[tilespmem:s19], [sflag:$0x2] =	stream.indirect.gather [hbm4b:s4+s17], $0x80, s28, s17, $0xb8;
	[tilespmem:$0x1E800] =	vst v63  }
0x7f: {  	_ =	swait.ge [sflag:s21], $0x4000  }
0x80: {  	[sflag:s21] =	ssyncset.done $0x0  }
0x81: {  	[sflag:s21] =	ssyncadd.s32 $0xFFFFC000  }
0x82: {  	[spmem:s2] =	stream.indirect.scatter.add.f32 [tilespmem:s18], [sflag:$0x4], $0x80, s23, s17, $0xb8;
	[tilespmem:$0x1E800] =	vst v63  }
0x83: {  	_ =	swait.ge [sflag:s15], $0x4000  }
0x84: {  	[sflag:s15] =	ssyncset.done $0x0  }
0x85: {  	[sflag:s15] =	ssyncadd.s32 $0xFFFFC000  }
0x86: {  	_ =	swait.ge [sflag:s22], $0x4000  }
0x87: {  	[sflag:s22] =	ssyncset.done $0x0  }
0x88: {  	[sflag:s22] =	ssyncadd.s32 $0xFFFFC000  }
0x89: {  	[spmem:s2] =	stream.indirect.scatter.add.f32 [tilespmem:s19], [sflag:$0x4], $0x80, s24, s17, $0xb8;
	[tilespmem:$0x1E800] =	vst v63  }
0x8a: {  	_ =	swait.ge [sflag:s15], $0x4000  }
0x8b: {  	s25 =	sadd.s32 $0x1, s25;
	[sflag:s15] =	ssyncset.done $0x0  }
0x8c: {  	p0 =	sne.s32 s25, s13;
	[sflag:s15] =	ssyncadd.s32 $0xFFFFC000  }
.Ltmp2:
0x8d: {  	s26 =	sor.u32 $0x1C04, s5;
	[bflag:$0x0] =	sbarrier.arrive $0xFFFF;
	(pc) =	sbr.rel @p0 .LBB2_1-.Ltmp2, $4  }
0x8e: {  	[hbm:s12], [sflag:s26] =	dma.local [spmem:s14], $0x2800  }
0x8f: {  	_ =	swait.ge [sflag:s15], $0x2800  }
0x90: {  	[sflag:s15] =	ssyncset.done $0x0  }
0x91: {  	[sflag:s15] =	ssyncadd.s32 $0xFFFFD800  }
0x92: {  	_ =	sfence.sel $0x180000  }
0x93: {  	[bflag:$0x0] =	sbarrier.arrive $0xFFFF  }
0x94: {  	p0 =	sne.s32 s1, $0x0;
	_ =	strace $0x9000004A  }
0x95: {  	s0 =	sadd.s32 @!p0 $0x100000, s0;
	[bflag:$0x2] =	sbarrier.arrive $0xFFFF  }
0x96: {  	[sflag:s0] =	ssyncadd.tile.s32 @!p0 $0x1;
	_ =	shalt  }
.Lfunc_end2:
_tile_overlayer_lowered:
.L_overlay_start_2:
0x97: {  	(tag) =	ssettag $0x2  }
0x98: {  	s0 =	rddreg [dreg:$0x0];
	s2 =	stileid.u32  }
0x99: {  	s1 =	rddreg [dreg:$0x1];
	p0 =	sne.s32 s2, $0x0  }
0x9a: {  	s3 =	rddreg [dreg:$0x2];
	[bflag:$0x3] =	sbarrier.arrive $0xFFFF;
	s2 =	simm.s32 @!p0 $0x1C04  }
0x9b: {  	[timem:s3], [sflag:s2] =	dma.local @!p0 [hbm:s0], s1  }
0x9c: {  	s0 =	simm.s32 @!p0 $0x4  }
0x9d: {  	_ =	swait.ge @!p0 [sflag:s0], s1  }
0x9e: {  	s1 =	ssub.s32 @!p0 $0x0, s1;
	[sflag:s0] =	ssyncset.done @!p0 $0x0  }
0x9f: {  	[sflag:s0] =	ssyncadd.s32 @!p0 s1  }
0xa0: {  	[bflag:$0x3] =	sbarrier.arrive $0xFFFF  }
0xa1: {  	_ =	shalt  }

// kernel: kernel.15.cloned.1.call-start
scs
__scs_entry_jumppad:
0x0: {  	(pc) =	sbr.rel $0x88, $3  }
0x1: {  	(tag) =	ssettag $0x0;
	lr =	simm.s32 $0x1  }
0x2: {  	[smem:$0x3F84] =	sst lr;
	_ =	strace $0xD0000000  }
0x3: {  	_ = 	snop  }
0x4: {  	_ = 	snop  }
0x5: {  	_ = 	snop  }
0x6: {  	_ = 	snop  }
0x7: {  	_ = 	snop  }
__scs_overlays_trampoline_lowered:
0x8: {  	[smem:$0x3F93] =	sst s0  }
0x9: {  	[smem:$0x3F94] =	sst s1  }
0xa: {  	[smem:$0x3F95] =	sst s2  }
0xb: {  	[smem:$0x3F96] =	sst s3  }
0xc: {  	[smem:$0x3F97] =	sst s4  }
0xd: {  	[smem:$0x3F98] =	sst s5  }
0xe: {  	[smem:$0x3F99] =	sst s6  }
0xf: {  	[smem:$0x3F9A] =	sst s7  }
0x10: {  	[smem:$0x3F9B] =	sst s8  }
0x11: {  	[smem:$0x3F9C] =	sst s9;
	s0 =	simm.s32 @!p0 $0x0  }
0x12: {  	s1 =	sld [smem:$0x3F82];
	s0 =	simm.s32 @p0 $0x1  }
0x13: {  	[smem:$0x3F9D] =	sst s0;
	s0 =	simm.s32 @!p1 $0x0  }
0x14: {  	s2 =	sld [smem:$0x3F81];
	s0 =	simm.s32 @p1 $0x1  }
0x15: {  	[smem:$0x3F9E] =	sst s0;
	s0 =	simm.s32 @!p2 $0x0  }
0x16: {  	s3 =	sld [smem:$0x3FDB];
	s0 =	simm.s32 @p2 $0x1  }
0x17: {  	s4 =	simm.s32 $0x1BF5;
	[smem:$0x3FA0] =	sst s0  }
0x18: {  	s0 =	sld [smem:$0x3F83];
	_ =	swait.ge [sflag:s4], $0x0  }
0x19: {  	s7 =	sld [smem:$0x3F84]  }
0x1a: {  	s8 =	sadd.s32 $0xFFFFE003, lr  }
0x1b: {  	s9 =	sadd.s32 $0xFFFFFEF7, lr;
	s5 =	simm.s32 $0xFFFFFFFF;
	p2 =	slt.u32 s8, $0xFFFFF086  }
0x1c: {  	p1 =	slt.u32 s9, $0xF7A;
	s5 =	simm.s32 @!p2 $0x0  }
0x1d: {  	s5 =	simm.s32 @p1 $0x1;
	p0 =	seq.s32 s7, s2  }
0x1e: {  	s7 =	smul.u32 @!p0 $0xF7A, s2;
	p2 =	seq.s32 @!p0 s5, $0x0  }
0x1f: {  	s9 =	smul.u32 $0xF7A, s1;
	s8 =	simm.s32 @!p0 $0x1BF5;
	p2 =	por !p2, p0  }
0x20: {  	[sflag:s8] =	ssyncset.s32 @!p0 $0xFFFFF086;
	s6 =	sadd.s32 @!p0 s3, s7;
	s7 =	simm.s32 @!p0 $0x108  }
0x21: {  	s3 =	sadd.s32 s3, s9;
	s6 =	sadd.s32 @!p0 $0x88, s6;
	s7 =	simm.s32 @p2 $0x1082  }
0x22: {  	[simem:s7], [sflag:s8] =	dma.local @!p0 [hbm:s6], $0xF7A  }
0x23: {  	s9 =	sor.u32 $0xD0000000, s2;
	s6 =	simm.s32 $0x108;
	_ =	swait.ge @!p0 [sflag:s8], $0x0  }
0x24: {  	s3 =	sadd.s32 $0x88, s3;
	s6 =	simm.s32 @!p1 $0x1082;
	[sflag:s4] =	ssyncset.s32 $0xFFFFF086  }
0x25: {  	[simem:s6], [sflag:s4] =	dma.local [hbm:s3], $0xF7A  }
0x26: {  	[smem:$0x3F84] =	sst s1;
	(tag) =	ssettag s2;
	_ =	strace s9  }
0x27: {  	s1 =	sld [smem:$0x3F94]  }
0x28: {  	s2 =	sld [smem:$0x3F95]  }
0x29: {  	s4 =	sld [smem:$0x3F97]  }
0x2a: {  	p0 =	seq.s32 s5, $0x0;
	s5 =	sld [smem:$0x3F98]  }
0x2b: {  	s6 =	sld [smem:$0x3F99]  }
0x2c: {  	s7 =	sld [smem:$0x3F9A]  }
0x2d: {  	s3 =	simm.s32 $0x108;
	s8 =	sld [smem:$0x3F9B]  }
0x2e: {  	s3 =	simm.s32 @!p0 $0x1082;
	s9 =	sld [smem:$0x3F9C]  }
0x2f: {  	lr =	sadd.s32 s0, s3;
	s0 =	sld [smem:$0x3F93]  }
0x30: {  	s3 =	sld [smem:$0x3F96]  }
0x31: {  	[smem:$0x3F9F] =	sst s10  }
0x32: {  	s10 =	sld [smem:$0x3F9D];
	_ =	sdelay $0x3  }
0x33: {  	p0 =	seq.s32 s10, $0x1;
	s10 =	sld [smem:$0x3F9F];
	_ =	sdelay $0x3  }
0x34: {  	[smem:$0x3F9F] =	sst s10  }
0x35: {  	s10 =	sld [smem:$0x3F9E];
	_ =	sdelay $0x3  }
0x36: {  	p1 =	seq.s32 s10, $0x1;
	s10 =	sld [smem:$0x3F9F];
	_ =	sdelay $0x3  }
0x37: {  	[smem:$0x3F9F] =	sst s10  }
0x38: {  	s10 =	sld [smem:$0x3FA0]  }
0x39: {  	_ = 	snop;
	(pc) =	sbr.ind lr, $3  }
0x3a: {  	_ = 	snop  }
0x3b: {  	_ = 	snop  }
0x3c: {  	p2 =	seq.s32 s10, $0x1;
	s10 =	sld [smem:$0x3F9F]  }
0x3d: {  	_ =	shalt  }
0x3e: {  	_ =	shalt  }
0x3f: {  	_ =	shalt  }
0x40: {  	_ =	shalt  }
0x41: {  	_ =	shalt  }
0x42: {  	_ =	shalt  }
0x43: {  	_ =	shalt  }
0x44: {  	_ =	shalt  }
0x45: {  	_ =	shalt  }
0x46: {  	_ =	shalt  }
0x47: {  	_ =	shalt  }
0x48: {  	_ =	shalt  }
0x49: {  	_ =	shalt  }
0x4a: {  	_ =	shalt  }
0x4b: {  	_ =	shalt  }
0x4c: {  	_ =	shalt  }
0x4d: {  	_ =	shalt  }
0x4e: {  	_ =	shalt  }
0x4f: {  	_ =	shalt  }
0x50: {  	_ =	shalt  }
0x51: {  	_ =	shalt  }
0x52: {  	_ =	shalt  }
0x53: {  	_ =	shalt  }
0x54: {  	_ =	shalt  }
0x55: {  	_ =	shalt  }
0x56: {  	_ =	shalt  }
0x57: {  	_ =	shalt  }
0x58: {  	_ =	shalt  }
0x59: {  	_ =	shalt  }
0x5a: {  	_ =	shalt  }
0x5b: {  	_ =	shalt  }
0x5c: {  	_ =	shalt  }
0x5d: {  	_ =	shalt  }
0x5e: {  	_ =	shalt  }
0x5f: {  	_ =	shalt  }
0x60: {  	_ =	shalt  }
0x61: {  	_ =	shalt  }
0x62: {  	_ =	shalt  }
0x63: {  	_ =	shalt  }
0x64: {  	_ =	shalt  }
0x65: {  	_ =	shalt  }
0x66: {  	_ =	shalt  }
0x67: {  	_ =	shalt  }
0x68: {  	_ =	shalt  }
0x69: {  	_ =	shalt  }
0x6a: {  	_ =	shalt  }
0x6b: {  	_ =	shalt  }
0x6c: {  	_ =	shalt  }
0x6d: {  	_ =	shalt  }
0x6e: {  	_ =	shalt  }
0x6f: {  	_ =	shalt  }
0x70: {  	_ =	shalt  }
0x71: {  	_ =	shalt  }
0x72: {  	_ =	shalt  }
0x73: {  	_ =	shalt  }
0x74: {  	_ =	shalt  }
0x75: {  	_ =	shalt  }
0x76: {  	_ =	shalt  }
0x77: {  	_ =	shalt  }
0x78: {  	_ =	shalt  }
0x79: {  	_ =	shalt  }
0x7a: {  	_ =	shalt  }
0x7b: {  	_ =	shalt  }
0x7c: {  	_ =	shalt  }
0x7d: {  	_ =	shalt  }
0x7e: {  	_ =	shalt  }
0x7f: {  	_ =	shalt  }
0x80: {  	_ =	shalt  }
0x81: {  	_ =	shalt  }
0x82: {  	_ =	shalt  }
0x83: {  	_ =	shalt  }
0x84: {  	_ =	shalt  }
0x85: {  	_ =	shalt  }
0x86: {  	_ =	shalt  }
0x87: {  	_ =	shalt  }
.Lfunc_end0:
.L_simem_size_0:
called_computation.2_lowered:
.L_overlay_start_0:
0x88: {  	s2 =	sld [smem:$0x3FD9]  }
0x89: {  	s3 =	sld [smem:$0x3FFE];
	_ =	sdelay $0x1  }
0x8a: {  	s1 =	srdreg.scid  }
0x8b: {  	s0 =	sand.u32 $0x1, s1  }
0x8c: {  	s16 =	sshll.u32 s0, $0xA;
	s2 =	sadd.s32 s3, s2  }
0x8d: {  	s2 =	sadd.s32 s2, s16  }
0x8e: {  	[smem:$0x3FAB] =	sst s2  }
0x8f: {  	_ = 	snop  }
0x90: {  	(tm) =	ssettm $0x1  }
0x91: {  	s17 =	sld [smem:$0x3FFB];
	_ =	sdelay $0x3  }
0x92: {  	_ =	strace s17  }
0x93: {  	s2 =	sld [smem:$0x3FFC];
	_ =	sdelay $0x3  }
0x94: {  	_ =	strace s2  }
0x95: {  	s2 =	sld [smem:$0x3FFD];
	_ =	sdelay $0x3  }
0x96: {  	_ =	strace s2  }
0x97: {  	_ =	strace $0x8FFFFFFF  }
0x98: {  	s18 =	sld [smem:$0x3FDB];
	_ =	sdelay $0x1  }
0x99: {  	s19 =	simm.s32 $_scs_section_size  }
0x9a: {  	s4 =	simm.s32 $_size__tile_overlayer_lowered;
	s5 =	simm.s32 $_tile_overlayer_lowered  }
0x9b: {  	s22 =	simm.s32 $0x1BFF;
	s21 =	sshll.u32 s5, $0x1;
	s2 =	sadd.s32 s19, s18  }
0x9c: {  	s6 =	simm.s32 $0x0;
	s20 =	sshll.u32 s4, $0x1;
	s4 =	sadd.s32 s21, s2  }
0x9d: {  	[timem:s6], [sflag:s22] =	dma.local [hbm:s4], s20  }
0x9e: {  	_ =	swait.ge [sflag:s22], s20  }
0x9f: {  	s3 =	ssub.s32 $0x0, s20;
	[sflag:s22] =	ssyncset.done $0x0  }
0xa0: {  	[sflag:s22] =	ssyncadd.s32 s3;
	_ =	sdelay $0x1  }
0xa1: {  	s23 =	simm.s32 $0x1B8B  }
0xa2: {  	_ =	swait.ge [sflag:s23], $0x1  }
0xa3: {  	[sflag:s23] =	ssyncset.done $0x0  }
0xa4: {  	s25 =	simm.s32 $0x1B8E;
	s24 =	sld [smem:$0x3FFE];
	[sflag:s23] =	ssyncadd.s32 $0xFFFFFFFF  }
0xa5: {  	s26 =	simm.s32 $execute0_lowered;
	[smem:$0x3FD2] =	sst s25  }
0xa6: {  	s4 =	sshll.u32 s26, $0x1;
	_ =	strace $0x8000004C;
	[dreg:$0x1] =	wrdreg $0xFFFFFFFF  }
0xa7: {  	s28 =	simm.s32 $_size_execute0_lowered;
	s2 =	sadd.s32 s2, s4;
	[dreg:$0x0] =	wrdreg $0x0  }
0xa8: {  	s4 =	sshll.u32 s28, $0x1;
	[dreg:$0x2] =	wrdreg s2  }
0xa9: {  	[dreg:$0x3] =	wrdreg s4  }
0xaa: {  	[dreg:$0x4] =	wrdreg $0xC0  }
0xab: {  	_ =	task [dreg:s6], $0x5FFFF  }
0xac: {  	[dreg:$0x1] =	wrdreg $0xFFFFFFFF  }
0xad: {  	[dreg:$0x0] =	wrdreg $0x60  }
0xae: {  	[dreg:$0x2] =	wrdreg s24  }
0xaf: {  	[dreg:$0x3] =	wrdreg $0xA8000  }
0xb0: {  	[dreg:$0x4] =	wrdreg $0x9  }
0xb1: {  	_ =	task.clear_ibuf [dreg:s6], $0x5FFFF;
	_ =	strace $0x9000004C  }
0xb2: {  	s29 =	simm.s32 $0x9;
	_ =	strace $0x8000004E  }
0xb3: {  	_ =	swait.ge [sflag:s29], $0x1  }
0xb4: {  	[sflag:s29] =	ssyncadd.s32 $0xFFFFFFFF  }
0xb5: {  	_ =	strace $0x9000004E  }
0xb6: {  	_ =	sfence  }
0xb7: {  	s30 =	sld [smem:$0x0];
	_ =	sdelay $0x2  }
0xb8: {  	s31 =	sshll.u32 s1, $0xD;
	s1 =	sshrl.u32 s1, $0x2  }
0xb9: {  	s3 =	sand.u32 $0x4000, s31;
	s1 =	sadd.s32 s1, s30  }
0xba: {  	s0 =	sor.u32 s3, s0;
	s1 =	sshll.u32 s1, $0x11  }
0xbb: {  	s0 =	sor.u32 s1, s0  }
0xbc: {  	s0 =	sadd.s32 $0x8F2B, s0  }
0xbd: {  	[sflag:s0] =	ssyncadd.remote.s32 $0x1  }
0xbe: {  	_ =	sfence.sel $0xFFFF  }
0xbf: {  	[dreg:$0x0] =	wrdreg $0xFFFFFFFF;
	(pc) =	sbr.abs _section_cstart, $3  }
0xc0: {  	[dreg:$0x1] =	wrdreg $0xFFFFFFFF  }
0xc1: {  	_ =	task.clear_ibuf [dreg:s6], $0x2FFFF;
	_ =	strace $0x9FFFFFFF  }
0xc2: {  	(tm) =	ssettm $0x7FFFFFFF  }
0xc3: {  	_ =	shalt  }
tec
execute0_lowered:
.L_overlay_start_1:
0x0: {  	(tag) =	ssettag $0x1  }
0x1: {  	s5 =	rddreg [dreg:$0x0]  }
0x2: {  	s2 =	rddreg [dreg:$0x1]  }
0x3: {  	s0 =	rddreg [dreg:$0x2];
	s3 =	simm.s32 $0x0  }
0x4: {  	s1 =	stileid.u32;
	s4 =	srdreg.scid;
	s17 =	simm.s32 $0x80  }
0x5: {  	s18 =	simm.s32 $0x2800;
	s19 =	simm.s32 $0x6800;
	s20 =	simm.s32 $0x3  }
0x6: {  	s21 =	simm.s32 $0x1;
	s22 =	simm.s32 $0x2;
	s23 =	simm.s32 $0x2700  }
0x7: {  	s24 =	simm.s32 $0x2780;
	s25 =	simm.s32 $0x0;
	[smem:$0x7FF] =	sst s3  }
0x8: {  	s6 =	smul.u32 $0x14000, s1;
	s7 =	sand.u32 $0x1, s4;
	s4 =	sadd.s32 $0x41C00, s5  }
0x9: {  	s10 =	sadd.s32 $0x5C00, s5;
	s11 =	sadd.s32 $0xFC00, s5;
	s12 =	smul.u32 $0x50000, s1  }
0xa: {  	s28 =	sshll.u32 s1, $0x1;
	_ =	strace $0x8000004D;
	s9 =	smul.u32 $0x140000, s7  }
0xb: {  	s13 =	ssub.s32 $0x2, s7;
	s7 =	sor.u32 s7, s28;
	s8 =	sshrl.u32 s6, $0x3  }
0xc: {  	s29 =	sshrl.u32 s13, $0x1;
	s12 =	sshrl.u32 s12, $0x2;
	s14 =	smul.u32 $0x2800, s7  }
0xd: {  	s30 =	smul.u32 $0x500, s7;
	s8 =	sadd.s32 s8, s5;
	s6 =	sadd.s32 s6, s9  }
0xe: {  	s13 =	ssub.s32 s13, s29;
	s16 =	sadd.s32 s12, s2;
	s6 =	sshrl.u32 s6, $0x3  }
0xf: {  	s31 =	sshrl.u32 s14, $0x3;
	s9 =	sadd.s32 s11, s30;
	s13 =	smax.u32 s13, $0x1  }
0x10: {  	s14 =	sshrl.u32 s16, $0x3;
	s16 =	simm.s32 $0x1400;
	s15 =	sadd.s32 s6, s5  }
0x11: {  	s5 =	sshll.u32 s1, $0x6;
	s6 =	sadd.s32 $0x19C00, s8;
	s12 =	sadd.s32 $0x280, s31  }
0x12: {  	s8 =	sadd.s32 s10, s30;
	s7 =	sor.u32 $0x1C03, s5;
	s10 =	sadd.s32 s10, s12  }
0x13: {  	s11 =	sadd.s32 s11, s12;
	s12 =	sadd.s32 $0x68E00, s15;
	s15 =	simm.s32 $0x4  }
.LBB2_1:
0x14: {  	[spmem:s14], [sflag:s7] =	dma.local [hbm:s6], $0x2800  }
0x15: {  	[tilespmem:s3], [sflag:$0x4] =	stream.linear.gather [hbm4b:s8+s3], $0x1400, $0x38;
	[tilespmem:$0x1E800] =	vst v63  }
0x16: {  	_ =	swait.ge [sflag:s15], $0x1400  }
0x17: {  	[sflag:s15] =	ssyncset.done $0x0  }
0x18: {  	[sflag:s15] =	ssyncadd.s32 $0xFFFFEC00  }
0x19: {  	[tilespmem:s16], [sflag:$0x4] =	stream.linear.gather [hbm4b:s9+s3], $0x1400, $0x38;
	[tilespmem:$0x1E800] =	vst v63  }
0x1a: {  	_ =	swait.ge [sflag:s15], $0x1400  }
0x1b: {  	[sflag:s15] =	ssyncset.done $0x0  }
0x1c: {  	[sflag:s15] =	ssyncadd.s32 $0xFFFFEC00  }
0x1d: {  	[tilespmem:s18], [sflag:$0x1] =	stream.indirect.gather [hbm4b:s4+s17], $0x80, s3, s17, $0xb8;
	[tilespmem:$0x1E800] =	vst v63  }
0x1e: {  	_ = 	snop  }
0x1f: {  	[tilespmem:s19], [sflag:$0x2] =	stream.indirect.gather [hbm4b:s4+s17], $0x80, s17, s17, $0xb8;
	[tilespmem:$0x1E800] =	vst v63  }
0x20: {  	_ =	swait.ge [sflag:s20], $0x2800  }
0x21: {  	[sflag:s20] =	ssyncset.done $0x0  }
0x22: {  	[sflag:s20] =	ssyncadd.s32 $0xFFFFD800  }
0x23: {  	[bflag:$0x0] =	sbarrier.arrive $0xFFFF  }
0x24: {  	_ =	swait.ge [sflag:s21], $0x4000  }
0x25: {  	[sflag:s21] =	ssyncset.done $0x0  }
0x26: {  	s26 =	simm.s32 $0x1400;
	[sflag:s21] =	ssyncadd.s32 $0xFFFFC000  }
0x27: {  	[spmem:s2] =	stream.indirect.scatter.add.f32 [tilespmem:s18], [sflag:$0x4], $0x80, s26, s17, $0xb8;
	[tilespmem:$0x1E800] =	vst v63  }
0x28: {  	_ =	swait.ge [sflag:s15], $0x4000  }
0x29: {  	[sflag:s15] =	ssyncset.done $0x0  }
0x2a: {  	s30 =	simm.s32 $0x100;
	[sflag:s15] =	ssyncadd.s32 $0xFFFFC000  }
0x2b: {  	[tilespmem:s18], [sflag:$0x1] =	stream.indirect.gather [hbm4b:s4+s17], $0x80, s30, s17, $0xb8;
	[tilespmem:$0x1E800] =	vst v63  }
0x2c: {  	_ =	swait.ge [sflag:s22], $0x4000  }
0x2d: {  	[sflag:s22] =	ssyncset.done $0x0  }
0x2e: {  	s31 =	simm.s32 $0x1480;
	[sflag:s22] =	ssyncadd.s32 $0xFFFFC000  }
0x2f: {  	[spmem:s2] =	stream.indirect.scatter.add.f32 [tilespmem:s19], [sflag:$0x4], $0x80, s31, s17, $0xb8;
	[tilespmem:$0x1E800] =	vst v63  }
0x30: {  	_ =	swait.ge [sflag:s15], $0x4000  }
0x31: {  	[sflag:s15] =	ssyncset.done $0x0  }
0x32: {  	s28 =	simm.s32 $0x180;
	s26 =	simm.s32 $0x400;
	[sflag:s15] =	ssyncadd.s32 $0xFFFFC000  }
.LBB2_2:
0x33: {  	[tilespmem:s19], [sflag:$0x2] =	stream.indirect.gather [hbm4b:s4+s17], $0x80, s28, s17, $0xb8;
	[tilespmem:$0x1E800] =	vst v63  }
0x34: {  	s28 =	smov.u32 s26  }
0x35: {  	p0 =	sne.s32 s26, $0x4800;
	s26 =	sadd.s32 $0x400, s26;
	_ =	swait.ge [sflag:s21], $0x4000  }
0x36: {  	s28 =	sshra.s32 s28, $0x2;
	[sflag:s21] =	ssyncset.done $0x0  }
0x37: {  	s29 =	sadd.s32 $0x1400, s28;
	[sflag:s21] =	ssyncadd.s32 $0xFFFFC000  }
0x38: {  	[spmem:s2] =	stream.indirect.scatter.add.f32 [tilespmem:s18], [sflag:$0x4], $0x80, s29, s17, $0xb8;
	[tilespmem:$0x1E800] =	vst v63  }
0x39: {  	_ =	swait.ge [sflag:s15], $0x4000  }
0x3a: {  	[sflag:s15] =	ssyncset.done $0x0  }
0x3b: {  	s29 =	sadd.s32 $0x100, s28;
	[sflag:s15] =	ssyncadd.s32 $0xFFFFC000  }
0x3c: {  	[tilespmem:s18], [sflag:$0x1] =	stream.indirect.gather [hbm4b:s4+s17], $0x80, s29, s17, $0xb8;
	[tilespmem:$0x1E800] =	vst v63  }
0x3d: {  	_ =	swait.ge [sflag:s22], $0x4000  }
0x3e: {  	[sflag:s22] =	ssyncset.done $0x0  }
.Ltmp0:
0x3f: {  	s29 =	sadd.s32 $0x1480, s28;
	[sflag:s22] =	ssyncadd.s32 $0xFFFFC000;
	(pc) =	sbr.rel @p0 .LBB2_2-.Ltmp0, $4  }
0x40: {  	[spmem:s2] =	stream.indirect.scatter.add.f32 [tilespmem:s19], [sflag:$0x4], $0x80, s29, s17, $0xb8;
	[tilespmem:$0x1E800] =	vst v63  }
0x41: {  	_ =	swait.ge [sflag:s15], $0x4000  }
0x42: {  	[sflag:s15] =	ssyncset.done $0x0  }
0x43: {  	s28 =	sadd.s32 $0x180, s28;
	[sflag:s15] =	ssyncadd.s32 $0xFFFFC000  }
0x44: {  	[tilespmem:s19], [sflag:$0x2] =	stream.indirect.gather [hbm4b:s4+s17], $0x80, s28, s17, $0xb8;
	[tilespmem:$0x1E800] =	vst v63  }
0x45: {  	_ =	swait.ge [sflag:s21], $0x4000  }
0x46: {  	[sflag:s21] =	ssyncset.done $0x0  }
0x47: {  	[sflag:s21] =	ssyncadd.s32 $0xFFFFC000  }
0x48: {  	[spmem:s2] =	stream.indirect.scatter.add.f32 [tilespmem:s18], [sflag:$0x4], $0x80, s23, s17, $0xb8;
	[tilespmem:$0x1E800] =	vst v63  }
0x49: {  	_ =	swait.ge [sflag:s15], $0x4000  }
0x4a: {  	[sflag:s15] =	ssyncset.done $0x0  }
0x4b: {  	[sflag:s15] =	ssyncadd.s32 $0xFFFFC000  }
0x4c: {  	_ =	swait.ge [sflag:s22], $0x4000  }
0x4d: {  	[sflag:s22] =	ssyncset.done $0x0  }
0x4e: {  	[sflag:s22] =	ssyncadd.s32 $0xFFFFC000  }
0x4f: {  	[spmem:s2] =	stream.indirect.scatter.add.f32 [tilespmem:s19], [sflag:$0x4], $0x80, s24, s17, $0xb8;
	[tilespmem:$0x1E800] =	vst v63  }
0x50: {  	_ =	swait.ge [sflag:s15], $0x4000  }
0x51: {  	[sflag:s15] =	ssyncset.done $0x0  }
0x52: {  	s26 =	simm.s32 $0x0;
	[sflag:s15] =	ssyncadd.s32 $0xFFFFC000  }
0x53: {  	[tilespmem:s26], [sflag:$0x4] =	stream.linear.gather [hbm4b:s10+s26], $0x1400, $0x38;
	[tilespmem:$0x1E800] =	vst v63  }
0x54: {  	_ =	swait.ge [sflag:s15], $0x1400  }
0x55: {  	[sflag:s15] =	ssyncset.done $0x0  }
0x56: {  	[sflag:s15] =	ssyncadd.s32 $0xFFFFEC00  }
0x57: {  	[tilespmem:s16], [sflag:$0x4] =	stream.linear.gather [hbm4b:s11+s26], $0x1400, $0x38;
	[tilespmem:$0x1E800] =	vst v63  }
0x58: {  	_ =	swait.ge [sflag:s15], $0x1400  }
0x59: {  	[sflag:s15] =	ssyncset.done $0x0  }
0x5a: {  	[sflag:s15] =	ssyncadd.s32 $0xFFFFEC00  }
0x5b: {  	[tilespmem:s18], [sflag:$0x1] =	stream.indirect.gather [hbm4b:s4+s17], $0x80, s26, s17, $0xb8;
	[tilespmem:$0x1E800] =	vst v63  }
0x5c: {  	_ = 	snop  }
0x5d: {  	[tilespmem:s19], [sflag:$0x2] =	stream.indirect.gather [hbm4b:s4+s17], $0x80, s17, s17, $0xb8;
	[tilespmem:$0x1E800] =	vst v63  }
0x5e: {  	_ =	swait.ge [sflag:s21], $0x4000  }
0x5f: {  	[sflag:s21] =	ssyncset.done $0x0  }
0x60: {  	s29 =	simm.s32 $0x1400;
	[sflag:s21] =	ssyncadd.s32 $0xFFFFC000  }
0x61: {  	[spmem:s2] =	stream.indirect.scatter.add.f32 [tilespmem:s18], [sflag:$0x4], $0x80, s29, s17, $0xb8;
	[tilespmem:$0x1E800] =	vst v63  }
0x62: {  	_ =	swait.ge [sflag:s15], $0x4000  }
0x63: {  	[sflag:s15] =	ssyncset.done $0x0  }
0x64: {  	s30 =	simm.s32 $0x100;
	[sflag:s15] =	ssyncadd.s32 $0xFFFFC000  }
0x65: {  	[tilespmem:s18], [sflag:$0x1] =	stream.indirect.gather [hbm4b:s4+s17], $0x80, s30, s17, $0xb8;
	[tilespmem:$0x1E800] =	vst v63  }
0x66: {  	_ =	swait.ge [sflag:s22], $0x4000  }
0x67: {  	[sflag:s22] =	ssyncset.done $0x0  }
0x68: {  	s31 =	simm.s32 $0x1480;
	[sflag:s22] =	ssyncadd.s32 $0xFFFFC000  }
0x69: {  	[spmem:s2] =	stream.indirect.scatter.add.f32 [tilespmem:s19], [sflag:$0x4], $0x80, s31, s17, $0xb8;
	[tilespmem:$0x1E800] =	vst v63  }
0x6a: {  	_ =	swait.ge [sflag:s15], $0x4000  }
0x6b: {  	[sflag:s15] =	ssyncset.done $0x0  }
0x6c: {  	s28 =	simm.s32 $0x180;
	s26 =	simm.s32 $0x400;
	[sflag:s15] =	ssyncadd.s32 $0xFFFFC000  }
.LBB2_4:
0x6d: {  	[tilespmem:s19], [sflag:$0x2] =	stream.indirect.gather [hbm4b:s4+s17], $0x80, s28, s17, $0xb8;
	[tilespmem:$0x1E800] =	vst v63  }
0x6e: {  	s28 =	smov.u32 s26  }
0x6f: {  	p0 =	sne.s32 s26, $0x4800;
	s26 =	sadd.s32 $0x400, s26;
	_ =	swait.ge [sflag:s21], $0x4000  }
0x70: {  	s28 =	sshra.s32 s28, $0x2;
	[sflag:s21] =	ssyncset.done $0x0  }
0x71: {  	s29 =	sadd.s32 $0x1400, s28;
	[sflag:s21] =	ssyncadd.s32 $0xFFFFC000  }
0x72: {  	[spmem:s2] =	stream.indirect.scatter.add.f32 [tilespmem:s18], [sflag:$0x4], $0x80, s29, s17, $0xb8;
	[tilespmem:$0x1E800] =	vst v63  }
0x73: {  	_ =	swait.ge [sflag:s15], $0x4000  }
0x74: {  	[sflag:s15] =	ssyncset.done $0x0  }
0x75: {  	s29 =	sadd.s32 $0x100, s28;
	[sflag:s15] =	ssyncadd.s32 $0xFFFFC000  }
0x76: {  	[tilespmem:s18], [sflag:$0x1] =	stream.indirect.gather [hbm4b:s4+s17], $0x80, s29, s17, $0xb8;
	[tilespmem:$0x1E800] =	vst v63  }
0x77: {  	_ =	swait.ge [sflag:s22], $0x4000  }
0x78: {  	[sflag:s22] =	ssyncset.done $0x0  }
.Ltmp1:
0x79: {  	s29 =	sadd.s32 $0x1480, s28;
	[sflag:s22] =	ssyncadd.s32 $0xFFFFC000;
	(pc) =	sbr.rel @p0 .LBB2_4-.Ltmp1, $4  }
0x7a: {  	[spmem:s2] =	stream.indirect.scatter.add.f32 [tilespmem:s19], [sflag:$0x4], $0x80, s29, s17, $0xb8;
	[tilespmem:$0x1E800] =	vst v63  }
0x7b: {  	_ =	swait.ge [sflag:s15], $0x4000  }
0x7c: {  	[sflag:s15] =	ssyncset.done $0x0  }
0x7d: {  	s28 =	sadd.s32 $0x180, s28;
	[sflag:s15] =	ssyncadd.s32 $0xFFFFC000  }
0x7e: {  	[tilespmem:s19], [sflag:$0x2] =	stream.indirect.gather [hbm4b:s4+s17], $0x80, s28, s17, $0xb8;
	[tilespmem:$0x1E800] =	vst v63  }
0x7f: {  	_ =	swait.ge [sflag:s21], $0x4000  }
0x80: {  	[sflag:s21] =	ssyncset.done $0x0  }
0x81: {  	[sflag:s21] =	ssyncadd.s32 $0xFFFFC000  }
0x82: {  	[spmem:s2] =	stream.indirect.scatter.add.f32 [tilespmem:s18], [sflag:$0x4], $0x80, s23, s17, $0xb8;
	[tilespmem:$0x1E800] =	vst v63  }
0x83: {  	_ =	swait.ge [sflag:s15], $0x4000  }
0x84: {  	[sflag:s15] =	ssyncset.done $0x0  }
0x85: {  	[sflag:s15] =	ssyncadd.s32 $0xFFFFC000  }
0x86: {  	_ =	swait.ge [sflag:s22], $0x4000  }
0x87: {  	[sflag:s22] =	ssyncset.done $0x0  }
0x88: {  	[sflag:s22] =	ssyncadd.s32 $0xFFFFC000  }
0x89: {  	[spmem:s2] =	stream.indirect.scatter.add.f32 [tilespmem:s19], [sflag:$0x4], $0x80, s24, s17, $0xb8;
	[tilespmem:$0x1E800] =	vst v63  }
0x8a: {  	_ =	swait.ge [sflag:s15], $0x4000  }
0x8b: {  	s25 =	sadd.s32 $0x1, s25;
	[sflag:s15] =	ssyncset.done $0x0  }
0x8c: {  	p0 =	sne.s32 s25, s13;
	[sflag:s15] =	ssyncadd.s32 $0xFFFFC000  }
.Ltmp2:
0x8d: {  	s26 =	sor.u32 $0x1C04, s5;
	[bflag:$0x0] =	sbarrier.arrive $0xFFFF;
	(pc) =	sbr.rel @p0 .LBB2_1-.Ltmp2, $4  }
0x8e: {  	[hbm:s12], [sflag:s26] =	dma.local [spmem:s14], $0x2800  }
0x8f: {  	_ =	swait.ge [sflag:s15], $0x2800  }
0x90: {  	[sflag:s15] =	ssyncset.done $0x0  }
0x91: {  	[sflag:s15] =	ssyncadd.s32 $0xFFFFD800  }
0x92: {  	_ =	sfence.sel $0x180000  }
0x93: {  	[bflag:$0x0] =	sbarrier.arrive $0xFFFF  }
0x94: {  	p0 =	sne.s32 s1, $0x0;
	_ =	strace $0x9000004D  }
0x95: {  	s0 =	sadd.s32 @!p0 $0x100000, s0;
	[bflag:$0x2] =	sbarrier.arrive $0xFFFF  }
0x96: {  	[sflag:s0] =	ssyncadd.tile.s32 @!p0 $0x1;
	_ =	shalt  }
.Lfunc_end2:
_tile_overlayer_lowered:
.L_overlay_start_2:
0x97: {  	(tag) =	ssettag $0x2  }
0x98: {  	s0 =	rddreg [dreg:$0x0];
	s2 =	stileid.u32  }
0x99: {  	s1 =	rddreg [dreg:$0x1];
	p0 =	sne.s32 s2, $0x0  }
0x9a: {  	s3 =	rddreg [dreg:$0x2];
	[bflag:$0x3] =	sbarrier.arrive $0xFFFF;
	s2 =	simm.s32 @!p0 $0x1C04  }
0x9b: {  	[timem:s3], [sflag:s2] =	dma.local @!p0 [hbm:s0], s1  }
0x9c: {  	s0 =	simm.s32 @!p0 $0x4  }
0x9d: {  	_ =	swait.ge @!p0 [sflag:s0], s1  }
0x9e: {  	s1 =	ssub.s32 @!p0 $0x0, s1;
	[sflag:s0] =	ssyncset.done @!p0 $0x0  }
0x9f: {  	[sflag:s0] =	ssyncadd.s32 @!p0 s1  }
0xa0: {  	[bflag:$0x3] =	sbarrier.arrive $0xFFFF  }
0xa1: {  	_ =	shalt  }

// kernel: kernel.9.cloned.1.call-start
scs
__scs_entry_jumppad:
0x0: {  	(pc) =	sbr.rel $0x88, $3  }
0x1: {  	(tag) =	ssettag $0x0;
	lr =	simm.s32 $0x1  }
0x2: {  	[smem:$0x3F84] =	sst lr;
	_ =	strace $0xD0000000  }
0x3: {  	_ = 	snop  }
0x4: {  	_ = 	snop  }
0x5: {  	_ = 	snop  }
0x6: {  	_ = 	snop  }
0x7: {  	_ = 	snop  }
__scs_overlays_trampoline_lowered:
0x8: {  	[smem:$0x3F93] =	sst s0  }
0x9: {  	[smem:$0x3F94] =	sst s1  }
0xa: {  	[smem:$0x3F95] =	sst s2  }
0xb: {  	[smem:$0x3F96] =	sst s3  }
0xc: {  	[smem:$0x3F97] =	sst s4  }
0xd: {  	[smem:$0x3F98] =	sst s5  }
0xe: {  	[smem:$0x3F99] =	sst s6  }
0xf: {  	[smem:$0x3F9A] =	sst s7  }
0x10: {  	[smem:$0x3F9B] =	sst s8  }
0x11: {  	[smem:$0x3F9C] =	sst s9;
	s0 =	simm.s32 @!p0 $0x0  }
0x12: {  	s1 =	sld [smem:$0x3F82];
	s0 =	simm.s32 @p0 $0x1  }
0x13: {  	[smem:$0x3F9D] =	sst s0;
	s0 =	simm.s32 @!p1 $0x0  }
0x14: {  	s2 =	sld [smem:$0x3F81];
	s0 =	simm.s32 @p1 $0x1  }
0x15: {  	[smem:$0x3F9E] =	sst s0;
	s0 =	simm.s32 @!p2 $0x0  }
0x16: {  	s3 =	sld [smem:$0x3FDB];
	s0 =	simm.s32 @p2 $0x1  }
0x17: {  	s4 =	simm.s32 $0x1BF5;
	[smem:$0x3FA0] =	sst s0  }
0x18: {  	s0 =	sld [smem:$0x3F83];
	_ =	swait.ge [sflag:s4], $0x0  }
0x19: {  	s7 =	sld [smem:$0x3F84]  }
0x1a: {  	s8 =	sadd.s32 $0xFFFFE003, lr  }
0x1b: {  	s9 =	sadd.s32 $0xFFFFFEF7, lr;
	s5 =	simm.s32 $0xFFFFFFFF;
	p2 =	slt.u32 s8, $0xFFFFF086  }
0x1c: {  	p1 =	slt.u32 s9, $0xF7A;
	s5 =	simm.s32 @!p2 $0x0  }
0x1d: {  	s5 =	simm.s32 @p1 $0x1;
	p0 =	seq.s32 s7, s2  }
0x1e: {  	s7 =	smul.u32 @!p0 $0xF7A, s2;
	p2 =	seq.s32 @!p0 s5, $0x0  }
0x1f: {  	s9 =	smul.u32 $0xF7A, s1;
	s8 =	simm.s32 @!p0 $0x1BF5;
	p2 =	por !p2, p0  }
0x20: {  	[sflag:s8] =	ssyncset.s32 @!p0 $0xFFFFF086;
	s6 =	sadd.s32 @!p0 s3, s7;
	s7 =	simm.s32 @!p0 $0x108  }
0x21: {  	s3 =	sadd.s32 s3, s9;
	s6 =	sadd.s32 @!p0 $0x88, s6;
	s7 =	simm.s32 @p2 $0x1082  }
0x22: {  	[simem:s7], [sflag:s8] =	dma.local @!p0 [hbm:s6], $0xF7A  }
0x23: {  	s9 =	sor.u32 $0xD0000000, s2;
	s6 =	simm.s32 $0x108;
	_ =	swait.ge @!p0 [sflag:s8], $0x0  }
0x24: {  	s3 =	sadd.s32 $0x88, s3;
	s6 =	simm.s32 @!p1 $0x1082;
	[sflag:s4] =	ssyncset.s32 $0xFFFFF086  }
0x25: {  	[simem:s6], [sflag:s4] =	dma.local [hbm:s3], $0xF7A  }
0x26: {  	[smem:$0x3F84] =	sst s1;
	(tag) =	ssettag s2;
	_ =	strace s9  }
0x27: {  	s1 =	sld [smem:$0x3F94]  }
0x28: {  	s2 =	sld [smem:$0x3F95]  }
0x29: {  	s4 =	sld [smem:$0x3F97]  }
0x2a: {  	p0 =	seq.s32 s5, $0x0;
	s5 =	sld [smem:$0x3F98]  }
0x2b: {  	s6 =	sld [smem:$0x3F99]  }
0x2c: {  	s7 =	sld [smem:$0x3F9A]  }
0x2d: {  	s3 =	simm.s32 $0x108;
	s8 =	sld [smem:$0x3F9B]  }
0x2e: {  	s3 =	simm.s32 @!p0 $0x1082;
	s9 =	sld [smem:$0x3F9C]  }
0x2f: {  	lr =	sadd.s32 s0, s3;
	s0 =	sld [smem:$0x3F93]  }
0x30: {  	s3 =	sld [smem:$0x3F96]  }
0x31: {  	[smem:$0x3F9F] =	sst s10  }
0x32: {  	s10 =	sld [smem:$0x3F9D];
	_ =	sdelay $0x3  }
0x33: {  	p0 =	seq.s32 s10, $0x1;
	s10 =	sld [smem:$0x3F9F];
	_ =	sdelay $0x3  }
0x34: {  	[smem:$0x3F9F] =	sst s10  }
0x35: {  	s10 =	sld [smem:$0x3F9E];
	_ =	sdelay $0x3  }
0x36: {  	p1 =	seq.s32 s10, $0x1;
	s10 =	sld [smem:$0x3F9F];
	_ =	sdelay $0x3  }
0x37: {  	[smem:$0x3F9F] =	sst s10  }
0x38: {  	s10 =	sld [smem:$0x3FA0]  }
0x39: {  	_ = 	snop;
	(pc) =	sbr.ind lr, $3  }
0x3a: {  	_ = 	snop  }
0x3b: {  	_ = 	snop  }
0x3c: {  	p2 =	seq.s32 s10, $0x1;
	s10 =	sld [smem:$0x3F9F]  }
0x3d: {  	_ =	shalt  }
0x3e: {  	_ =	shalt  }
0x3f: {  	_ =	shalt  }
0x40: {  	_ =	shalt  }
0x41: {  	_ =	shalt  }
0x42: {  	_ =	shalt  }
0x43: {  	_ =	shalt  }
0x44: {  	_ =	shalt  }
0x45: {  	_ =	shalt  }
0x46: {  	_ =	shalt  }
0x47: {  	_ =	shalt  }
0x48: {  	_ =	shalt  }
0x49: {  	_ =	shalt  }
0x4a: {  	_ =	shalt  }
0x4b: {  	_ =	shalt  }
0x4c: {  	_ =	shalt  }
0x4d: {  	_ =	shalt  }
0x4e: {  	_ =	shalt  }
0x4f: {  	_ =	shalt  }
0x50: {  	_ =	shalt  }
0x51: {  	_ =	shalt  }
0x52: {  	_ =	shalt  }
0x53: {  	_ =	shalt  }
0x54: {  	_ =	shalt  }
0x55: {  	_ =	shalt  }
0x56: {  	_ =	shalt  }
0x57: {  	_ =	shalt  }
0x58: {  	_ =	shalt  }
0x59: {  	_ =	shalt  }
0x5a: {  	_ =	shalt  }
0x5b: {  	_ =	shalt  }
0x5c: {  	_ =	shalt  }
0x5d: {  	_ =	shalt  }
0x5e: {  	_ =	shalt  }
0x5f: {  	_ =	shalt  }
0x60: {  	_ =	shalt  }
0x61: {  	_ =	shalt  }
0x62: {  	_ =	shalt  }
0x63: {  	_ =	shalt  }
0x64: {  	_ =	shalt  }
0x65: {  	_ =	shalt  }
0x66: {  	_ =	shalt  }
0x67: {  	_ =	shalt  }
0x68: {  	_ =	shalt  }
0x69: {  	_ =	shalt  }
0x6a: {  	_ =	shalt  }
0x6b: {  	_ =	shalt  }
0x6c: {  	_ =	shalt  }
0x6d: {  	_ =	shalt  }
0x6e: {  	_ =	shalt  }
0x6f: {  	_ =	shalt  }
0x70: {  	_ =	shalt  }
0x71: {  	_ =	shalt  }
0x72: {  	_ =	shalt  }
0x73: {  	_ =	shalt  }
0x74: {  	_ =	shalt  }
0x75: {  	_ =	shalt  }
0x76: {  	_ =	shalt  }
0x77: {  	_ =	shalt  }
0x78: {  	_ =	shalt  }
0x79: {  	_ =	shalt  }
0x7a: {  	_ =	shalt  }
0x7b: {  	_ =	shalt  }
0x7c: {  	_ =	shalt  }
0x7d: {  	_ =	shalt  }
0x7e: {  	_ =	shalt  }
0x7f: {  	_ =	shalt  }
0x80: {  	_ =	shalt  }
0x81: {  	_ =	shalt  }
0x82: {  	_ =	shalt  }
0x83: {  	_ =	shalt  }
0x84: {  	_ =	shalt  }
0x85: {  	_ =	shalt  }
0x86: {  	_ =	shalt  }
0x87: {  	_ =	shalt  }
.Lfunc_end0:
.L_simem_size_0:
called_computation_lowered:
.L_overlay_start_0:
0x88: {  	s2 =	sld [smem:$0x3FD9]  }
0x89: {  	s3 =	sld [smem:$0x3FFE];
	_ =	sdelay $0x1  }
0x8a: {  	s1 =	srdreg.scid  }
0x8b: {  	s0 =	sand.u32 $0x1, s1  }
0x8c: {  	s17 =	sshll.u32 s0, $0xA;
	s2 =	sadd.s32 s3, s2  }
0x8d: {  	s2 =	sadd.s32 s2, s17  }
0x8e: {  	[smem:$0x3FAB] =	sst s2  }
0x8f: {  	_ = 	snop  }
0x90: {  	s2 =	sld [smem:$0x3FC9];
	(tm) =	ssettm $0x1  }
0x91: {  	s18 =	sld [smem:$0x3FFB];
	_ =	sdelay $0x3  }
0x92: {  	_ =	strace s18  }
0x93: {  	s3 =	sld [smem:$0x3FFC];
	_ =	sdelay $0x3  }
0x94: {  	_ =	strace s3  }
0x95: {  	s3 =	sld [smem:$0x3FFD];
	_ =	sdelay $0x3  }
0x96: {  	_ =	strace s3  }
0x97: {  	_ =	strace $0x8FFFFFFF  }
0x98: {  	s19 =	sld [smem:$0x3FDB];
	_ =	sdelay $0x1  }
0x99: {  	s4 =	simm.s32 $_scs_section_size  }
0x9a: {  	s5 =	simm.s32 $_size__tile_overlayer_lowered;
	s6 =	simm.s32 $_tile_overlayer_lowered  }
0x9b: {  	s22 =	simm.s32 $0x1BFF;
	s21 =	sshll.u32 s6, $0x1;
	s3 =	sadd.s32 s4, s19  }
0x9c: {  	s7 =	simm.s32 $0x0;
	s20 =	sshll.u32 s5, $0x1;
	s5 =	sadd.s32 s21, s3  }
0x9d: {  	[timem:s7], [sflag:s22] =	dma.local [hbm:s5], s20  }
0x9e: {  	_ =	swait.ge [sflag:s22], s20  }
0x9f: {  	s4 =	ssub.s32 $0x0, s20;
	[sflag:s22] =	ssyncset.done $0x0  }
0xa0: {  	[sflag:s22] =	ssyncadd.s32 s4;
	_ =	sdelay $0x1  }
0xa1: {  	s23 =	simm.s32 $0x1B8B  }
0xa2: {  	_ =	swait.ge [sflag:s23], $0x1  }
0xa3: {  	[sflag:s23] =	ssyncset.done $0x0  }
0xa4: {  	s25 =	simm.s32 $0x1B8E;
	s24 =	sld [smem:$0x3FFE];
	[sflag:s23] =	ssyncadd.s32 $0xFFFFFFFF  }
0xa5: {  	s26 =	simm.s32 $execute0_lowered;
	[smem:$0x3FD2] =	sst s25  }
0xa6: {  	s5 =	sshll.u32 s26, $0x1;
	_ =	strace $0x80000046;
	[dreg:$0x1] =	wrdreg $0xFFFFFFFF  }
0xa7: {  	s28 =	simm.s32 $_size_execute0_lowered;
	s3 =	sadd.s32 s3, s5;
	[dreg:$0x0] =	wrdreg $0x0  }
0xa8: {  	s5 =	sshll.u32 s28, $0x1;
	[dreg:$0x2] =	wrdreg s3  }
0xa9: {  	[dreg:$0x3] =	wrdreg s5  }
0xaa: {  	[dreg:$0x4] =	wrdreg $0xC0  }
0xab: {  	_ =	task [dreg:s7], $0x5FFFF  }
0xac: {  	[dreg:$0x1] =	wrdreg $0xFFFFFFFF  }
0xad: {  	[dreg:$0x0] =	wrdreg $0x60  }
0xae: {  	[dreg:$0x2] =	wrdreg s2  }
0xaf: {  	[dreg:$0x3] =	wrdreg s24  }
0xb0: {  	[dreg:$0x4] =	wrdreg $0xA8000  }
0xb1: {  	[dreg:$0x5] =	wrdreg $0x9  }
0xb2: {  	_ =	task.clear_ibuf [dreg:s7], $0x6FFFF;
	_ =	strace $0x90000046  }
0xb3: {  	s29 =	simm.s32 $0x9;
	_ =	strace $0x80000048  }
0xb4: {  	_ =	swait.ge [sflag:s29], $0x1  }
0xb5: {  	[sflag:s29] =	ssyncadd.s32 $0xFFFFFFFF  }
0xb6: {  	_ =	strace $0x90000048  }
0xb7: {  	_ =	sfence  }
0xb8: {  	s30 =	sld [smem:$0x0];
	_ =	sdelay $0x2  }
0xb9: {  	s31 =	sshll.u32 s1, $0xD;
	s1 =	sshrl.u32 s1, $0x2  }
0xba: {  	s3 =	sand.u32 $0x4000, s31;
	s1 =	sadd.s32 s1, s30  }
0xbb: {  	s0 =	sor.u32 s3, s0;
	s1 =	sshll.u32 s1, $0x11  }
0xbc: {  	s0 =	sor.u32 s1, s0  }
0xbd: {  	s0 =	sadd.s32 $0x8F2B, s0  }
0xbe: {  	[sflag:s0] =	ssyncadd.remote.s32 $0x1  }
0xbf: {  	_ =	sfence.sel $0xFFFF  }
0xc0: {  	[dreg:$0x0] =	wrdreg $0xFFFFFFFF;
	(pc) =	sbr.abs _section_cstart, $3  }
0xc1: {  	[dreg:$0x1] =	wrdreg $0xFFFFFFFF  }
0xc2: {  	_ =	task.clear_ibuf [dreg:s7], $0x2FFFF;
	_ =	strace $0x9FFFFFFF  }
0xc3: {  	(tm) =	ssettm $0x7FFFFFFF  }
tec
execute0_lowered:
.L_overlay_start_1:
0x0: {  	(tag) =	ssettag $0x1  }
0x1: {  	s2 =	rddreg [dreg:$0x0]  }
0x2: {  	s5 =	rddreg [dreg:$0x1]  }
0x3: {  	s3 =	rddreg [dreg:$0x2]  }
0x4: {  	s0 =	rddreg [dreg:$0x3]  }
0x5: {  	s1 =	stileid.u32;
	s4 =	simm.s32 $0x0;
	s7 =	srdreg.scid  }
0x6: {  	s17 =	simm.s32 $0x80;
	s18 =	simm.s32 $0x2800;
	s19 =	simm.s32 $0x6800  }
0x7: {  	s20 =	simm.s32 $0x3;
	s21 =	simm.s32 $0x1;
	s22 =	simm.s32 $0x2  }
0x8: {  	s23 =	simm.s32 $0x2700;
	s24 =	simm.s32 $0x2780;
	s25 =	simm.s32 $0x0  }
0x9: {  	s6 =	smul.u32 $0x14000, s1;
	[smem:$0x7FF] =	sst s4;
	s7 =	sand.u32 $0x1, s7  }
0xa: {  	s10 =	sadd.s32 $0x5C00, s5;
	s11 =	sadd.s32 $0xFC00, s5;
	s12 =	smul.u32 $0x50000, s1  }
0xb: {  	s28 =	sshll.u32 s1, $0x1;
	_ =	strace $0x80000047;
	s9 =	smul.u32 $0x140000, s7  }
0xc: {  	s13 =	ssub.s32 $0x2, s7;
	s7 =	sor.u32 s7, s28;
	s8 =	sshrl.u32 s6, $0x3  }
0xd: {  	s29 =	sshrl.u32 s13, $0x1;
	s12 =	sshrl.u32 s12, $0x2;
	s14 =	smul.u32 $0x2800, s7  }
0xe: {  	s30 =	smul.u32 $0x500, s7;
	s8 =	sadd.s32 s8, s5;
	s6 =	sadd.s32 s6, s9  }
0xf: {  	s13 =	ssub.s32 s13, s29;
	s16 =	sadd.s32 s12, s3;
	s6 =	sshrl.u32 s6, $0x3  }
0x10: {  	s31 =	sshrl.u32 s14, $0x3;
	s9 =	sadd.s32 s11, s30;
	s13 =	smax.u32 s13, $0x1  }
0x11: {  	s14 =	sshrl.u32 s16, $0x3;
	s16 =	simm.s32 $0x1400;
	s15 =	sadd.s32 s6, s5  }
0x12: {  	s5 =	sshll.u32 s1, $0x6;
	s6 =	sadd.s32 $0x19C00, s8;
	s12 =	sadd.s32 $0x280, s31  }
0x13: {  	s8 =	sadd.s32 s10, s30;
	s7 =	sor.u32 $0x1C03, s5;
	s10 =	sadd.s32 s10, s12  }
0x14: {  	s11 =	sadd.s32 s11, s12;
	s12 =	sadd.s32 $0x41C00, s15;
	s15 =	simm.s32 $0x4  }
.LBB2_1:
0x15: {  	[spmem:s14], [sflag:s7] =	dma.local [hbm:s6], $0x2800  }
0x16: {  	[tilespmem:s4], [sflag:$0x4] =	stream.linear.gather [hbm4b:s8+s4], $0x1400, $0x38;
	[tilespmem:$0x1E800] =	vst v63  }
0x17: {  	_ =	swait.ge [sflag:s15], $0x1400  }
0x18: {  	[sflag:s15] =	ssyncset.done $0x0  }
0x19: {  	[sflag:s15] =	ssyncadd.s32 $0xFFFFEC00  }
0x1a: {  	[tilespmem:s16], [sflag:$0x4] =	stream.linear.gather [hbm4b:s9+s4], $0x1400, $0x38;
	[tilespmem:$0x1E800] =	vst v63  }
0x1b: {  	_ =	swait.ge [sflag:s15], $0x1400  }
0x1c: {  	[sflag:s15] =	ssyncset.done $0x0  }
0x1d: {  	[sflag:s15] =	ssyncadd.s32 $0xFFFFEC00  }
0x1e: {  	[tilespmem:s18], [sflag:$0x1] =	stream.indirect.gather [hbm4b:s2+s17], $0x80, s4, s17, $0xb8;
	[tilespmem:$0x1E800] =	vst v63  }
0x1f: {  	_ = 	snop  }
0x20: {  	[tilespmem:s19], [sflag:$0x2] =	stream.indirect.gather [hbm4b:s2+s17], $0x80, s17, s17, $0xb8;
	[tilespmem:$0x1E800] =	vst v63  }
0x21: {  	_ =	swait.ge [sflag:s20], $0x2800  }
0x22: {  	[sflag:s20] =	ssyncset.done $0x0  }
0x23: {  	[sflag:s20] =	ssyncadd.s32 $0xFFFFD800  }
0x24: {  	[bflag:$0x0] =	sbarrier.arrive $0xFFFF  }
0x25: {  	_ =	swait.ge [sflag:s21], $0x4000  }
0x26: {  	[sflag:s21] =	ssyncset.done $0x0  }
0x27: {  	s26 =	simm.s32 $0x1400;
	[sflag:s21] =	ssyncadd.s32 $0xFFFFC000  }
0x28: {  	[spmem:s3] =	stream.indirect.scatter.add.f32 [tilespmem:s18], [sflag:$0x4], $0x80, s26, s17, $0xb8;
	[tilespmem:$0x1E800] =	vst v63  }
0x29: {  	_ =	swait.ge [sflag:s15], $0x4000  }
0x2a: {  	[sflag:s15] =	ssyncset.done $0x0  }
0x2b: {  	s30 =	simm.s32 $0x100;
	[sflag:s15] =	ssyncadd.s32 $0xFFFFC000  }
0x2c: {  	[tilespmem:s18], [sflag:$0x1] =	stream.indirect.gather [hbm4b:s2+s17], $0x80, s30, s17, $0xb8;
	[tilespmem:$0x1E800] =	vst v63  }
0x2d: {  	_ =	swait.ge [sflag:s22], $0x4000  }
0x2e: {  	[sflag:s22] =	ssyncset.done $0x0  }
0x2f: {  	s31 =	simm.s32 $0x1480;
	[sflag:s22] =	ssyncadd.s32 $0xFFFFC000  }
0x30: {  	[spmem:s3] =	stream.indirect.scatter.add.f32 [tilespmem:s19], [sflag:$0x4], $0x80, s31, s17, $0xb8;
	[tilespmem:$0x1E800] =	vst v63  }
0x31: {  	_ =	swait.ge [sflag:s15], $0x4000  }
0x32: {  	[sflag:s15] =	ssyncset.done $0x0  }
0x33: {  	s28 =	simm.s32 $0x180;
	s26 =	simm.s32 $0x400;
	[sflag:s15] =	ssyncadd.s32 $0xFFFFC000  }
.LBB2_2:
0x34: {  	[tilespmem:s19], [sflag:$0x2] =	stream.indirect.gather [hbm4b:s2+s17], $0x80, s28, s17, $0xb8;
	[tilespmem:$0x1E800] =	vst v63  }
0x35: {  	s28 =	smov.u32 s26  }
0x36: {  	p0 =	sne.s32 s26, $0x4800;
	s26 =	sadd.s32 $0x400, s26;
	_ =	swait.ge [sflag:s21], $0x4000  }
0x37: {  	s28 =	sshra.s32 s28, $0x2;
	[sflag:s21] =	ssyncset.done $0x0  }
0x38: {  	s29 =	sadd.s32 $0x1400, s28;
	[sflag:s21] =	ssyncadd.s32 $0xFFFFC000  }
0x39: {  	[spmem:s3] =	stream.indirect.scatter.add.f32 [tilespmem:s18], [sflag:$0x4], $0x80, s29, s17, $0xb8;
	[tilespmem:$0x1E800] =	vst v63  }
0x3a: {  	_ =	swait.ge [sflag:s15], $0x4000  }
0x3b: {  	[sflag:s15] =	ssyncset.done $0x0  }
0x3c: {  	s29 =	sadd.s32 $0x100, s28;
	[sflag:s15] =	ssyncadd.s32 $0xFFFFC000  }
0x3d: {  	[tilespmem:s18], [sflag:$0x1] =	stream.indirect.gather [hbm4b:s2+s17], $0x80, s29, s17, $0xb8;
	[tilespmem:$0x1E800] =	vst v63  }
0x3e: {  	_ =	swait.ge [sflag:s22], $0x4000  }
0x3f: {  	[sflag:s22] =	ssyncset.done $0x0  }
.Ltmp0:
0x40: {  	s29 =	sadd.s32 $0x1480, s28;
	[sflag:s22] =	ssyncadd.s32 $0xFFFFC000;
	(pc) =	sbr.rel @p0 .LBB2_2-.Ltmp0, $4  }
0x41: {  	[spmem:s3] =	stream.indirect.scatter.add.f32 [tilespmem:s19], [sflag:$0x4], $0x80, s29, s17, $0xb8;
	[tilespmem:$0x1E800] =	vst v63  }
0x42: {  	_ =	swait.ge [sflag:s15], $0x4000  }
0x43: {  	[sflag:s15] =	ssyncset.done $0x0  }
0x44: {  	s28 =	sadd.s32 $0x180, s28;
	[sflag:s15] =	ssyncadd.s32 $0xFFFFC000  }
0x45: {  	[tilespmem:s19], [sflag:$0x2] =	stream.indirect.gather [hbm4b:s2+s17], $0x80, s28, s17, $0xb8;
	[tilespmem:$0x1E800] =	vst v63  }
0x46: {  	_ =	swait.ge [sflag:s21], $0x4000  }
0x47: {  	[sflag:s21] =	ssyncset.done $0x0  }
0x48: {  	[sflag:s21] =	ssyncadd.s32 $0xFFFFC000  }
0x49: {  	[spmem:s3] =	stream.indirect.scatter.add.f32 [tilespmem:s18], [sflag:$0x4], $0x80, s23, s17, $0xb8;
	[tilespmem:$0x1E800] =	vst v63  }
0x4a: {  	_ =	swait.ge [sflag:s15], $0x4000  }
0x4b: {  	[sflag:s15] =	ssyncset.done $0x0  }
0x4c: {  	[sflag:s15] =	ssyncadd.s32 $0xFFFFC000  }
0x4d: {  	_ =	swait.ge [sflag:s22], $0x4000  }
0x4e: {  	[sflag:s22] =	ssyncset.done $0x0  }
0x4f: {  	[sflag:s22] =	ssyncadd.s32 $0xFFFFC000  }
0x50: {  	[spmem:s3] =	stream.indirect.scatter.add.f32 [tilespmem:s19], [sflag:$0x4], $0x80, s24, s17, $0xb8;
	[tilespmem:$0x1E800] =	vst v63  }
0x51: {  	_ =	swait.ge [sflag:s15], $0x4000  }
0x52: {  	[sflag:s15] =	ssyncset.done $0x0  }
0x53: {  	s26 =	simm.s32 $0x0;
	[sflag:s15] =	ssyncadd.s32 $0xFFFFC000  }
0x54: {  	[tilespmem:s26], [sflag:$0x4] =	stream.linear.gather [hbm4b:s10+s26], $0x1400, $0x38;
	[tilespmem:$0x1E800] =	vst v63  }
0x55: {  	_ =	swait.ge [sflag:s15], $0x1400  }
0x56: {  	[sflag:s15] =	ssyncset.done $0x0  }
0x57: {  	[sflag:s15] =	ssyncadd.s32 $0xFFFFEC00  }
0x58: {  	[tilespmem:s16], [sflag:$0x4] =	stream.linear.gather [hbm4b:s11+s26], $0x1400, $0x38;
	[tilespmem:$0x1E800] =	vst v63  }
0x59: {  	_ =	swait.ge [sflag:s15], $0x1400  }
0x5a: {  	[sflag:s15] =	ssyncset.done $0x0  }
0x5b: {  	[sflag:s15] =	ssyncadd.s32 $0xFFFFEC00  }
0x5c: {  	[tilespmem:s18], [sflag:$0x1] =	stream.indirect.gather [hbm4b:s2+s17], $0x80, s26, s17, $0xb8;
	[tilespmem:$0x1E800] =	vst v63  }
0x5d: {  	_ = 	snop  }
0x5e: {  	[tilespmem:s19], [sflag:$0x2] =	stream.indirect.gather [hbm4b:s2+s17], $0x80, s17, s17, $0xb8;
	[tilespmem:$0x1E800] =	vst v63  }
0x5f: {  	_ =	swait.ge [sflag:s21], $0x4000  }
0x60: {  	[sflag:s21] =	ssyncset.done $0x0  }
0x61: {  	s29 =	simm.s32 $0x1400;
	[sflag:s21] =	ssyncadd.s32 $0xFFFFC000  }
0x62: {  	[spmem:s3] =	stream.indirect.scatter.add.f32 [tilespmem:s18], [sflag:$0x4], $0x80, s29, s17, $0xb8;
	[tilespmem:$0x1E800] =	vst v63  }
0x63: {  	_ =	swait.ge [sflag:s15], $0x4000  }
0x64: {  	[sflag:s15] =	ssyncset.done $0x0  }
0x65: {  	s30 =	simm.s32 $0x100;
	[sflag:s15] =	ssyncadd.s32 $0xFFFFC000  }
0x66: {  	[tilespmem:s18], [sflag:$0x1] =	stream.indirect.gather [hbm4b:s2+s17], $0x80, s30, s17, $0xb8;
	[tilespmem:$0x1E800] =	vst v63  }
0x67: {  	_ =	swait.ge [sflag:s22], $0x4000  }
0x68: {  	[sflag:s22] =	ssyncset.done $0x0  }
0x69: {  	s31 =	simm.s32 $0x1480;
	[sflag:s22] =	ssyncadd.s32 $0xFFFFC000  }
0x6a: {  	[spmem:s3] =	stream.indirect.scatter.add.f32 [tilespmem:s19], [sflag:$0x4], $0x80, s31, s17, $0xb8;
	[tilespmem:$0x1E800] =	vst v63  }
0x6b: {  	_ =	swait.ge [sflag:s15], $0x4000  }
0x6c: {  	[sflag:s15] =	ssyncset.done $0x0  }
0x6d: {  	s28 =	simm.s32 $0x180;
	s26 =	simm.s32 $0x400;
	[sflag:s15] =	ssyncadd.s32 $0xFFFFC000  }
.LBB2_4:
0x6e: {  	[tilespmem:s19], [sflag:$0x2] =	stream.indirect.gather [hbm4b:s2+s17], $0x80, s28, s17, $0xb8;
	[tilespmem:$0x1E800] =	vst v63  }
0x6f: {  	s28 =	smov.u32 s26  }
0x70: {  	p0 =	sne.s32 s26, $0x4800;
	s26 =	sadd.s32 $0x400, s26;
	_ =	swait.ge [sflag:s21], $0x4000  }
0x71: {  	s28 =	sshra.s32 s28, $0x2;
	[sflag:s21] =	ssyncset.done $0x0  }
0x72: {  	s29 =	sadd.s32 $0x1400, s28;
	[sflag:s21] =	ssyncadd.s32 $0xFFFFC000  }
0x73: {  	[spmem:s3] =	stream.indirect.scatter.add.f32 [tilespmem:s18], [sflag:$0x4], $0x80, s29, s17, $0xb8;
	[tilespmem:$0x1E800] =	vst v63  }
0x74: {  	_ =	swait.ge [sflag:s15], $0x4000  }
0x75: {  	[sflag:s15] =	ssyncset.done $0x0  }
0x76: {  	s29 =	sadd.s32 $0x100, s28;
	[sflag:s15] =	ssyncadd.s32 $0xFFFFC000  }
0x77: {  	[tilespmem:s18], [sflag:$0x1] =	stream.indirect.gather [hbm4b:s2+s17], $0x80, s29, s17, $0xb8;
	[tilespmem:$0x1E800] =	vst v63  }
0x78: {  	_ =	swait.ge [sflag:s22], $0x4000  }
0x79: {  	[sflag:s22] =	ssyncset.done $0x0  }
.Ltmp1:
0x7a: {  	s29 =	sadd.s32 $0x1480, s28;
	[sflag:s22] =	ssyncadd.s32 $0xFFFFC000;
	(pc) =	sbr.rel @p0 .LBB2_4-.Ltmp1, $4  }
0x7b: {  	[spmem:s3] =	stream.indirect.scatter.add.f32 [tilespmem:s19], [sflag:$0x4], $0x80, s29, s17, $0xb8;
	[tilespmem:$0x1E800] =	vst v63  }
0x7c: {  	_ =	swait.ge [sflag:s15], $0x4000  }
0x7d: {  	[sflag:s15] =	ssyncset.done $0x0  }
0x7e: {  	s28 =	sadd.s32 $0x180, s28;
	[sflag:s15] =	ssyncadd.s32 $0xFFFFC000  }
0x7f: {  	[tilespmem:s19], [sflag:$0x2] =	stream.indirect.gather [hbm4b:s2+s17], $0x80, s28, s17, $0xb8;
	[tilespmem:$0x1E800] =	vst v63  }
0x80: {  	_ =	swait.ge [sflag:s21], $0x4000  }
0x81: {  	[sflag:s21] =	ssyncset.done $0x0  }
0x82: {  	[sflag:s21] =	ssyncadd.s32 $0xFFFFC000  }
0x83: {  	[spmem:s3] =	stream.indirect.scatter.add.f32 [tilespmem:s18], [sflag:$0x4], $0x80, s23, s17, $0xb8;
	[tilespmem:$0x1E800] =	vst v63  }
0x84: {  	_ =	swait.ge [sflag:s15], $0x4000  }
0x85: {  	[sflag:s15] =	ssyncset.done $0x0  }
0x86: {  	[sflag:s15] =	ssyncadd.s32 $0xFFFFC000  }
0x87: {  	_ =	swait.ge [sflag:s22], $0x4000  }
0x88: {  	[sflag:s22] =	ssyncset.done $0x0  }
0x89: {  	[sflag:s22] =	ssyncadd.s32 $0xFFFFC000  }
0x8a: {  	[spmem:s3] =	stream.indirect.scatter.add.f32 [tilespmem:s19], [sflag:$0x4], $0x80, s24, s17, $0xb8;
	[tilespmem:$0x1E800] =	vst v63  }
0x8b: {  	_ =	swait.ge [sflag:s15], $0x4000  }
0x8c: {  	s25 =	sadd.s32 $0x1, s25;
	[sflag:s15] =	ssyncset.done $0x0  }
0x8d: {  	p0 =	sne.s32 s25, s13;
	[sflag:s15] =	ssyncadd.s32 $0xFFFFC000  }
.Ltmp2:
0x8e: {  	s26 =	sor.u32 $0x1C04, s5;
	[bflag:$0x0] =	sbarrier.arrive $0xFFFF;
	(pc) =	sbr.rel @p0 .LBB2_1-.Ltmp2, $4  }
0x8f: {  	[hbm:s12], [sflag:s26] =	dma.local [spmem:s14], $0x2800  }
0x90: {  	_ =	swait.ge [sflag:s15], $0x2800  }
0x91: {  	[sflag:s15] =	ssyncset.done $0x0  }
0x92: {  	[sflag:s15] =	ssyncadd.s32 $0xFFFFD800  }
0x93: {  	_ =	sfence.sel $0x180000  }
0x94: {  	[bflag:$0x0] =	sbarrier.arrive $0xFFFF  }
0x95: {  	p0 =	sne.s32 s1, $0x0;
	_ =	strace $0x90000047  }
0x96: {  	s0 =	sadd.s32 @!p0 $0x100000, s0;
	[bflag:$0x2] =	sbarrier.arrive $0xFFFF  }
0x97: {  	[sflag:s0] =	ssyncadd.tile.s32 @!p0 $0x1;
	_ =	shalt  }
.Lfunc_end2:
_tile_overlayer_lowered:
.L_overlay_start_2:
0x98: {  	(tag) =	ssettag $0x2  }
0x99: {  	s0 =	rddreg [dreg:$0x0];
	s2 =	stileid.u32  }
0x9a: {  	s1 =	rddreg [dreg:$0x1];
	p0 =	sne.s32 s2, $0x0  }
0x9b: {  	s3 =	rddreg [dreg:$0x2];
	[bflag:$0x3] =	sbarrier.arrive $0xFFFF;
	s2 =	simm.s32 @!p0 $0x1C04  }
0x9c: {  	[timem:s3], [sflag:s2] =	dma.local @!p0 [hbm:s0], s1  }
0x9d: {  	s0 =	simm.s32 @!p0 $0x4  }
0x9e: {  	_ =	swait.ge @!p0 [sflag:s0], s1  }
0x9f: {  	s1 =	ssub.s32 @!p0 $0x0, s1;
	[sflag:s0] =	ssyncset.done @!p0 $0x0  }
0xa0: {  	[sflag:s0] =	ssyncadd.s32 @!p0 s1  }
0xa1: {  	[bflag:$0x3] =	sbarrier.arrive $0xFFFF  }
0xa2: {  	_ =	shalt  }

</sc_bundles>
